<compile_context>
chip_gen: v7x
topology: tpu7x:2x2x1
jax: 0.10.2.dev20260603
libtpu: 0.0.44.dev20260713+nightly
codegen_flags: <defaults>
</compile_context>

<pallas_src>
import functools

import jax
import jax.numpy as jnp
from jax import lax
from jax.experimental import pallas as pl
from jax.experimental.pallas import tpu as pltpu
from jax.experimental.pallas import tpu_sc as plsc

_NUM_CORES = 2
_NUM_SUBCORES = 16
_NW = _NUM_CORES * _NUM_SUBCORES
_CHUNK = 128
_BLK = 2048
_HALVES = 1


def _sc_gather(emb, nbr_idx, center_idx=None):
    t_total = nbr_idx.shape[0]
    d = emb.shape[1]
    per_w = t_total // _NW
    n_chunks = per_w // _CHUNK
    idx3 = nbr_idx.reshape(_NW, n_chunks, _CHUNK)
    do_ctr = center_idx is not None
    n_ctr = center_idx.shape[0] if do_ctr else 0

    mesh = plsc.VectorSubcoreMesh(core_axis_name="c", subcore_axis_name="s",
                                  num_cores=_NUM_CORES,
                                  num_subcores=_NUM_SUBCORES)

    nbuf = min(3, n_chunks)
    out_type = [jax.ShapeDtypeStruct((t_total, d // 2), jnp.uint32)]
    scratch = (
        [pltpu.VMEM((n_chunks, _CHUNK), jnp.int32)]
        + [pltpu.VMEM((_CHUNK, d), jnp.uint32) for _ in range(nbuf)]
        + [pltpu.VMEM((_CHUNK, d // 2), jnp.uint32) for _ in range(nbuf)]
        + [pltpu.SemaphoreType.DMA for _ in range(2 * nbuf)]
    )
    if do_ctr:
        out_type.append(jax.ShapeDtypeStruct((n_ctr, d), jnp.uint32))
        scratch = scratch + [
            pltpu.VMEM((n_ctr,), jnp.int32),
            pltpu.VMEM((n_ctr, d), jnp.uint32),
            pltpu.SemaphoreType.DMA,
        ]

    @functools.partial(
        pl.kernel, mesh=mesh, out_type=tuple(out_type),
        scratch_types=scratch,
    )
    def gather_kernel(emb_hbm, idx_hbm, *rest):
        if do_ctr:
            ctr_idx_hbm = rest[0]
            out_hbm, ctr_out_hbm = rest[1], rest[2]
            rest = rest[3:]
        else:
            out_hbm = rest[0]
            rest = rest[1:]
        idx_v = rest[0]
        bufs = rest[1:1 + nbuf]
        obufs = rest[1 + nbuf:1 + 2 * nbuf]
        gsems = rest[1 + 2 * nbuf:1 + 3 * nbuf]
        osems = rest[1 + 3 * nbuf:1 + 4 * nbuf]
        if do_ctr:
            ctr_idx_v, ctr_rows, sem_c = rest[1 + 4 * nbuf:]
        wid = lax.axis_index("s") * _NUM_CORES + lax.axis_index("c")
        base = wid * per_w

        def convert(src, dst):
            def row(r, carry):
                for c in range(d // 32):
                    a = src[r, pl.ds(32 * c, 16)]
                    b = src[r, pl.ds(32 * c + 16, 16)]
                    ar = (a + jnp.uint32(0x7FFF) +
                          ((a >> 16) & jnp.uint32(1))) >> 16
                    br = (b + jnp.uint32(0x7FFF) +
                          ((b >> 16) & jnp.uint32(1))) >> 16
                    dst[r, pl.ds(16 * c, 16)] = (br << 16) | ar
                return carry
            lax.fori_loop(0, _CHUNK, row, 0)

        pltpu.sync_copy(idx_hbm.at[wid], idx_v)
        gh = [None] * n_chunks
        oh = [None] * n_chunks
        for j in range(nbuf):
            gh[j] = pltpu.async_copy(
                emb_hbm.at[idx_v.at[j]], bufs[j], gsems[j])
        for j in range(n_chunks):
            s = j % nbuf
            gh[j].wait()
            if j >= nbuf:
                oh[j - nbuf].wait()
            convert(bufs[s], obufs[s])
            oh[j] = pltpu.async_copy(
                obufs[s], out_hbm.at[pl.ds(base + j * _CHUNK, _CHUNK)],
                osems[s])
            nxt = j + nbuf
            if nxt < n_chunks:
                gh[nxt] = pltpu.async_copy(
                    emb_hbm.at[idx_v.at[nxt]], bufs[s], gsems[s])
        for j in range(max(0, n_chunks - nbuf), n_chunks):
            oh[j].wait()

        if do_ctr:
            @pl.when(wid == 0)
            def _():
                pltpu.sync_copy(ctr_idx_hbm, ctr_idx_v)
                pltpu.async_copy(emb_hbm.at[ctr_idx_v], ctr_rows, sem_c).wait()
                pltpu.sync_copy(ctr_rows, ctr_out_hbm)

    if do_ctr:
        return gather_kernel(emb, idx3, center_idx)
    res = gather_kernel(emb, idx3)
    return res[0] if isinstance(res, (tuple, list)) else res


def _dg(a, b, dims):
    return lax.dot_general(a, b, (dims, ((), ())),
                           preferred_element_type=jnp.float32)


def _tc_mlp(gathered, ctr_rows, ef32, seg_cols,
            w1a2a, w1a2b, w1blo2a, w1bhi2a, w1blo2b, w1bhi2b,
            w1cab, b1m, w2two, b2r, p0):
    t_half, d_w = gathered.shape
    d = 2 * d_w
    n_ctr = ctr_rows.shape[0]
    blk, nb_total = seg_cols.shape
    nb_h = t_half // blk
    nsteps = nb_h // 2

    def body(g_ref, c_ref, ef_ref, seg_ref,
             w1a2a_ref, w1a2b_ref,
             w1blo2a_ref, w1bhi2a_ref, w1blo2b_ref, w1bhi2b_ref,
             w1cab_ref, b1m_ref, w2two_ref, b2_ref, out_ref):
        i = pl.program_id(0)
        sel32 = (lax.broadcasted_iota(jnp.int32, (nb_total, 2 * n_ctr), 0) ==
                 p0 + 2 * i +
                 (lax.broadcasted_iota(jnp.int32, (nb_total, 2 * n_ctr), 1)
                  // n_ctr)).astype(jnp.float32)
        segsel = _dg(seg_ref[...], sel32, (((1,), (0,))))
        modrow = (lax.broadcasted_iota(jnp.int32, (1, 2 * n_ctr), 1)
                  % n_ctr).astype(jnp.float32)
        oh2 = (segsel == modrow).astype(jnp.float32)

        ctr = c_ref[...]
        cmab = jnp.concatenate([
            _dg(ctr, w1a2a_ref[...], (((1,), (0,)))),
            _dg(ctr, w1a2b_ref[...], (((1,), (0,)))),
        ], axis=0) + b1m_ref[...]

        g = g_ref[...]
        glo = lax.bitcast_convert_type(g << 16, jnp.float32)
        ghi = lax.bitcast_convert_type(g & jnp.uint32(0xFFFF0000),
                                       jnp.float32)
        ef2 = ef_ref[0]
        pre = _dg(glo[:blk], w1blo2a_ref[...], (((1,), (0,))))
        pre += _dg(ghi[:blk], w1bhi2a_ref[...], (((1,), (0,))))
        pre += _dg(glo[blk:], w1blo2b_ref[...], (((1,), (0,))))
        pre += _dg(ghi[blk:], w1bhi2b_ref[...], (((1,), (0,))))
        pre += _dg(ef2, w1cab_ref[...], (((0,), (0,))))
        pre += _dg(oh2, cmab, (((1,), (0,))))
        h = jnp.maximum(pre, 0.0)
        pair = _dg(h, w2two_ref[...], (((1,), (0,))))
        scat16 = (lax.broadcasted_iota(jnp.int32, (2, nb_h), 1) ==
                  2 * i + lax.broadcasted_iota(jnp.int32, (2, nb_h), 0)
                  ).astype(jnp.float32)
        scat = _dg(pair, scat16, (((1,), (0,))))

        @pl.when(i == 0)
        def _():
            out_ref[...] = scat + b2_ref[...]

        @pl.when(i > 0)
        def _():
            out_ref[...] += scat

    pair0 = p0 // 2
    return pl.pallas_call(
        body,
        grid=(nsteps,),
        in_specs=[
            pl.BlockSpec((2 * blk, d_w), lambda i: (i, 0)),
            pl.BlockSpec((n_ctr, d), lambda i: (0, 0)),
            pl.BlockSpec((1, 2 * 16, blk), lambda i, o=pair0: (i + o, 0, 0)),
            pl.BlockSpec((blk, nb_total), lambda i: (0, 0)),
            pl.BlockSpec((d, 2 * 64), lambda i: (0, 0)),
            pl.BlockSpec((d, 2 * 64), lambda i: (0, 0)),
            pl.BlockSpec((d_w, 2 * 64), lambda i: (0, 0)),
            pl.BlockSpec((d_w, 2 * 64), lambda i: (0, 0)),
            pl.BlockSpec((d_w, 2 * 64), lambda i: (0, 0)),
            pl.BlockSpec((d_w, 2 * 64), lambda i: (0, 0)),
            pl.BlockSpec((2 * 16, 2 * 64), lambda i: (0, 0)),
            pl.BlockSpec((2 * n_ctr, 2 * 64), lambda i: (0, 0)),
            pl.BlockSpec((2 * 64, 2), lambda i: (0, 0)),
            pl.BlockSpec((1, 1), lambda i: (0, 0)),
        ],
        out_specs=pl.BlockSpec((blk, nb_h), lambda i: (0, 0)),
        out_shape=jax.ShapeDtypeStruct((blk, nb_h), jnp.float32),
    )(gathered, ctr_rows, ef32, seg_cols,
      w1a2a, w1a2b, w1blo2a, w1bhi2a, w1blo2b, w1bhi2b,
      w1cab, b1m, w2two, b2r)


def kernel(emb, center_idx, neighbor_idx, edge_feats, segment_ids,
           W1, b1, W2, b2):
    center_idx = center_idx.astype(jnp.int32)
    t_total = neighbor_idx.shape[0]
    d = emb.shape[1]
    d_mid = W1.shape[1]
    nb = t_total // _BLK
    t_half = t_total // _HALVES
    nb_h = nb // _HALVES

    w1a, w1b, w1c = W1[:d], W1[d:2 * d], W1[2 * d:]
    lo_feats = [32 * c + k for c in range(d // 32) for k in range(16)]
    hi_feats = [32 * c + 16 + k for c in range(d // 32) for k in range(16)]
    w1blo = w1b[jnp.array(lo_feats, dtype=jnp.int32), :]
    w1bhi = w1b[jnp.array(hi_feats, dtype=jnp.int32), :]
    z = jnp.zeros_like
    pad_r = lambda w: jnp.concatenate([w, z(w)], axis=1)
    pad_l = lambda w: jnp.concatenate([z(w), w], axis=1)
    w2two = jnp.zeros((2 * d_mid, 2), jnp.float32)
    w2two = w2two.at[:d_mid, 0].set(W2[:, 0]).at[d_mid:, 1].set(W2[:, 0])
    w1cab = jnp.concatenate([pad_r(w1c), pad_l(w1c)], axis=0)
    b1a = jnp.concatenate([b1, jnp.zeros_like(b1)]).reshape(1, 2 * d_mid)
    b1b = jnp.concatenate([jnp.zeros_like(b1), b1]).reshape(1, 2 * d_mid)
    n_ctr = center_idx.shape[0]
    b1m = jnp.concatenate([jnp.broadcast_to(b1a, (n_ctr, 2 * d_mid)),
                           jnp.broadcast_to(b1b, (n_ctr, 2 * d_mid))], axis=0)
    seg_cols = segment_ids.reshape(nb, _BLK).T.astype(jnp.float32)
    b2r = b2.reshape(1, 1)

    ef_t = edge_feats.T
    d_e = edge_feats.shape[1]
    s_total = t_total // (2 * _BLK)
    ef32 = (ef_t.reshape(d_e, s_total, 2, _BLK)
            .transpose(1, 2, 0, 3).reshape(s_total, 2 * d_e, _BLK))

    emb_u = lax.bitcast_convert_type(emb, jnp.uint32)
    gathered = []
    ctr_rows = None
    for h in range(_HALVES):
        sl = neighbor_idx[h * t_half:(h + 1) * t_half]
        if h == 0:
            g0, ctr_u = _sc_gather(emb_u, sl, center_idx)
            ctr_rows = lax.bitcast_convert_type(ctr_u, jnp.float32)
            gathered.append(g0)
        else:
            gathered.append(_sc_gather(emb_u, sl))

    outs = []
    for h in range(_HALVES):
        outs.append(_tc_mlp(
            gathered[h], ctr_rows, ef32, seg_cols,
            pad_r(w1a), pad_l(w1a),
            pad_r(w1blo), pad_r(w1bhi), pad_l(w1blo), pad_l(w1bhi),
            w1cab, b1m, w2two, b2r,
            p0=h * nb_h))
    out = outs[0] if _HALVES == 1 else jnp.concatenate(outs, axis=1)
    return out.T.reshape(t_total)

# --- scband reference (transcript-rebuilt; emitter-appended) ---
"""Pipeline reference for scband-policy-head-8014408974365 (READ-ONLY COPY).

The authoritative reference and input builder live on the scoring server;
editing this copy changes nothing except your own understanding.
"""

import jax, jax.numpy as jnp
import numpy as np

N, D_IN, D_E, D_MID = 100000, 128, 16, 64
B, T = 16, 32768


def setup_inputs(seed: int = 0) -> dict:
    key = jax.random.key(seed)
    ks = jax.random.split(key, 8)
    emb = jax.random.normal(ks[0], (N, D_IN), dtype=jnp.float32)
    center_idx = jax.random.randint(ks[1], (B,), 0, N, dtype=jnp.int64) if jax.config.jax_enable_x64 else jax.random.randint(ks[1], (B,), 0, N, dtype=jnp.int32)
    neighbor_idx = jax.random.randint(ks[2], (T,), 0, N, dtype=jnp.int32)
    edge_feats = jax.random.normal(ks[3], (T, D_E), dtype=jnp.float32)
    segment_ids = jnp.sort(jax.random.randint(ks[4], (T,), 0, B, dtype=jnp.int32))
    W1 = jax.random.normal(ks[5], (2 * D_IN + D_E, D_MID), dtype=jnp.float32) * 0.05
    b1 = jnp.zeros((D_MID,), dtype=jnp.float32)
    W2 = jax.random.normal(ks[6], (D_MID, 1), dtype=jnp.float32) * 0.05
    b2 = jnp.zeros((1,), dtype=jnp.float32)
    return {"emb": emb, "center_idx": center_idx, "neighbor_idx": neighbor_idx, "edge_feats": edge_feats, "segment_ids": segment_ids, "W1": W1, "b1": b1, "W2": W2, "b2": b2}


def reference(emb, center_idx, neighbor_idx, edge_feats, segment_ids, W1, b1, W2, b2):
    # Flattened/ragged equivalent of the per-center python loop:
    # for each flat neighbor slot t belonging to ragged group g = segment_ids[t],
    # the row is cat([emb[center_idx[g]], emb[neighbor_idx[t]], edge_feats[t]]).
    ctr_per_edge = jnp.take(center_idx, segment_ids, axis=0)
    ctr_emb = jnp.take(emb, ctr_per_edge, axis=0)
    nbr_emb = jnp.take(emb, neighbor_idx, axis=0)
    x = jnp.concatenate([ctr_emb, nbr_emb, edge_feats], axis=-1)
    h = jax.nn.relu(x @ W1 + b1)
    logits = (h @ W2 + b2)[:, 0]
    # logits is the concatenation of the per-center logits lists (ragged -> flat)
    return logits

if __name__ == "__main__":
    import jax
    _d = setup_inputs()
    print(jax.jit(kernel)(*tuple(_d.values())))

</pallas_src>

<mosaic_0001>
#map = affine_map<(d0, d1) -> (0, 0)>
#map1 = affine_map<(d0, d1) -> (0, 0, 0)>
#map2 = affine_map<(d0, d1) -> (0)>
module attributes {stable_mosaic.version = 14 : i64} {
  func.func @gather_kernel(%arg0: i32, %arg1: i32, %arg2: memref<100000x128xi32, #tpu.memory_space<hbm>>, %arg3: memref<32x8x128xi32, #tpu.memory_space<hbm>>, %arg4: memref<16xi32, #tpu.memory_space<hbm>>, %arg5: memref<32768x64xi32, #tpu.memory_space<hbm>>, %arg6: memref<16x128xi32, #tpu.memory_space<hbm>>, %arg7: memref<8x128xi32, #tpu.memory_space<vmem>>, %arg8: memref<128x128xi32, #tpu.memory_space<vmem>>, %arg9: memref<128x128xi32, #tpu.memory_space<vmem>>, %arg10: memref<128x128xi32, #tpu.memory_space<vmem>>, %arg11: memref<128x64xi32, #tpu.memory_space<vmem>>, %arg12: memref<128x64xi32, #tpu.memory_space<vmem>>, %arg13: memref<128x64xi32, #tpu.memory_space<vmem>>, %arg14: memref<!tpu.dma_semaphore, #tpu.memory_space<semaphore_mem>>, %arg15: memref<!tpu.dma_semaphore, #tpu.memory_space<semaphore_mem>>, %arg16: memref<!tpu.dma_semaphore, #tpu.memory_space<semaphore_mem>>, %arg17: memref<!tpu.dma_semaphore, #tpu.memory_space<semaphore_mem>>, %arg18: memref<!tpu.dma_semaphore, #tpu.memory_space<semaphore_mem>>, %arg19: memref<!tpu.dma_semaphore, #tpu.memory_space<semaphore_mem>>, %arg20: memref<16xi32, #tpu.memory_space<vmem>>, %arg21: memref<16x128xi32, #tpu.memory_space<vmem>>, %arg22: memref<!tpu.dma_semaphore, #tpu.memory_space<semaphore_mem>>) attributes {dimension_semantics = [#tpu.dimension_semantics<core_parallel>, #tpu.dimension_semantics<subcore_parallel>], iteration_bounds = array<i64: 2, 16>, scalar_prefetch = 0 : i64, scratch_operands = 16 : i64, tpu.core_type = #tpu.core_type<sc_vector_subcore>, window_params = [{transform_indices = #map}, {transform_indices = #map1}, {transform_indices = #map2}, {transform_indices = #map}, {transform_indices = #map}]} {
    %mul3A = arith.constant 2 : i32
    %mul3A_0 = arith.muli %arg1, %mul3A : i32
    %add3A = arith.addi %mul3A_0, %arg0 : i32
    %mul3A_1 = arith.constant 1024 : i32
    %mul3A_2 = arith.muli %add3A, %mul3A_1 : i32
    "tpu.region"() ({
      %run_scoped3A = tpu.sem_alloc : memref<!tpu.dma_semaphore, #tpu.memory_space<semaphore_mem>>
      %dma_start3A_242 = arith.constant 0 : i32
      %dma_start3A_243 = arith.constant 0 : i32
      %dma_start3A_244 = tpu.memref_slice %arg3[%add3A, %dma_start3A_242, %dma_start3A_243] : memref<32x8x128xi32, #tpu.memory_space<hbm>> -> memref<1x8x128xi32, #tpu.memory_space<hbm>>
      %dma_start3A_245 = tpu.memref_squeeze %dma_start3A_244 : memref<1x8x128xi32, #tpu.memory_space<hbm>> -> memref<8x128xi32, #tpu.memory_space<hbm>>
      %dma_start3A_246 = arith.constant 0 : i32
      %dma_start3A_247 = arith.constant 0 : i32
      %dma_start3A_248 = tpu.memref_slice %arg3[%add3A, %dma_start3A_246, %dma_start3A_247] : memref<32x8x128xi32, #tpu.memory_space<hbm>> -> memref<1x8x128xi32, #tpu.memory_space<hbm>>
      %dma_start3A_249 = tpu.memref_squeeze %dma_start3A_248 : memref<1x8x128xi32, #tpu.memory_space<hbm>> -> memref<8x128xi32, #tpu.memory_space<hbm>>
      tpu.enqueue_dma source(%dma_start3A_249 : memref<8x128xi32, #tpu.memory_space<hbm>>) target(%arg7 : memref<8x128xi32, #tpu.memory_space<vmem>>) target_semaphore(%run_scoped3A : memref<!tpu.dma_semaphore, #tpu.memory_space<semaphore_mem>>)
      %dma_wait3A_250 = arith.constant 0 : i32
      %dma_wait3A_251 = arith.constant 0 : i32
      %dma_wait3A_252 = tpu.memref_slice %arg3[%add3A, %dma_wait3A_250, %dma_wait3A_251] : memref<32x8x128xi32, #tpu.memory_space<hbm>> -> memref<1x8x128xi32, #tpu.memory_space<hbm>>
      %dma_wait3A_253 = tpu.memref_squeeze %dma_wait3A_252 : memref<1x8x128xi32, #tpu.memory_space<hbm>> -> memref<8x128xi32, #tpu.memory_space<hbm>>
      %dma_wait3A_254 = arith.constant 0 : i32
      %dma_wait3A_255 = arith.constant 0 : i32
      %dma_wait3A_256 = tpu.memref_slice %arg3[%add3A, %dma_wait3A_254, %dma_wait3A_255] : memref<32x8x128xi32, #tpu.memory_space<hbm>> -> memref<1x8x128xi32, #tpu.memory_space<hbm>>
      %dma_wait3A_257 = tpu.memref_squeeze %dma_wait3A_256 : memref<1x8x128xi32, #tpu.memory_space<hbm>> -> memref<8x128xi32, #tpu.memory_space<hbm>>
      tpu.wait_dma2 semaphore(%run_scoped3A : memref<!tpu.dma_semaphore, #tpu.memory_space<semaphore_mem>>) src(%dma_wait3A_257 : memref<8x128xi32, #tpu.memory_space<hbm>>) dst(%arg7 : memref<8x128xi32, #tpu.memory_space<vmem>>)
      tpu.yield
    }) : () -> ()
    %dma_start3A = arith.constant 0 : i32
    %dma_start3A_3 = arith.constant 0 : i32
    %dma_start3A_4 = tpu.memref_slice %arg7[%dma_start3A, %dma_start3A_3] : memref<8x128xi32, #tpu.memory_space<vmem>> -> memref<1x128xi32, #tpu.memory_space<vmem>>
    %dma_start3A_5 = tpu.memref_squeeze %dma_start3A_4 : memref<1x128xi32, #tpu.memory_space<vmem>> -> memref<128xi32, #tpu.memory_space<vmem>>
    %dma_start3A_6 = arith.constant 0 : i32
    %dma_start3A_7 = arith.constant 0 : i32
    %dma_start3A_8 = tpu.memref_slice %arg2[%dma_start3A_6, %dma_start3A_7] : memref<100000x128xi32, #tpu.memory_space<hbm>> -> memref<100000x128xi32, #tpu.memory_space<hbm>>
    tpu.enqueue_indirect_dma source(%dma_start3A_8 : memref<100000x128xi32, #tpu.memory_space<hbm>>) target(%arg8 : memref<128x128xi32, #tpu.memory_space<vmem>>) offsets(%dma_start3A_5 : memref<128xi32, #tpu.memory_space<vmem>>) semaphore(%arg14 : memref<!tpu.dma_semaphore, #tpu.memory_space<semaphore_mem>>)
    %dma_start3A_9 = arith.constant 1 : i32
    %dma_start3A_10 = arith.constant 0 : i32
    %dma_start3A_11 = tpu.memref_slice %arg7[%dma_start3A_9, %dma_start3A_10] : memref<8x128xi32, #tpu.memory_space<vmem>> -> memref<1x128xi32, #tpu.memory_space<vmem>>
    %dma_start3A_12 = tpu.memref_squeeze %dma_start3A_11 : memref<1x128xi32, #tpu.memory_space<vmem>> -> memref<128xi32, #tpu.memory_space<vmem>>
    %dma_start3A_13 = arith.constant 0 : i32
    %dma_start3A_14 = arith.constant 0 : i32
    %dma_start3A_15 = tpu.memref_slice %arg2[%dma_start3A_13, %dma_start3A_14] : memref<100000x128xi32, #tpu.memory_space<hbm>> -> memref<100000x128xi32, #tpu.memory_space<hbm>>
    tpu.enqueue_indirect_dma source(%dma_start3A_15 : memref<100000x128xi32, #tpu.memory_space<hbm>>) target(%arg9 : memref<128x128xi32, #tpu.memory_space<vmem>>) offsets(%dma_start3A_12 : memref<128xi32, #tpu.memory_space<vmem>>) semaphore(%arg15 : memref<!tpu.dma_semaphore, #tpu.memory_space<semaphore_mem>>)
    %dma_start3A_16 = arith.constant 2 : i32
    %dma_start3A_17 = arith.constant 0 : i32
    %dma_start3A_18 = tpu.memref_slice %arg7[%dma_start3A_16, %dma_start3A_17] : memref<8x128xi32, #tpu.memory_space<vmem>> -> memref<1x128xi32, #tpu.memory_space<vmem>>
    %dma_start3A_19 = tpu.memref_squeeze %dma_start3A_18 : memref<1x128xi32, #tpu.memory_space<vmem>> -> memref<128xi32, #tpu.memory_space<vmem>>
    %dma_start3A_20 = arith.constant 0 : i32
    %dma_start3A_21 = arith.constant 0 : i32
    %dma_start3A_22 = tpu.memref_slice %arg2[%dma_start3A_20, %dma_start3A_21] : memref<100000x128xi32, #tpu.memory_space<hbm>> -> memref<100000x128xi32, #tpu.memory_space<hbm>>
    tpu.enqueue_indirect_dma source(%dma_start3A_22 : memref<100000x128xi32, #tpu.memory_space<hbm>>) target(%arg10 : memref<128x128xi32, #tpu.memory_space<vmem>>) offsets(%dma_start3A_19 : memref<128xi32, #tpu.memory_space<vmem>>) semaphore(%arg16 : memref<!tpu.dma_semaphore, #tpu.memory_space<semaphore_mem>>)
    %dma_wait3A = arith.constant 0 : i32
    %dma_wait3A_23 = arith.constant 0 : i32
    %dma_wait3A_24 = tpu.memref_slice %arg7[%dma_wait3A, %dma_wait3A_23] : memref<8x128xi32, #tpu.memory_space<vmem>> -> memref<1x128xi32, #tpu.memory_space<vmem>>
    %dma_wait3A_25 = tpu.memref_squeeze %dma_wait3A_24 : memref<1x128xi32, #tpu.memory_space<vmem>> -> memref<128xi32, #tpu.memory_space<vmem>>
    %dma_wait3A_26 = arith.constant 0 : i32
    %dma_wait3A_27 = arith.constant 0 : i32
    %dma_wait3A_28 = tpu.memref_slice %arg2[%dma_wait3A_26, %dma_wait3A_27] : memref<100000x128xi32, #tpu.memory_space<hbm>> -> memref<100000x128xi32, #tpu.memory_space<hbm>>
    tpu.wait_indirect_dma semaphore(%arg14 : memref<!tpu.dma_semaphore, #tpu.memory_space<semaphore_mem>>) src(%dma_wait3A_28 : memref<100000x128xi32, #tpu.memory_space<hbm>>) dst(%arg8 : memref<128x128xi32, #tpu.memory_space<vmem>>)
    %scan3A = arith.constant 0 : i32
    %scan3A_29 = arith.constant 0 : i32
    %scan3A_30 = arith.constant 128 : i32
    %scan3A_31 = arith.addi %scan3A_29, %scan3A_30 : i32
    %scan3A_32 = arith.constant 1 : i32
    scf.for %scan3A_242 = %scan3A_29 to %scan3A_31 step %scan3A_32  : i32 {
      %get3A = arith.index_cast %scan3A_242 : i32 to index
      %get3A_243 = arith.constant 0 : index
      %get3A_244 = tpu.vector_load %arg8[%get3A, %get3A_243] {strides = array<i32>} : memref<128x128xi32, #tpu.memory_space<vmem>>, vector<1x16xi32>,
      %get3A_245 = vector.shape_cast %get3A_244 : vector<1x16xi32> to vector<16xi32>
      %get3A_246 = arith.index_cast %scan3A_242 : i32 to index
      %get3A_247 = arith.constant 16 : index
      %get3A_248 = tpu.vector_load %arg8[%get3A_246, %get3A_247] {strides = array<i32>} : memref<128x128xi32, #tpu.memory_space<vmem>>, vector<1x16xi32>,
      %get3A_249 = vector.shape_cast %get3A_248 : vector<1x16xi32> to vector<16xi32>
      %add3A_250 = arith.constant 32767 : i32
      %add3A_251 = vector.broadcast %add3A_250 : i32 to vector<16xi32>
      %add3A_252 = arith.addi %get3A_245, %add3A_251 : vector<16xi32>
      %shift_right_logical3A = arith.constant 16 : i32
      %shift_right_logical3A_253 = vector.broadcast %shift_right_logical3A : i32 to vector<16xi32>
      %shift_right_logical3A_254 = arith.shrui %get3A_245, %shift_right_logical3A_253 : vector<16xi32>
      %and3A = arith.constant 1 : i32
      %and3A_255 = vector.broadcast %and3A : i32 to vector<16xi32>
      %and3A_256 = arith.andi %shift_right_logical3A_254, %and3A_255 : vector<16xi32>
      %add3A_257 = arith.addi %add3A_252, %and3A_256 : vector<16xi32>
      %shift_right_logical3A_258 = arith.constant 16 : i32
      %shift_right_logical3A_259 = vector.broadcast %shift_right_logical3A_258 : i32 to vector<16xi32>
      %shift_right_logical3A_260 = arith.shrui %add3A_257, %shift_right_logical3A_259 : vector<16xi32>
      %add3A_261 = arith.constant 32767 : i32
      %add3A_262 = vector.broadcast %add3A_261 : i32 to vector<16xi32>
      %add3A_263 = arith.addi %get3A_249, %add3A_262 : vector<16xi32>
      %shift_right_logical3A_264 = arith.constant 16 : i32
      %shift_right_logical3A_265 = vector.broadcast %shift_right_logical3A_264 : i32 to vector<16xi32>
      %shift_right_logical3A_266 = arith.shrui %get3A_249, %shift_right_logical3A_265 : vector<16xi32>
      %and3A_267 = arith.constant 1 : i32
      %and3A_268 = vector.broadcast %and3A_267 : i32 to vector<16xi32>
      %and3A_269 = arith.andi %shift_right_logical3A_266, %and3A_268 : vector<16xi32>
      %add3A_270 = arith.addi %add3A_263, %and3A_269 : vector<16xi32>
      %shift_right_logical3A_271 = arith.constant 16 : i32
      %shift_right_logical3A_272 = vector.broadcast %shift_right_logical3A_271 : i32 to vector<16xi32>
      %shift_right_logical3A_273 = arith.shrui %add3A_270, %shift_right_logical3A_272 : vector<16xi32>
      %shift_left3A = arith.constant 16 : i32
      %shift_left3A_274 = vector.broadcast %shift_left3A : i32 to vector<16xi32>
      %shift_left3A_275 = arith.shli %shift_right_logical3A_273, %shift_left3A_274 : vector<16xi32>
      %or3A = arith.ori %shift_left3A_275, %shift_right_logical3A_260 : vector<16xi32>
      %swap3A = arith.index_cast %scan3A_242 : i32 to index
      %swap3A_276 = arith.constant 0 : index
      %swap3A_277 = tpu.vector_load %arg11[%swap3A, %swap3A_276] {strides = array<i32>} : memref<128x64xi32, #tpu.memory_space<vmem>>, vector<1x16xi32>,
      %swap3A_278 = vector.shape_cast %swap3A_277 : vector<1x16xi32> to vector<16xi32>
      %swap3A_279 = vector.shape_cast %or3A : vector<16xi32> to vector<1x16xi32>
      tpu.vector_store %arg11[%swap3A, %swap3A_276], %swap3A_279 {strides = array<i32>} : memref<128x64xi32, #tpu.memory_space<vmem>>, vector<1x16xi32>,
      %get3A_280 = arith.index_cast %scan3A_242 : i32 to index
      %get3A_281 = arith.constant 32 : index
      %get3A_282 = tpu.vector_load %arg8[%get3A_280, %get3A_281] {strides = array<i32>} : memref<128x128xi32, #tpu.memory_space<vmem>>, vector<1x16xi32>,
      %get3A_283 = vector.shape_cast %get3A_282 : vector<1x16xi32> to vector<16xi32>
      %get3A_284 = arith.index_cast %scan3A_242 : i32 to index
      %get3A_285 = arith.constant 48 : index
      %get3A_286 = tpu.vector_load %arg8[%get3A_284, %get3A_285] {strides = array<i32>} : memref<128x128xi32, #tpu.memory_space<vmem>>, vector<1x16xi32>,
      %get3A_287 = vector.shape_cast %get3A_286 : vector<1x16xi32> to vector<16xi32>
      %add3A_288 = arith.constant 32767 : i32
      %add3A_289 = vector.broadcast %add3A_288 : i32 to vector<16xi32>
      %add3A_290 = arith.addi %get3A_283, %add3A_289 : vector<16xi32>
      %shift_right_logical3A_291 = arith.constant 16 : i32
      %shift_right_logical3A_292 = vector.broadcast %shift_right_logical3A_291 : i32 to vector<16xi32>
      %shift_right_logical3A_293 = arith.shrui %get3A_283, %shift_right_logical3A_292 : vector<16xi32>
      %and3A_294 = arith.constant 1 : i32
      %and3A_295 = vector.broadcast %and3A_294 : i32 to vector<16xi32>
      %and3A_296 = arith.andi %shift_right_logical3A_293, %and3A_295 : vector<16xi32>
      %add3A_297 = arith.addi %add3A_290, %and3A_296 : vector<16xi32>
      %shift_right_logical3A_298 = arith.constant 16 : i32
      %shift_right_logical3A_299 = vector.broadcast %shift_right_logical3A_298 : i32 to vector<16xi32>
      %shift_right_logical3A_300 = arith.shrui %add3A_297, %shift_right_logical3A_299 : vector<16xi32>
      %add3A_301 = arith.constant 32767 : i32
      %add3A_302 = vector.broadcast %add3A_301 : i32 to vector<16xi32>
      %add3A_303 = arith.addi %get3A_287, %add3A_302 : vector<16xi32>
      %shift_right_logical3A_304 = arith.constant 16 : i32
      %shift_right_logical3A_305 = vector.broadcast %shift_right_logical3A_304 : i32 to vector<16xi32>
      %shift_right_logical3A_306 = arith.shrui %get3A_287, %shift_right_logical3A_305 : vector<16xi32>
      %and3A_307 = arith.constant 1 : i32
      %and3A_308 = vector.broadcast %and3A_307 : i32 to vector<16xi32>
      %and3A_309 = arith.andi %shift_right_logical3A_306, %and3A_308 : vector<16xi32>
      %add3A_310 = arith.addi %add3A_303, %and3A_309 : vector<16xi32>
      %shift_right_logical3A_311 = arith.constant 16 : i32
      %shift_right_logical3A_312 = vector.broadcast %shift_right_logical3A_311 : i32 to vector<16xi32>
      %shift_right_logical3A_313 = arith.shrui %add3A_310, %shift_right_logical3A_312 : vector<16xi32>
      %shift_left3A_314 = arith.constant 16 : i32
      %shift_left3A_315 = vector.broadcast %shift_left3A_314 : i32 to vector<16xi32>
      %shift_left3A_316 = arith.shli %shift_right_logical3A_313, %shift_left3A_315 : vector<16xi32>
      %or3A_317 = arith.ori %shift_left3A_316, %shift_right_logical3A_300 : vector<16xi32>
      %swap3A_318 = arith.index_cast %scan3A_242 : i32 to index
      %swap3A_319 = arith.constant 16 : index
      %swap3A_320 = tpu.vector_load %arg11[%swap3A_318, %swap3A_319] {strides = array<i32>} : memref<128x64xi32, #tpu.memory_space<vmem>>, vector<1x16xi32>,
      %swap3A_321 = vector.shape_cast %swap3A_320 : vector<1x16xi32> to vector<16xi32>
      %swap3A_322 = vector.shape_cast %or3A_317 : vector<16xi32> to vector<1x16xi32>
      tpu.vector_store %arg11[%swap3A_318, %swap3A_319], %swap3A_322 {strides = array<i32>} : memref<128x64xi32, #tpu.memory_space<vmem>>, vector<1x16xi32>,
      %get3A_323 = arith.index_cast %scan3A_242 : i32 to index
      %get3A_324 = arith.constant 64 : index
      %get3A_325 = tpu.vector_load %arg8[%get3A_323, %get3A_324] {strides = array<i32>} : memref<128x128xi32, #tpu.memory_space<vmem>>, vector<1x16xi32>,
      %get3A_326 = vector.shape_cast %get3A_325 : vector<1x16xi32> to vector<16xi32>
      %get3A_327 = arith.index_cast %scan3A_242 : i32 to index
      %get3A_328 = arith.constant 80 : index
      %get3A_329 = tpu.vector_load %arg8[%get3A_327, %get3A_328] {strides = array<i32>} : memref<128x128xi32, #tpu.memory_space<vmem>>, vector<1x16xi32>,
      %get3A_330 = vector.shape_cast %get3A_329 : vector<1x16xi32> to vector<16xi32>
      %add3A_331 = arith.constant 32767 : i32
      %add3A_332 = vector.broadcast %add3A_331 : i32 to vector<16xi32>
      %add3A_333 = arith.addi %get3A_326, %add3A_332 : vector<16xi32>
      %shift_right_logical3A_334 = arith.constant 16 : i32
      %shift_right_logical3A_335 = vector.broadcast %shift_right_logical3A_334 : i32 to vector<16xi32>
      %shift_right_logical3A_336 = arith.shrui %get3A_326, %shift_right_logical3A_335 : vector<16xi32>
      %and3A_337 = arith.constant 1 : i32
      %and3A_338 = vector.broadcast %and3A_337 : i32 to vector<16xi32>
      %and3A_339 = arith.andi %shift_right_logical3A_336, %and3A_338 : vector<16xi32>
      %add3A_340 = arith.addi %add3A_333, %and3A_339 : vector<16xi32>
      %shift_right_logical3A_341 = arith.constant 16 : i32
      %shift_right_logical3A_342 = vector.broadcast %shift_right_logical3A_341 : i32 to vector<16xi32>
      %shift_right_logical3A_343 = arith.shrui %add3A_340, %shift_right_logical3A_342 : vector<16xi32>
      %add3A_344 = arith.constant 32767 : i32
      %add3A_345 = vector.broadcast %add3A_344 : i32 to vector<16xi32>
      %add3A_346 = arith.addi %get3A_330, %add3A_345 : vector<16xi32>
      %shift_right_logical3A_347 = arith.constant 16 : i32
      %shift_right_logical3A_348 = vector.broadcast %shift_right_logical3A_347 : i32 to vector<16xi32>
      %shift_right_logical3A_349 = arith.shrui %get3A_330, %shift_right_logical3A_348 : vector<16xi32>
      %and3A_350 = arith.constant 1 : i32
      %and3A_351 = vector.broadcast %and3A_350 : i32 to vector<16xi32>
      %and3A_352 = arith.andi %shift_right_logical3A_349, %and3A_351 : vector<16xi32>
      %add3A_353 = arith.addi %add3A_346, %and3A_352 : vector<16xi32>
      %shift_right_logical3A_354 = arith.constant 16 : i32
      %shift_right_logical3A_355 = vector.broadcast %shift_right_logical3A_354 : i32 to vector<16xi32>
      %shift_right_logical3A_356 = arith.shrui %add3A_353, %shift_right_logical3A_355 : vector<16xi32>
      %shift_left3A_357 = arith.constant 16 : i32
      %shift_left3A_358 = vector.broadcast %shift_left3A_357 : i32 to vector<16xi32>
      %shift_left3A_359 = arith.shli %shift_right_logical3A_356, %shift_left3A_358 : vector<16xi32>
      %or3A_360 = arith.ori %shift_left3A_359, %shift_right_logical3A_343 : vector<16xi32>
      %swap3A_361 = arith.index_cast %scan3A_242 : i32 to index
      %swap3A_362 = arith.constant 32 : index
      %swap3A_363 = tpu.vector_load %arg11[%swap3A_361, %swap3A_362] {strides = array<i32>} : memref<128x64xi32, #tpu.memory_space<vmem>>, vector<1x16xi32>,
      %swap3A_364 = vector.shape_cast %swap3A_363 : vector<1x16xi32> to vector<16xi32>
      %swap3A_365 = vector.shape_cast %or3A_360 : vector<16xi32> to vector<1x16xi32>
      tpu.vector_store %arg11[%swap3A_361, %swap3A_362], %swap3A_365 {strides = array<i32>} : memref<128x64xi32, #tpu.memory_space<vmem>>, vector<1x16xi32>,
      %get3A_366 = arith.index_cast %scan3A_242 : i32 to index
      %get3A_367 = arith.constant 96 : index
      %get3A_368 = tpu.vector_load %arg8[%get3A_366, %get3A_367] {strides = array<i32>} : memref<128x128xi32, #tpu.memory_space<vmem>>, vector<1x16xi32>,
      %get3A_369 = vector.shape_cast %get3A_368 : vector<1x16xi32> to vector<16xi32>
      %get3A_370 = arith.index_cast %scan3A_242 : i32 to index
      %get3A_371 = arith.constant 112 : index
      %get3A_372 = tpu.vector_load %arg8[%get3A_370, %get3A_371] {strides = array<i32>} : memref<128x128xi32, #tpu.memory_space<vmem>>, vector<1x16xi32>,
      %get3A_373 = vector.shape_cast %get3A_372 : vector<1x16xi32> to vector<16xi32>
      %add3A_374 = arith.constant 32767 : i32
      %add3A_375 = vector.broadcast %add3A_374 : i32 to vector<16xi32>
      %add3A_376 = arith.addi %get3A_369, %add3A_375 : vector<16xi32>
      %shift_right_logical3A_377 = arith.constant 16 : i32
      %shift_right_logical3A_378 = vector.broadcast %shift_right_logical3A_377 : i32 to vector<16xi32>
      %shift_right_logical3A_379 = arith.shrui %get3A_369, %shift_right_logical3A_378 : vector<16xi32>
      %and3A_380 = arith.constant 1 : i32
      %and3A_381 = vector.broadcast %and3A_380 : i32 to vector<16xi32>
      %and3A_382 = arith.andi %shift_right_logical3A_379, %and3A_381 : vector<16xi32>
      %add3A_383 = arith.addi %add3A_376, %and3A_382 : vector<16xi32>
      %shift_right_logical3A_384 = arith.constant 16 : i32
      %shift_right_logical3A_385 = vector.broadcast %shift_right_logical3A_384 : i32 to vector<16xi32>
      %shift_right_logical3A_386 = arith.shrui %add3A_383, %shift_right_logical3A_385 : vector<16xi32>
      %add3A_387 = arith.constant 32767 : i32
      %add3A_388 = vector.broadcast %add3A_387 : i32 to vector<16xi32>
      %add3A_389 = arith.addi %get3A_373, %add3A_388 : vector<16xi32>
      %shift_right_logical3A_390 = arith.constant 16 : i32
      %shift_right_logical3A_391 = vector.broadcast %shift_right_logical3A_390 : i32 to vector<16xi32>
      %shift_right_logical3A_392 = arith.shrui %get3A_373, %shift_right_logical3A_391 : vector<16xi32>
      %and3A_393 = arith.constant 1 : i32
      %and3A_394 = vector.broadcast %and3A_393 : i32 to vector<16xi32>
      %and3A_395 = arith.andi %shift_right_logical3A_392, %and3A_394 : vector<16xi32>
      %add3A_396 = arith.addi %add3A_389, %and3A_395 : vector<16xi32>
      %shift_right_logical3A_397 = arith.constant 16 : i32
      %shift_right_logical3A_398 = vector.broadcast %shift_right_logical3A_397 : i32 to vector<16xi32>
      %shift_right_logical3A_399 = arith.shrui %add3A_396, %shift_right_logical3A_398 : vector<16xi32>
      %shift_left3A_400 = arith.constant 16 : i32
      %shift_left3A_401 = vector.broadcast %shift_left3A_400 : i32 to vector<16xi32>
      %shift_left3A_402 = arith.shli %shift_right_logical3A_399, %shift_left3A_401 : vector<16xi32>
      %or3A_403 = arith.ori %shift_left3A_402, %shift_right_logical3A_386 : vector<16xi32>
      %swap3A_404 = arith.index_cast %scan3A_242 : i32 to index
      %swap3A_405 = arith.constant 48 : index
      %swap3A_406 = tpu.vector_load %arg11[%swap3A_404, %swap3A_405] {strides = array<i32>} : memref<128x64xi32, #tpu.memory_space<vmem>>, vector<1x16xi32>,
      %swap3A_407 = vector.shape_cast %swap3A_406 : vector<1x16xi32> to vector<16xi32>
      %swap3A_408 = vector.shape_cast %or3A_403 : vector<16xi32> to vector<1x16xi32>
      tpu.vector_store %arg11[%swap3A_404, %swap3A_405], %swap3A_408 {strides = array<i32>} : memref<128x64xi32, #tpu.memory_space<vmem>>, vector<1x16xi32>,
    }
    %scan3A_33 = arith.constant 128 : i32
    %add3A_34 = arith.constant 0 : i32
    %add3A_35 = arith.addi %mul3A_2, %add3A_34 : i32
    %dma_start3A_36 = arith.constant 0 : i32
    %dma_start3A_37 = tpu.memref_slice %arg5[%add3A_35, %dma_start3A_36] : memref<32768x64xi32, #tpu.memory_space<hbm>> -> memref<128x64xi32, #tpu.memory_space<hbm>>
    %dma_start3A_38 = arith.constant 0 : i32
    %dma_start3A_39 = tpu.memref_slice %arg5[%add3A_35, %dma_start3A_38] : memref<32768x64xi32, #tpu.memory_space<hbm>> -> memref<128x64xi32, #tpu.memory_space<hbm>>
    tpu.enqueue_dma source(%arg11 : memref<128x64xi32, #tpu.memory_space<vmem>>) target(%dma_start3A_39 : memref<128x64xi32, #tpu.memory_space<hbm>>) target_semaphore(%arg17 : memref<!tpu.dma_semaphore, #tpu.memory_space<semaphore_mem>>)
    %dma_start3A_40 = arith.constant 3 : i32
    %dma_start3A_41 = arith.constant 0 : i32
    %dma_start3A_42 = tpu.memref_slice %arg7[%dma_start3A_40, %dma_start3A_41] : memref<8x128xi32, #tpu.memory_space<vmem>> -> memref<1x128xi32, #tpu.memory_space<vmem>>
    %dma_start3A_43 = tpu.memref_squeeze %dma_start3A_42 : memref<1x128xi32, #tpu.memory_space<vmem>> -> memref<128xi32, #tpu.memory_space<vmem>>
    %dma_start3A_44 = arith.constant 0 : i32
    %dma_start3A_45 = arith.constant 0 : i32
    %dma_start3A_46 = tpu.memref_slice %arg2[%dma_start3A_44, %dma_start3A_45] : memref<100000x128xi32, #tpu.memory_space<hbm>> -> memref<100000x128xi32, #tpu.memory_space<hbm>>
    tpu.enqueue_indirect_dma source(%dma_start3A_46 : memref<100000x128xi32, #tpu.memory_space<hbm>>) target(%arg8 : memref<128x128xi32, #tpu.memory_space<vmem>>) offsets(%dma_start3A_43 : memref<128xi32, #tpu.memory_space<vmem>>) semaphore(%arg14 : memref<!tpu.dma_semaphore, #tpu.memory_space<semaphore_mem>>)
    %dma_wait3A_47 = arith.constant 1 : i32
    %dma_wait3A_48 = arith.constant 0 : i32
    %dma_wait3A_49 = tpu.memref_slice %arg7[%dma_wait3A_47, %dma_wait3A_48] : memref<8x128xi32, #tpu.memory_space<vmem>> -> memref<1x128xi32, #tpu.memory_space<vmem>>
    %dma_wait3A_50 = tpu.memref_squeeze %dma_wait3A_49 : memref<1x128xi32, #tpu.memory_space<vmem>> -> memref<128xi32, #tpu.memory_space<vmem>>
    %dma_wait3A_51 = arith.constant 0 : i32
    %dma_wait3A_52 = arith.constant 0 : i32
    %dma_wait3A_53 = tpu.memref_slice %arg2[%dma_wait3A_51, %dma_wait3A_52] : memref<100000x128xi32, #tpu.memory_space<hbm>> -> memref<100000x128xi32, #tpu.memory_space<hbm>>
    tpu.wait_indirect_dma semaphore(%arg15 : memref<!tpu.dma_semaphore, #tpu.memory_space<semaphore_mem>>) src(%dma_wait3A_53 : memref<100000x128xi32, #tpu.memory_space<hbm>>) dst(%arg9 : memref<128x128xi32, #tpu.memory_space<vmem>>)
    %scan3A_54 = arith.constant 0 : i32
    %scan3A_55 = arith.constant 0 : i32
    %scan3A_56 = arith.constant 128 : i32
    %scan3A_57 = arith.addi %scan3A_55, %scan3A_56 : i32
    %scan3A_58 = arith.constant 1 : i32
    scf.for %scan3A_242 = %scan3A_55 to %scan3A_57 step %scan3A_58  : i32 {
      %get3A = arith.index_cast %scan3A_242 : i32 to index
      %get3A_243 = arith.constant 0 : index
      %get3A_244 = tpu.vector_load %arg9[%get3A, %get3A_243] {strides = array<i32>} : memref<128x128xi32, #tpu.memory_space<vmem>>, vector<1x16xi32>,
      %get3A_245 = vector.shape_cast %get3A_244 : vector<1x16xi32> to vector<16xi32>
      %get3A_246 = arith.index_cast %scan3A_242 : i32 to index
      %get3A_247 = arith.constant 16 : index
      %get3A_248 = tpu.vector_load %arg9[%get3A_246, %get3A_247] {strides = array<i32>} : memref<128x128xi32, #tpu.memory_space<vmem>>, vector<1x16xi32>,
      %get3A_249 = vector.shape_cast %get3A_248 : vector<1x16xi32> to vector<16xi32>
      %add3A_250 = arith.constant 32767 : i32
      %add3A_251 = vector.broadcast %add3A_250 : i32 to vector<16xi32>
      %add3A_252 = arith.addi %get3A_245, %add3A_251 : vector<16xi32>
      %shift_right_logical3A = arith.constant 16 : i32
      %shift_right_logical3A_253 = vector.broadcast %shift_right_logical3A : i32 to vector<16xi32>
      %shift_right_logical3A_254 = arith.shrui %get3A_245, %shift_right_logical3A_253 : vector<16xi32>
      %and3A = arith.constant 1 : i32
      %and3A_255 = vector.broadcast %and3A : i32 to vector<16xi32>
      %and3A_256 = arith.andi %shift_right_logical3A_254, %and3A_255 : vector<16xi32>
      %add3A_257 = arith.addi %add3A_252, %and3A_256 : vector<16xi32>
      %shift_right_logical3A_258 = arith.constant 16 : i32
      %shift_right_logical3A_259 = vector.broadcast %shift_right_logical3A_258 : i32 to vector<16xi32>
      %shift_right_logical3A_260 = arith.shrui %add3A_257, %shift_right_logical3A_259 : vector<16xi32>
      %add3A_261 = arith.constant 32767 : i32
      %add3A_262 = vector.broadcast %add3A_261 : i32 to vector<16xi32>
      %add3A_263 = arith.addi %get3A_249, %add3A_262 : vector<16xi32>
      %shift_right_logical3A_264 = arith.constant 16 : i32
      %shift_right_logical3A_265 = vector.broadcast %shift_right_logical3A_264 : i32 to vector<16xi32>
      %shift_right_logical3A_266 = arith.shrui %get3A_249, %shift_right_logical3A_265 : vector<16xi32>
      %and3A_267 = arith.constant 1 : i32
      %and3A_268 = vector.broadcast %and3A_267 : i32 to vector<16xi32>
      %and3A_269 = arith.andi %shift_right_logical3A_266, %and3A_268 : vector<16xi32>
      %add3A_270 = arith.addi %add3A_263, %and3A_269 : vector<16xi32>
      %shift_right_logical3A_271 = arith.constant 16 : i32
      %shift_right_logical3A_272 = vector.broadcast %shift_right_logical3A_271 : i32 to vector<16xi32>
      %shift_right_logical3A_273 = arith.shrui %add3A_270, %shift_right_logical3A_272 : vector<16xi32>
      %shift_left3A = arith.constant 16 : i32
      %shift_left3A_274 = vector.broadcast %shift_left3A : i32 to vector<16xi32>
      %shift_left3A_275 = arith.shli %shift_right_logical3A_273, %shift_left3A_274 : vector<16xi32>
      %or3A = arith.ori %shift_left3A_275, %shift_right_logical3A_260 : vector<16xi32>
      %swap3A = arith.index_cast %scan3A_242 : i32 to index
      %swap3A_276 = arith.constant 0 : index
      %swap3A_277 = tpu.vector_load %arg12[%swap3A, %swap3A_276] {strides = array<i32>} : memref<128x64xi32, #tpu.memory_space<vmem>>, vector<1x16xi32>,
      %swap3A_278 = vector.shape_cast %swap3A_277 : vector<1x16xi32> to vector<16xi32>
      %swap3A_279 = vector.shape_cast %or3A : vector<16xi32> to vector<1x16xi32>
      tpu.vector_store %arg12[%swap3A, %swap3A_276], %swap3A_279 {strides = array<i32>} : memref<128x64xi32, #tpu.memory_space<vmem>>, vector<1x16xi32>,
      %get3A_280 = arith.index_cast %scan3A_242 : i32 to index
      %get3A_281 = arith.constant 32 : index
      %get3A_282 = tpu.vector_load %arg9[%get3A_280, %get3A_281] {strides = array<i32>} : memref<128x128xi32, #tpu.memory_space<vmem>>, vector<1x16xi32>,
      %get3A_283 = vector.shape_cast %get3A_282 : vector<1x16xi32> to vector<16xi32>
      %get3A_284 = arith.index_cast %scan3A_242 : i32 to index
      %get3A_285 = arith.constant 48 : index
      %get3A_286 = tpu.vector_load %arg9[%get3A_284, %get3A_285] {strides = array<i32>} : memref<128x128xi32, #tpu.memory_space<vmem>>, vector<1x16xi32>,
      %get3A_287 = vector.shape_cast %get3A_286 : vector<1x16xi32> to vector<16xi32>
      %add3A_288 = arith.constant 32767 : i32
      %add3A_289 = vector.broadcast %add3A_288 : i32 to vector<16xi32>
      %add3A_290 = arith.addi %get3A_283, %add3A_289 : vector<16xi32>
      %shift_right_logical3A_291 = arith.constant 16 : i32
      %shift_right_logical3A_292 = vector.broadcast %shift_right_logical3A_291 : i32 to vector<16xi32>
      %shift_right_logical3A_293 = arith.shrui %get3A_283, %shift_right_logical3A_292 : vector<16xi32>
      %and3A_294 = arith.constant 1 : i32
      %and3A_295 = vector.broadcast %and3A_294 : i32 to vector<16xi32>
      %and3A_296 = arith.andi %shift_right_logical3A_293, %and3A_295 : vector<16xi32>
      %add3A_297 = arith.addi %add3A_290, %and3A_296 : vector<16xi32>
      %shift_right_logical3A_298 = arith.constant 16 : i32
      %shift_right_logical3A_299 = vector.broadcast %shift_right_logical3A_298 : i32 to vector<16xi32>
      %shift_right_logical3A_300 = arith.shrui %add3A_297, %shift_right_logical3A_299 : vector<16xi32>
      %add3A_301 = arith.constant 32767 : i32
      %add3A_302 = vector.broadcast %add3A_301 : i32 to vector<16xi32>
      %add3A_303 = arith.addi %get3A_287, %add3A_302 : vector<16xi32>
      %shift_right_logical3A_304 = arith.constant 16 : i32
      %shift_right_logical3A_305 = vector.broadcast %shift_right_logical3A_304 : i32 to vector<16xi32>
      %shift_right_logical3A_306 = arith.shrui %get3A_287, %shift_right_logical3A_305 : vector<16xi32>
      %and3A_307 = arith.constant 1 : i32
      %and3A_308 = vector.broadcast %and3A_307 : i32 to vector<16xi32>
      %and3A_309 = arith.andi %shift_right_logical3A_306, %and3A_308 : vector<16xi32>
      %add3A_310 = arith.addi %add3A_303, %and3A_309 : vector<16xi32>
      %shift_right_logical3A_311 = arith.constant 16 : i32
      %shift_right_logical3A_312 = vector.broadcast %shift_right_logical3A_311 : i32 to vector<16xi32>
      %shift_right_logical3A_313 = arith.shrui %add3A_310, %shift_right_logical3A_312 : vector<16xi32>
      %shift_left3A_314 = arith.constant 16 : i32
      %shift_left3A_315 = vector.broadcast %shift_left3A_314 : i32 to vector<16xi32>
      %shift_left3A_316 = arith.shli %shift_right_logical3A_313, %shift_left3A_315 : vector<16xi32>
      %or3A_317 = arith.ori %shift_left3A_316, %shift_right_logical3A_300 : vector<16xi32>
      %swap3A_318 = arith.index_cast %scan3A_242 : i32 to index
      %swap3A_319 = arith.constant 16 : index
      %swap3A_320 = tpu.vector_load %arg12[%swap3A_318, %swap3A_319] {strides = array<i32>} : memref<128x64xi32, #tpu.memory_space<vmem>>, vector<1x16xi32>,
      %swap3A_321 = vector.shape_cast %swap3A_320 : vector<1x16xi32> to vector<16xi32>
      %swap3A_322 = vector.shape_cast %or3A_317 : vector<16xi32> to vector<1x16xi32>
      tpu.vector_store %arg12[%swap3A_318, %swap3A_319], %swap3A_322 {strides = array<i32>} : memref<128x64xi32, #tpu.memory_space<vmem>>, vector<1x16xi32>,
      %get3A_323 = arith.index_cast %scan3A_242 : i32 to index
      %get3A_324 = arith.constant 64 : index
      %get3A_325 = tpu.vector_load %arg9[%get3A_323, %get3A_324] {strides = array<i32>} : memref<128x128xi32, #tpu.memory_space<vmem>>, vector<1x16xi32>,
      %get3A_326 = vector.shape_cast %get3A_325 : vector<1x16xi32> to vector<16xi32>
      %get3A_327 = arith.index_cast %scan3A_242 : i32 to index
      %get3A_328 = arith.constant 80 : index
      %get3A_329 = tpu.vector_load %arg9[%get3A_327, %get3A_328] {strides = array<i32>} : memref<128x128xi32, #tpu.memory_space<vmem>>, vector<1x16xi32>,
      %get3A_330 = vector.shape_cast %get3A_329 : vector<1x16xi32> to vector<16xi32>
      %add3A_331 = arith.constant 32767 : i32
      %add3A_332 = vector.broadcast %add3A_331 : i32 to vector<16xi32>
      %add3A_333 = arith.addi %get3A_326, %add3A_332 : vector<16xi32>
      %shift_right_logical3A_334 = arith.constant 16 : i32
      %shift_right_logical3A_335 = vector.broadcast %shift_right_logical3A_334 : i32 to vector<16xi32>
      %shift_right_logical3A_336 = arith.shrui %get3A_326, %shift_right_logical3A_335 : vector<16xi32>
      %and3A_337 = arith.constant 1 : i32
      %and3A_338 = vector.broadcast %and3A_337 : i32 to vector<16xi32>
      %and3A_339 = arith.andi %shift_right_logical3A_336, %and3A_338 : vector<16xi32>
      %add3A_340 = arith.addi %add3A_333, %and3A_339 : vector<16xi32>
      %shift_right_logical3A_341 = arith.constant 16 : i32
      %shift_right_logical3A_342 = vector.broadcast %shift_right_logical3A_341 : i32 to vector<16xi32>
      %shift_right_logical3A_343 = arith.shrui %add3A_340, %shift_right_logical3A_342 : vector<16xi32>
      %add3A_344 = arith.constant 32767 : i32
      %add3A_345 = vector.broadcast %add3A_344 : i32 to vector<16xi32>
      %add3A_346 = arith.addi %get3A_330, %add3A_345 : vector<16xi32>
      %shift_right_logical3A_347 = arith.constant 16 : i32
      %shift_right_logical3A_348 = vector.broadcast %shift_right_logical3A_347 : i32 to vector<16xi32>
      %shift_right_logical3A_349 = arith.shrui %get3A_330, %shift_right_logical3A_348 : vector<16xi32>
      %and3A_350 = arith.constant 1 : i32
      %and3A_351 = vector.broadcast %and3A_350 : i32 to vector<16xi32>
      %and3A_352 = arith.andi %shift_right_logical3A_349, %and3A_351 : vector<16xi32>
      %add3A_353 = arith.addi %add3A_346, %and3A_352 : vector<16xi32>
      %shift_right_logical3A_354 = arith.constant 16 : i32
      %shift_right_logical3A_355 = vector.broadcast %shift_right_logical3A_354 : i32 to vector<16xi32>
      %shift_right_logical3A_356 = arith.shrui %add3A_353, %shift_right_logical3A_355 : vector<16xi32>
      %shift_left3A_357 = arith.constant 16 : i32
      %shift_left3A_358 = vector.broadcast %shift_left3A_357 : i32 to vector<16xi32>
      %shift_left3A_359 = arith.shli %shift_right_logical3A_356, %shift_left3A_358 : vector<16xi32>
      %or3A_360 = arith.ori %shift_left3A_359, %shift_right_logical3A_343 : vector<16xi32>
      %swap3A_361 = arith.index_cast %scan3A_242 : i32 to index
      %swap3A_362 = arith.constant 32 : index
      %swap3A_363 = tpu.vector_load %arg12[%swap3A_361, %swap3A_362] {strides = array<i32>} : memref<128x64xi32, #tpu.memory_space<vmem>>, vector<1x16xi32>,
      %swap3A_364 = vector.shape_cast %swap3A_363 : vector<1x16xi32> to vector<16xi32>
      %swap3A_365 = vector.shape_cast %or3A_360 : vector<16xi32> to vector<1x16xi32>
      tpu.vector_store %arg12[%swap3A_361, %swap3A_362], %swap3A_365 {strides = array<i32>} : memref<128x64xi32, #tpu.memory_space<vmem>>, vector<1x16xi32>,
      %get3A_366 = arith.index_cast %scan3A_242 : i32 to index
      %get3A_367 = arith.constant 96 : index
      %get3A_368 = tpu.vector_load %arg9[%get3A_366, %get3A_367] {strides = array<i32>} : memref<128x128xi32, #tpu.memory_space<vmem>>, vector<1x16xi32>,
      %get3A_369 = vector.shape_cast %get3A_368 : vector<1x16xi32> to vector<16xi32>
      %get3A_370 = arith.index_cast %scan3A_242 : i32 to index
      %get3A_371 = arith.constant 112 : index
      %get3A_372 = tpu.vector_load %arg9[%get3A_370, %get3A_371] {strides = array<i32>} : memref<128x128xi32, #tpu.memory_space<vmem>>, vector<1x16xi32>,
      %get3A_373 = vector.shape_cast %get3A_372 : vector<1x16xi32> to vector<16xi32>
      %add3A_374 = arith.constant 32767 : i32
      %add3A_375 = vector.broadcast %add3A_374 : i32 to vector<16xi32>
      %add3A_376 = arith.addi %get3A_369, %add3A_375 : vector<16xi32>
      %shift_right_logical3A_377 = arith.constant 16 : i32
      %shift_right_logical3A_378 = vector.broadcast %shift_right_logical3A_377 : i32 to vector<16xi32>
      %shift_right_logical3A_379 = arith.shrui %get3A_369, %shift_right_logical3A_378 : vector<16xi32>
      %and3A_380 = arith.constant 1 : i32
      %and3A_381 = vector.broadcast %and3A_380 : i32 to vector<16xi32>
      %and3A_382 = arith.andi %shift_right_logical3A_379, %and3A_381 : vector<16xi32>
      %add3A_383 = arith.addi %add3A_376, %and3A_382 : vector<16xi32>
      %shift_right_logical3A_384 = arith.constant 16 : i32
      %shift_right_logical3A_385 = vector.broadcast %shift_right_logical3A_384 : i32 to vector<16xi32>
      %shift_right_logical3A_386 = arith.shrui %add3A_383, %shift_right_logical3A_385 : vector<16xi32>
      %add3A_387 = arith.constant 32767 : i32
      %add3A_388 = vector.broadcast %add3A_387 : i32 to vector<16xi32>
      %add3A_389 = arith.addi %get3A_373, %add3A_388 : vector<16xi32>
      %shift_right_logical3A_390 = arith.constant 16 : i32
      %shift_right_logical3A_391 = vector.broadcast %shift_right_logical3A_390 : i32 to vector<16xi32>
      %shift_right_logical3A_392 = arith.shrui %get3A_373, %shift_right_logical3A_391 : vector<16xi32>
      %and3A_393 = arith.constant 1 : i32
      %and3A_394 = vector.broadcast %and3A_393 : i32 to vector<16xi32>
      %and3A_395 = arith.andi %shift_right_logical3A_392, %and3A_394 : vector<16xi32>
      %add3A_396 = arith.addi %add3A_389, %and3A_395 : vector<16xi32>
      %shift_right_logical3A_397 = arith.constant 16 : i32
      %shift_right_logical3A_398 = vector.broadcast %shift_right_logical3A_397 : i32 to vector<16xi32>
      %shift_right_logical3A_399 = arith.shrui %add3A_396, %shift_right_logical3A_398 : vector<16xi32>
      %shift_left3A_400 = arith.constant 16 : i32
      %shift_left3A_401 = vector.broadcast %shift_left3A_400 : i32 to vector<16xi32>
      %shift_left3A_402 = arith.shli %shift_right_logical3A_399, %shift_left3A_401 : vector<16xi32>
      %or3A_403 = arith.ori %shift_left3A_402, %shift_right_logical3A_386 : vector<16xi32>
      %swap3A_404 = arith.index_cast %scan3A_242 : i32 to index
      %swap3A_405 = arith.constant 48 : index
      %swap3A_406 = tpu.vector_load %arg12[%swap3A_404, %swap3A_405] {strides = array<i32>} : memref<128x64xi32, #tpu.memory_space<vmem>>, vector<1x16xi32>,
      %swap3A_407 = vector.shape_cast %swap3A_406 : vector<1x16xi32> to vector<16xi32>
      %swap3A_408 = vector.shape_cast %or3A_403 : vector<16xi32> to vector<1x16xi32>
      tpu.vector_store %arg12[%swap3A_404, %swap3A_405], %swap3A_408 {strides = array<i32>} : memref<128x64xi32, #tpu.memory_space<vmem>>, vector<1x16xi32>,
    }
    %scan3A_59 = arith.constant 128 : i32
    %add3A_60 = arith.constant 128 : i32
    %add3A_61 = arith.addi %mul3A_2, %add3A_60 : i32
    %dma_start3A_62 = arith.constant 0 : i32
    %dma_start3A_63 = tpu.memref_slice %arg5[%add3A_61, %dma_start3A_62] : memref<32768x64xi32, #tpu.memory_space<hbm>> -> memref<128x64xi32, #tpu.memory_space<hbm>>
    %dma_start3A_64 = arith.constant 0 : i32
    %dma_start3A_65 = tpu.memref_slice %arg5[%add3A_61, %dma_start3A_64] : memref<32768x64xi32, #tpu.memory_space<hbm>> -> memref<128x64xi32, #tpu.memory_space<hbm>>
    tpu.enqueue_dma source(%arg12 : memref<128x64xi32, #tpu.memory_space<vmem>>) target(%dma_start3A_65 : memref<128x64xi32, #tpu.memory_space<hbm>>) target_semaphore(%arg18 : memref<!tpu.dma_semaphore, #tpu.memory_space<semaphore_mem>>)
    %dma_start3A_66 = arith.constant 4 : i32
    %dma_start3A_67 = arith.constant 0 : i32
    %dma_start3A_68 = tpu.memref_slice %arg7[%dma_start3A_66, %dma_start3A_67] : memref<8x128xi32, #tpu.memory_space<vmem>> -> memref<1x128xi32, #tpu.memory_space<vmem>>
    %dma_start3A_69 = tpu.memref_squeeze %dma_start3A_68 : memref<1x128xi32, #tpu.memory_space<vmem>> -> memref<128xi32, #tpu.memory_space<vmem>>
    %dma_start3A_70 = arith.constant 0 : i32
    %dma_start3A_71 = arith.constant 0 : i32
    %dma_start3A_72 = tpu.memref_slice %arg2[%dma_start3A_70, %dma_start3A_71] : memref<100000x128xi32, #tpu.memory_space<hbm>> -> memref<100000x128xi32, #tpu.memory_space<hbm>>
    tpu.enqueue_indirect_dma source(%dma_start3A_72 : memref<100000x128xi32, #tpu.memory_space<hbm>>) target(%arg9 : memref<128x128xi32, #tpu.memory_space<vmem>>) offsets(%dma_start3A_69 : memref<128xi32, #tpu.memory_space<vmem>>) semaphore(%arg15 : memref<!tpu.dma_semaphore, #tpu.memory_space<semaphore_mem>>)
    %dma_wait3A_73 = arith.constant 2 : i32
    %dma_wait3A_74 = arith.constant 0 : i32
    %dma_wait3A_75 = tpu.memref_slice %arg7[%dma_wait3A_73, %dma_wait3A_74] : memref<8x128xi32, #tpu.memory_space<vmem>> -> memref<1x128xi32, #tpu.memory_space<vmem>>
    %dma_wait3A_76 = tpu.memref_squeeze %dma_wait3A_75 : memref<1x128xi32, #tpu.memory_space<vmem>> -> memref<128xi32, #tpu.memory_space<vmem>>
    %dma_wait3A_77 = arith.constant 0 : i32
    %dma_wait3A_78 = arith.constant 0 : i32
    %dma_wait3A_79 = tpu.memref_slice %arg2[%dma_wait3A_77, %dma_wait3A_78] : memref<100000x128xi32, #tpu.memory_space<hbm>> -> memref<100000x128xi32, #tpu.memory_space<hbm>>
    tpu.wait_indirect_dma semaphore(%arg16 : memref<!tpu.dma_semaphore, #tpu.memory_space<semaphore_mem>>) src(%dma_wait3A_79 : memref<100000x128xi32, #tpu.memory_space<hbm>>) dst(%arg10 : memref<128x128xi32, #tpu.memory_space<vmem>>)
    %scan3A_80 = arith.constant 0 : i32
    %scan3A_81 = arith.constant 0 : i32
    %scan3A_82 = arith.constant 128 : i32
    %scan3A_83 = arith.addi %scan3A_81, %scan3A_82 : i32
    %scan3A_84 = arith.constant 1 : i32
    scf.for %scan3A_242 = %scan3A_81 to %scan3A_83 step %scan3A_84  : i32 {
      %get3A = arith.index_cast %scan3A_242 : i32 to index
      %get3A_243 = arith.constant 0 : index
      %get3A_244 = tpu.vector_load %arg10[%get3A, %get3A_243] {strides = array<i32>} : memref<128x128xi32, #tpu.memory_space<vmem>>, vector<1x16xi32>,
      %get3A_245 = vector.shape_cast %get3A_244 : vector<1x16xi32> to vector<16xi32>
      %get3A_246 = arith.index_cast %scan3A_242 : i32 to index
      %get3A_247 = arith.constant 16 : index
      %get3A_248 = tpu.vector_load %arg10[%get3A_246, %get3A_247] {strides = array<i32>} : memref<128x128xi32, #tpu.memory_space<vmem>>, vector<1x16xi32>,
      %get3A_249 = vector.shape_cast %get3A_248 : vector<1x16xi32> to vector<16xi32>
      %add3A_250 = arith.constant 32767 : i32
      %add3A_251 = vector.broadcast %add3A_250 : i32 to vector<16xi32>
      %add3A_252 = arith.addi %get3A_245, %add3A_251 : vector<16xi32>
      %shift_right_logical3A = arith.constant 16 : i32
      %shift_right_logical3A_253 = vector.broadcast %shift_right_logical3A : i32 to vector<16xi32>
      %shift_right_logical3A_254 = arith.shrui %get3A_245, %shift_right_logical3A_253 : vector<16xi32>
      %and3A = arith.constant 1 : i32
      %and3A_255 = vector.broadcast %and3A : i32 to vector<16xi32>
      %and3A_256 = arith.andi %shift_right_logical3A_254, %and3A_255 : vector<16xi32>
      %add3A_257 = arith.addi %add3A_252, %and3A_256 : vector<16xi32>
      %shift_right_logical3A_258 = arith.constant 16 : i32
      %shift_right_logical3A_259 = vector.broadcast %shift_right_logical3A_258 : i32 to vector<16xi32>
      %shift_right_logical3A_260 = arith.shrui %add3A_257, %shift_right_logical3A_259 : vector<16xi32>
      %add3A_261 = arith.constant 32767 : i32
      %add3A_262 = vector.broadcast %add3A_261 : i32 to vector<16xi32>
      %add3A_263 = arith.addi %get3A_249, %add3A_262 : vector<16xi32>
      %shift_right_logical3A_264 = arith.constant 16 : i32
      %shift_right_logical3A_265 = vector.broadcast %shift_right_logical3A_264 : i32 to vector<16xi32>
      %shift_right_logical3A_266 = arith.shrui %get3A_249, %shift_right_logical3A_265 : vector<16xi32>
      %and3A_267 = arith.constant 1 : i32
      %and3A_268 = vector.broadcast %and3A_267 : i32 to vector<16xi32>
      %and3A_269 = arith.andi %shift_right_logical3A_266, %and3A_268 : vector<16xi32>
      %add3A_270 = arith.addi %add3A_263, %and3A_269 : vector<16xi32>
      %shift_right_logical3A_271 = arith.constant 16 : i32
      %shift_right_logical3A_272 = vector.broadcast %shift_right_logical3A_271 : i32 to vector<16xi32>
      %shift_right_logical3A_273 = arith.shrui %add3A_270, %shift_right_logical3A_272 : vector<16xi32>
      %shift_left3A = arith.constant 16 : i32
      %shift_left3A_274 = vector.broadcast %shift_left3A : i32 to vector<16xi32>
      %shift_left3A_275 = arith.shli %shift_right_logical3A_273, %shift_left3A_274 : vector<16xi32>
      %or3A = arith.ori %shift_left3A_275, %shift_right_logical3A_260 : vector<16xi32>
      %swap3A = arith.index_cast %scan3A_242 : i32 to index
      %swap3A_276 = arith.constant 0 : index
      %swap3A_277 = tpu.vector_load %arg13[%swap3A, %swap3A_276] {strides = array<i32>} : memref<128x64xi32, #tpu.memory_space<vmem>>, vector<1x16xi32>,
      %swap3A_278 = vector.shape_cast %swap3A_277 : vector<1x16xi32> to vector<16xi32>
      %swap3A_279 = vector.shape_cast %or3A : vector<16xi32> to vector<1x16xi32>
      tpu.vector_store %arg13[%swap3A, %swap3A_276], %swap3A_279 {strides = array<i32>} : memref<128x64xi32, #tpu.memory_space<vmem>>, vector<1x16xi32>,
      %get3A_280 = arith.index_cast %scan3A_242 : i32 to index
      %get3A_281 = arith.constant 32 : index
      %get3A_282 = tpu.vector_load %arg10[%get3A_280, %get3A_281] {strides = array<i32>} : memref<128x128xi32, #tpu.memory_space<vmem>>, vector<1x16xi32>,
      %get3A_283 = vector.shape_cast %get3A_282 : vector<1x16xi32> to vector<16xi32>
      %get3A_284 = arith.index_cast %scan3A_242 : i32 to index
      %get3A_285 = arith.constant 48 : index
      %get3A_286 = tpu.vector_load %arg10[%get3A_284, %get3A_285] {strides = array<i32>} : memref<128x128xi32, #tpu.memory_space<vmem>>, vector<1x16xi32>,
      %get3A_287 = vector.shape_cast %get3A_286 : vector<1x16xi32> to vector<16xi32>
      %add3A_288 = arith.constant 32767 : i32
      %add3A_289 = vector.broadcast %add3A_288 : i32 to vector<16xi32>
      %add3A_290 = arith.addi %get3A_283, %add3A_289 : vector<16xi32>
      %shift_right_logical3A_291 = arith.constant 16 : i32
      %shift_right_logical3A_292 = vector.broadcast %shift_right_logical3A_291 : i32 to vector<16xi32>
      %shift_right_logical3A_293 = arith.shrui %get3A_283, %shift_right_logical3A_292 : vector<16xi32>
      %and3A_294 = arith.constant 1 : i32
      %and3A_295 = vector.broadcast %and3A_294 : i32 to vector<16xi32>
      %and3A_296 = arith.andi %shift_right_logical3A_293, %and3A_295 : vector<16xi32>
      %add3A_297 = arith.addi %add3A_290, %and3A_296 : vector<16xi32>
      %shift_right_logical3A_298 = arith.constant 16 : i32
      %shift_right_logical3A_299 = vector.broadcast %shift_right_logical3A_298 : i32 to vector<16xi32>
      %shift_right_logical3A_300 = arith.shrui %add3A_297, %shift_right_logical3A_299 : vector<16xi32>
      %add3A_301 = arith.constant 32767 : i32
      %add3A_302 = vector.broadcast %add3A_301 : i32 to vector<16xi32>
      %add3A_303 = arith.addi %get3A_287, %add3A_302 : vector<16xi32>
      %shift_right_logical3A_304 = arith.constant 16 : i32
      %shift_right_logical3A_305 = vector.broadcast %shift_right_logical3A_304 : i32 to vector<16xi32>
      %shift_right_logical3A_306 = arith.shrui %get3A_287, %shift_right_logical3A_305 : vector<16xi32>
      %and3A_307 = arith.constant 1 : i32
      %and3A_308 = vector.broadcast %and3A_307 : i32 to vector<16xi32>
      %and3A_309 = arith.andi %shift_right_logical3A_306, %and3A_308 : vector<16xi32>
      %add3A_310 = arith.addi %add3A_303, %and3A_309 : vector<16xi32>
      %shift_right_logical3A_311 = arith.constant 16 : i32
      %shift_right_logical3A_312 = vector.broadcast %shift_right_logical3A_311 : i32 to vector<16xi32>
      %shift_right_logical3A_313 = arith.shrui %add3A_310, %shift_right_logical3A_312 : vector<16xi32>
      %shift_left3A_314 = arith.constant 16 : i32
      %shift_left3A_315 = vector.broadcast %shift_left3A_314 : i32 to vector<16xi32>
      %shift_left3A_316 = arith.shli %shift_right_logical3A_313, %shift_left3A_315 : vector<16xi32>
      %or3A_317 = arith.ori %shift_left3A_316, %shift_right_logical3A_300 : vector<16xi32>
      %swap3A_318 = arith.index_cast %scan3A_242 : i32 to index
      %swap3A_319 = arith.constant 16 : index
      %swap3A_320 = tpu.vector_load %arg13[%swap3A_318, %swap3A_319] {strides = array<i32>} : memref<128x64xi32, #tpu.memory_space<vmem>>, vector<1x16xi32>,
      %swap3A_321 = vector.shape_cast %swap3A_320 : vector<1x16xi32> to vector<16xi32>
      %swap3A_322 = vector.shape_cast %or3A_317 : vector<16xi32> to vector<1x16xi32>
      tpu.vector_store %arg13[%swap3A_318, %swap3A_319], %swap3A_322 {strides = array<i32>} : memref<128x64xi32, #tpu.memory_space<vmem>>, vector<1x16xi32>,
      %get3A_323 = arith.index_cast %scan3A_242 : i32 to index
      %get3A_324 = arith.constant 64 : index
      %get3A_325 = tpu.vector_load %arg10[%get3A_323, %get3A_324] {strides = array<i32>} : memref<128x128xi32, #tpu.memory_space<vmem>>, vector<1x16xi32>,
      %get3A_326 = vector.shape_cast %get3A_325 : vector<1x16xi32> to vector<16xi32>
      %get3A_327 = arith.index_cast %scan3A_242 : i32 to index
      %get3A_328 = arith.constant 80 : index
      %get3A_329 = tpu.vector_load %arg10[%get3A_327, %get3A_328] {strides = array<i32>} : memref<128x128xi32, #tpu.memory_space<vmem>>, vector<1x16xi32>,
      %get3A_330 = vector.shape_cast %get3A_329 : vector<1x16xi32> to vector<16xi32>
      %add3A_331 = arith.constant 32767 : i32
      %add3A_332 = vector.broadcast %add3A_331 : i32 to vector<16xi32>
      %add3A_333 = arith.addi %get3A_326, %add3A_332 : vector<16xi32>
      %shift_right_logical3A_334 = arith.constant 16 : i32
      %shift_right_logical3A_335 = vector.broadcast %shift_right_logical3A_334 : i32 to vector<16xi32>
      %shift_right_logical3A_336 = arith.shrui %get3A_326, %shift_right_logical3A_335 : vector<16xi32>
      %and3A_337 = arith.constant 1 : i32
      %and3A_338 = vector.broadcast %and3A_337 : i32 to vector<16xi32>
      %and3A_339 = arith.andi %shift_right_logical3A_336, %and3A_338 : vector<16xi32>
      %add3A_340 = arith.addi %add3A_333, %and3A_339 : vector<16xi32>
      %shift_right_logical3A_341 = arith.constant 16 : i32
      %shift_right_logical3A_342 = vector.broadcast %shift_right_logical3A_341 : i32 to vector<16xi32>
      %shift_right_logical3A_343 = arith.shrui %add3A_340, %shift_right_logical3A_342 : vector<16xi32>
      %add3A_344 = arith.constant 32767 : i32
      %add3A_345 = vector.broadcast %add3A_344 : i32 to vector<16xi32>
      %add3A_346 = arith.addi %get3A_330, %add3A_345 : vector<16xi32>
      %shift_right_logical3A_347 = arith.constant 16 : i32
      %shift_right_logical3A_348 = vector.broadcast %shift_right_logical3A_347 : i32 to vector<16xi32>
      %shift_right_logical3A_349 = arith.shrui %get3A_330, %shift_right_logical3A_348 : vector<16xi32>
      %and3A_350 = arith.constant 1 : i32
      %and3A_351 = vector.broadcast %and3A_350 : i32 to vector<16xi32>
      %and3A_352 = arith.andi %shift_right_logical3A_349, %and3A_351 : vector<16xi32>
      %add3A_353 = arith.addi %add3A_346, %and3A_352 : vector<16xi32>
      %shift_right_logical3A_354 = arith.constant 16 : i32
      %shift_right_logical3A_355 = vector.broadcast %shift_right_logical3A_354 : i32 to vector<16xi32>
      %shift_right_logical3A_356 = arith.shrui %add3A_353, %shift_right_logical3A_355 : vector<16xi32>
      %shift_left3A_357 = arith.constant 16 : i32
      %shift_left3A_358 = vector.broadcast %shift_left3A_357 : i32 to vector<16xi32>
      %shift_left3A_359 = arith.shli %shift_right_logical3A_356, %shift_left3A_358 : vector<16xi32>
      %or3A_360 = arith.ori %shift_left3A_359, %shift_right_logical3A_343 : vector<16xi32>
      %swap3A_361 = arith.index_cast %scan3A_242 : i32 to index
      %swap3A_362 = arith.constant 32 : index
      %swap3A_363 = tpu.vector_load %arg13[%swap3A_361, %swap3A_362] {strides = array<i32>} : memref<128x64xi32, #tpu.memory_space<vmem>>, vector<1x16xi32>,
      %swap3A_364 = vector.shape_cast %swap3A_363 : vector<1x16xi32> to vector<16xi32>
      %swap3A_365 = vector.shape_cast %or3A_360 : vector<16xi32> to vector<1x16xi32>
      tpu.vector_store %arg13[%swap3A_361, %swap3A_362], %swap3A_365 {strides = array<i32>} : memref<128x64xi32, #tpu.memory_space<vmem>>, vector<1x16xi32>,
      %get3A_366 = arith.index_cast %scan3A_242 : i32 to index
      %get3A_367 = arith.constant 96 : index
      %get3A_368 = tpu.vector_load %arg10[%get3A_366, %get3A_367] {strides = array<i32>} : memref<128x128xi32, #tpu.memory_space<vmem>>, vector<1x16xi32>,
      %get3A_369 = vector.shape_cast %get3A_368 : vector<1x16xi32> to vector<16xi32>
      %get3A_370 = arith.index_cast %scan3A_242 : i32 to index
      %get3A_371 = arith.constant 112 : index
      %get3A_372 = tpu.vector_load %arg10[%get3A_370, %get3A_371] {strides = array<i32>} : memref<128x128xi32, #tpu.memory_space<vmem>>, vector<1x16xi32>,
      %get3A_373 = vector.shape_cast %get3A_372 : vector<1x16xi32> to vector<16xi32>
      %add3A_374 = arith.constant 32767 : i32
      %add3A_375 = vector.broadcast %add3A_374 : i32 to vector<16xi32>
      %add3A_376 = arith.addi %get3A_369, %add3A_375 : vector<16xi32>
      %shift_right_logical3A_377 = arith.constant 16 : i32
      %shift_right_logical3A_378 = vector.broadcast %shift_right_logical3A_377 : i32 to vector<16xi32>
      %shift_right_logical3A_379 = arith.shrui %get3A_369, %shift_right_logical3A_378 : vector<16xi32>
      %and3A_380 = arith.constant 1 : i32
      %and3A_381 = vector.broadcast %and3A_380 : i32 to vector<16xi32>
      %and3A_382 = arith.andi %shift_right_logical3A_379, %and3A_381 : vector<16xi32>
      %add3A_383 = arith.addi %add3A_376, %and3A_382 : vector<16xi32>
      %shift_right_logical3A_384 = arith.constant 16 : i32
      %shift_right_logical3A_385 = vector.broadcast %shift_right_logical3A_384 : i32 to vector<16xi32>
      %shift_right_logical3A_386 = arith.shrui %add3A_383, %shift_right_logical3A_385 : vector<16xi32>
      %add3A_387 = arith.constant 32767 : i32
      %add3A_388 = vector.broadcast %add3A_387 : i32 to vector<16xi32>
      %add3A_389 = arith.addi %get3A_373, %add3A_388 : vector<16xi32>
      %shift_right_logical3A_390 = arith.constant 16 : i32
      %shift_right_logical3A_391 = vector.broadcast %shift_right_logical3A_390 : i32 to vector<16xi32>
      %shift_right_logical3A_392 = arith.shrui %get3A_373, %shift_right_logical3A_391 : vector<16xi32>
      %and3A_393 = arith.constant 1 : i32
      %and3A_394 = vector.broadcast %and3A_393 : i32 to vector<16xi32>
      %and3A_395 = arith.andi %shift_right_logical3A_392, %and3A_394 : vector<16xi32>
      %add3A_396 = arith.addi %add3A_389, %and3A_395 : vector<16xi32>
      %shift_right_logical3A_397 = arith.constant 16 : i32
      %shift_right_logical3A_398 = vector.broadcast %shift_right_logical3A_397 : i32 to vector<16xi32>
      %shift_right_logical3A_399 = arith.shrui %add3A_396, %shift_right_logical3A_398 : vector<16xi32>
      %shift_left3A_400 = arith.constant 16 : i32
      %shift_left3A_401 = vector.broadcast %shift_left3A_400 : i32 to vector<16xi32>
      %shift_left3A_402 = arith.shli %shift_right_logical3A_399, %shift_left3A_401 : vector<16xi32>
      %or3A_403 = arith.ori %shift_left3A_402, %shift_right_logical3A_386 : vector<16xi32>
      %swap3A_404 = arith.index_cast %scan3A_242 : i32 to index
      %swap3A_405 = arith.constant 48 : index
      %swap3A_406 = tpu.vector_load %arg13[%swap3A_404, %swap3A_405] {strides = array<i32>} : memref<128x64xi32, #tpu.memory_space<vmem>>, vector<1x16xi32>,
      %swap3A_407 = vector.shape_cast %swap3A_406 : vector<1x16xi32> to vector<16xi32>
      %swap3A_408 = vector.shape_cast %or3A_403 : vector<16xi32> to vector<1x16xi32>
      tpu.vector_store %arg13[%swap3A_404, %swap3A_405], %swap3A_408 {strides = array<i32>} : memref<128x64xi32, #tpu.memory_space<vmem>>, vector<1x16xi32>,
    }
    %scan3A_85 = arith.constant 128 : i32
    %add3A_86 = arith.constant 256 : i32
    %add3A_87 = arith.addi %mul3A_2, %add3A_86 : i32
    %dma_start3A_88 = arith.constant 0 : i32
    %dma_start3A_89 = tpu.memref_slice %arg5[%add3A_87, %dma_start3A_88] : memref<32768x64xi32, #tpu.memory_space<hbm>> -> memref<128x64xi32, #tpu.memory_space<hbm>>
    %dma_start3A_90 = arith.constant 0 : i32
    %dma_start3A_91 = tpu.memref_slice %arg5[%add3A_87, %dma_start3A_90] : memref<32768x64xi32, #tpu.memory_space<hbm>> -> memref<128x64xi32, #tpu.memory_space<hbm>>
    tpu.enqueue_dma source(%arg13 : memref<128x64xi32, #tpu.memory_space<vmem>>) target(%dma_start3A_91 : memref<128x64xi32, #tpu.memory_space<hbm>>) target_semaphore(%arg19 : memref<!tpu.dma_semaphore, #tpu.memory_space<semaphore_mem>>)
    %dma_start3A_92 = arith.constant 5 : i32
    %dma_start3A_93 = arith.constant 0 : i32
    %dma_start3A_94 = tpu.memref_slice %arg7[%dma_start3A_92, %dma_start3A_93] : memref<8x128xi32, #tpu.memory_space<vmem>> -> memref<1x128xi32, #tpu.memory_space<vmem>>
    %dma_start3A_95 = tpu.memref_squeeze %dma_start3A_94 : memref<1x128xi32, #tpu.memory_space<vmem>> -> memref<128xi32, #tpu.memory_space<vmem>>
    %dma_start3A_96 = arith.constant 0 : i32
    %dma_start3A_97 = arith.constant 0 : i32
    %dma_start3A_98 = tpu.memref_slice %arg2[%dma_start3A_96, %dma_start3A_97] : memref<100000x128xi32, #tpu.memory_space<hbm>> -> memref<100000x128xi32, #tpu.memory_space<hbm>>
    tpu.enqueue_indirect_dma source(%dma_start3A_98 : memref<100000x128xi32, #tpu.memory_space<hbm>>) target(%arg10 : memref<128x128xi32, #tpu.memory_space<vmem>>) offsets(%dma_start3A_95 : memref<128xi32, #tpu.memory_space<vmem>>) semaphore(%arg16 : memref<!tpu.dma_semaphore, #tpu.memory_space<semaphore_mem>>)
    %dma_wait3A_99 = arith.constant 3 : i32
    %dma_wait3A_100 = arith.constant 0 : i32
    %dma_wait3A_101 = tpu.memref_slice %arg7[%dma_wait3A_99, %dma_wait3A_100] : memref<8x128xi32, #tpu.memory_space<vmem>> -> memref<1x128xi32, #tpu.memory_space<vmem>>
    %dma_wait3A_102 = tpu.memref_squeeze %dma_wait3A_101 : memref<1x128xi32, #tpu.memory_space<vmem>> -> memref<128xi32, #tpu.memory_space<vmem>>
    %dma_wait3A_103 = arith.constant 0 : i32
    %dma_wait3A_104 = arith.constant 0 : i32
    %dma_wait3A_105 = tpu.memref_slice %arg2[%dma_wait3A_103, %dma_wait3A_104] : memref<100000x128xi32, #tpu.memory_space<hbm>> -> memref<100000x128xi32, #tpu.memory_space<hbm>>
    tpu.wait_indirect_dma semaphore(%arg14 : memref<!tpu.dma_semaphore, #tpu.memory_space<semaphore_mem>>) src(%dma_wait3A_105 : memref<100000x128xi32, #tpu.memory_space<hbm>>) dst(%arg8 : memref<128x128xi32, #tpu.memory_space<vmem>>)
    %dma_wait3A_106 = arith.constant 0 : i32
    %dma_wait3A_107 = tpu.memref_slice %arg5[%add3A_35, %dma_wait3A_106] : memref<32768x64xi32, #tpu.memory_space<hbm>> -> memref<128x64xi32, #tpu.memory_space<hbm>>
    %dma_wait3A_108 = arith.constant 0 : i32
    %dma_wait3A_109 = tpu.memref_slice %arg5[%add3A_35, %dma_wait3A_108] : memref<32768x64xi32, #tpu.memory_space<hbm>> -> memref<128x64xi32, #tpu.memory_space<hbm>>
    tpu.wait_dma2 semaphore(%arg17 : memref<!tpu.dma_semaphore, #tpu.memory_space<semaphore_mem>>) src(%arg11 : memref<128x64xi32, #tpu.memory_space<vmem>>) dst(%dma_wait3A_109 : memref<128x64xi32, #tpu.memory_space<hbm>>)
    %scan3A_110 = arith.constant 0 : i32
    %scan3A_111 = arith.constant 0 : i32
    %scan3A_112 = arith.constant 128 : i32
    %scan3A_113 = arith.addi %scan3A_111, %scan3A_112 : i32
    %scan3A_114 = arith.constant 1 : i32
    scf.for %scan3A_242 = %scan3A_111 to %scan3A_113 step %scan3A_114  : i32 {
      %get3A = arith.index_cast %scan3A_242 : i32 to index
      %get3A_243 = arith.constant 0 : index
      %get3A_244 = tpu.vector_load %arg8[%get3A, %get3A_243] {strides = array<i32>} : memref<128x128xi32, #tpu.memory_space<vmem>>, vector<1x16xi32>,
      %get3A_245 = vector.shape_cast %get3A_244 : vector<1x16xi32> to vector<16xi32>
      %get3A_246 = arith.index_cast %scan3A_242 : i32 to index
      %get3A_247 = arith.constant 16 : index
      %get3A_248 = tpu.vector_load %arg8[%get3A_246, %get3A_247] {strides = array<i32>} : memref<128x128xi32, #tpu.memory_space<vmem>>, vector<1x16xi32>,
      %get3A_249 = vector.shape_cast %get3A_248 : vector<1x16xi32> to vector<16xi32>
      %add3A_250 = arith.constant 32767 : i32
      %add3A_251 = vector.broadcast %add3A_250 : i32 to vector<16xi32>
      %add3A_252 = arith.addi %get3A_245, %add3A_251 : vector<16xi32>
      %shift_right_logical3A = arith.constant 16 : i32
      %shift_right_logical3A_253 = vector.broadcast %shift_right_logical3A : i32 to vector<16xi32>
      %shift_right_logical3A_254 = arith.shrui %get3A_245, %shift_right_logical3A_253 : vector<16xi32>
      %and3A = arith.constant 1 : i32
      %and3A_255 = vector.broadcast %and3A : i32 to vector<16xi32>
      %and3A_256 = arith.andi %shift_right_logical3A_254, %and3A_255 : vector<16xi32>
      %add3A_257 = arith.addi %add3A_252, %and3A_256 : vector<16xi32>
      %shift_right_logical3A_258 = arith.constant 16 : i32
      %shift_right_logical3A_259 = vector.broadcast %shift_right_logical3A_258 : i32 to vector<16xi32>
      %shift_right_logical3A_260 = arith.shrui %add3A_257, %shift_right_logical3A_259 : vector<16xi32>
      %add3A_261 = arith.constant 32767 : i32
      %add3A_262 = vector.broadcast %add3A_261 : i32 to vector<16xi32>
      %add3A_263 = arith.addi %get3A_249, %add3A_262 : vector<16xi32>
      %shift_right_logical3A_264 = arith.constant 16 : i32
      %shift_right_logical3A_265 = vector.broadcast %shift_right_logical3A_264 : i32 to vector<16xi32>
      %shift_right_logical3A_266 = arith.shrui %get3A_249, %shift_right_logical3A_265 : vector<16xi32>
      %and3A_267 = arith.constant 1 : i32
      %and3A_268 = vector.broadcast %and3A_267 : i32 to vector<16xi32>
      %and3A_269 = arith.andi %shift_right_logical3A_266, %and3A_268 : vector<16xi32>
      %add3A_270 = arith.addi %add3A_263, %and3A_269 : vector<16xi32>
      %shift_right_logical3A_271 = arith.constant 16 : i32
      %shift_right_logical3A_272 = vector.broadcast %shift_right_logical3A_271 : i32 to vector<16xi32>
      %shift_right_logical3A_273 = arith.shrui %add3A_270, %shift_right_logical3A_272 : vector<16xi32>
      %shift_left3A = arith.constant 16 : i32
      %shift_left3A_274 = vector.broadcast %shift_left3A : i32 to vector<16xi32>
      %shift_left3A_275 = arith.shli %shift_right_logical3A_273, %shift_left3A_274 : vector<16xi32>
      %or3A = arith.ori %shift_left3A_275, %shift_right_logical3A_260 : vector<16xi32>
      %swap3A = arith.index_cast %scan3A_242 : i32 to index
      %swap3A_276 = arith.constant 0 : index
      %swap3A_277 = tpu.vector_load %arg11[%swap3A, %swap3A_276] {strides = array<i32>} : memref<128x64xi32, #tpu.memory_space<vmem>>, vector<1x16xi32>,
      %swap3A_278 = vector.shape_cast %swap3A_277 : vector<1x16xi32> to vector<16xi32>
      %swap3A_279 = vector.shape_cast %or3A : vector<16xi32> to vector<1x16xi32>
      tpu.vector_store %arg11[%swap3A, %swap3A_276], %swap3A_279 {strides = array<i32>} : memref<128x64xi32, #tpu.memory_space<vmem>>, vector<1x16xi32>,
      %get3A_280 = arith.index_cast %scan3A_242 : i32 to index
      %get3A_281 = arith.constant 32 : index
      %get3A_282 = tpu.vector_load %arg8[%get3A_280, %get3A_281] {strides = array<i32>} : memref<128x128xi32, #tpu.memory_space<vmem>>, vector<1x16xi32>,
      %get3A_283 = vector.shape_cast %get3A_282 : vector<1x16xi32> to vector<16xi32>
      %get3A_284 = arith.index_cast %scan3A_242 : i32 to index
      %get3A_285 = arith.constant 48 : index
      %get3A_286 = tpu.vector_load %arg8[%get3A_284, %get3A_285] {strides = array<i32>} : memref<128x128xi32, #tpu.memory_space<vmem>>, vector<1x16xi32>,
      %get3A_287 = vector.shape_cast %get3A_286 : vector<1x16xi32> to vector<16xi32>
      %add3A_288 = arith.constant 32767 : i32
      %add3A_289 = vector.broadcast %add3A_288 : i32 to vector<16xi32>
      %add3A_290 = arith.addi %get3A_283, %add3A_289 : vector<16xi32>
      %shift_right_logical3A_291 = arith.constant 16 : i32
      %shift_right_logical3A_292 = vector.broadcast %shift_right_logical3A_291 : i32 to vector<16xi32>
      %shift_right_logical3A_293 = arith.shrui %get3A_283, %shift_right_logical3A_292 : vector<16xi32>
      %and3A_294 = arith.constant 1 : i32
      %and3A_295 = vector.broadcast %and3A_294 : i32 to vector<16xi32>
      %and3A_296 = arith.andi %shift_right_logical3A_293, %and3A_295 : vector<16xi32>
      %add3A_297 = arith.addi %add3A_290, %and3A_296 : vector<16xi32>
      %shift_right_logical3A_298 = arith.constant 16 : i32
      %shift_right_logical3A_299 = vector.broadcast %shift_right_logical3A_298 : i32 to vector<16xi32>
      %shift_right_logical3A_300 = arith.shrui %add3A_297, %shift_right_logical3A_299 : vector<16xi32>
      %add3A_301 = arith.constant 32767 : i32
      %add3A_302 = vector.broadcast %add3A_301 : i32 to vector<16xi32>
      %add3A_303 = arith.addi %get3A_287, %add3A_302 : vector<16xi32>
      %shift_right_logical3A_304 = arith.constant 16 : i32
      %shift_right_logical3A_305 = vector.broadcast %shift_right_logical3A_304 : i32 to vector<16xi32>
      %shift_right_logical3A_306 = arith.shrui %get3A_287, %shift_right_logical3A_305 : vector<16xi32>
      %and3A_307 = arith.constant 1 : i32
      %and3A_308 = vector.broadcast %and3A_307 : i32 to vector<16xi32>
      %and3A_309 = arith.andi %shift_right_logical3A_306, %and3A_308 : vector<16xi32>
      %add3A_310 = arith.addi %add3A_303, %and3A_309 : vector<16xi32>
      %shift_right_logical3A_311 = arith.constant 16 : i32
      %shift_right_logical3A_312 = vector.broadcast %shift_right_logical3A_311 : i32 to vector<16xi32>
      %shift_right_logical3A_313 = arith.shrui %add3A_310, %shift_right_logical3A_312 : vector<16xi32>
      %shift_left3A_314 = arith.constant 16 : i32
      %shift_left3A_315 = vector.broadcast %shift_left3A_314 : i32 to vector<16xi32>
      %shift_left3A_316 = arith.shli %shift_right_logical3A_313, %shift_left3A_315 : vector<16xi32>
      %or3A_317 = arith.ori %shift_left3A_316, %shift_right_logical3A_300 : vector<16xi32>
      %swap3A_318 = arith.index_cast %scan3A_242 : i32 to index
      %swap3A_319 = arith.constant 16 : index
      %swap3A_320 = tpu.vector_load %arg11[%swap3A_318, %swap3A_319] {strides = array<i32>} : memref<128x64xi32, #tpu.memory_space<vmem>>, vector<1x16xi32>,
      %swap3A_321 = vector.shape_cast %swap3A_320 : vector<1x16xi32> to vector<16xi32>
      %swap3A_322 = vector.shape_cast %or3A_317 : vector<16xi32> to vector<1x16xi32>
      tpu.vector_store %arg11[%swap3A_318, %swap3A_319], %swap3A_322 {strides = array<i32>} : memref<128x64xi32, #tpu.memory_space<vmem>>, vector<1x16xi32>,
      %get3A_323 = arith.index_cast %scan3A_242 : i32 to index
      %get3A_324 = arith.constant 64 : index
      %get3A_325 = tpu.vector_load %arg8[%get3A_323, %get3A_324] {strides = array<i32>} : memref<128x128xi32, #tpu.memory_space<vmem>>, vector<1x16xi32>,
      %get3A_326 = vector.shape_cast %get3A_325 : vector<1x16xi32> to vector<16xi32>
      %get3A_327 = arith.index_cast %scan3A_242 : i32 to index
      %get3A_328 = arith.constant 80 : index
      %get3A_329 = tpu.vector_load %arg8[%get3A_327, %get3A_328] {strides = array<i32>} : memref<128x128xi32, #tpu.memory_space<vmem>>, vector<1x16xi32>,
      %get3A_330 = vector.shape_cast %get3A_329 : vector<1x16xi32> to vector<16xi32>
      %add3A_331 = arith.constant 32767 : i32
      %add3A_332 = vector.broadcast %add3A_331 : i32 to vector<16xi32>
      %add3A_333 = arith.addi %get3A_326, %add3A_332 : vector<16xi32>
      %shift_right_logical3A_334 = arith.constant 16 : i32
      %shift_right_logical3A_335 = vector.broadcast %shift_right_logical3A_334 : i32 to vector<16xi32>
      %shift_right_logical3A_336 = arith.shrui %get3A_326, %shift_right_logical3A_335 : vector<16xi32>
      %and3A_337 = arith.constant 1 : i32
      %and3A_338 = vector.broadcast %and3A_337 : i32 to vector<16xi32>
      %and3A_339 = arith.andi %shift_right_logical3A_336, %and3A_338 : vector<16xi32>
      %add3A_340 = arith.addi %add3A_333, %and3A_339 : vector<16xi32>
      %shift_right_logical3A_341 = arith.constant 16 : i32
      %shift_right_logical3A_342 = vector.broadcast %shift_right_logical3A_341 : i32 to vector<16xi32>
      %shift_right_logical3A_343 = arith.shrui %add3A_340, %shift_right_logical3A_342 : vector<16xi32>
      %add3A_344 = arith.constant 32767 : i32
      %add3A_345 = vector.broadcast %add3A_344 : i32 to vector<16xi32>
      %add3A_346 = arith.addi %get3A_330, %add3A_345 : vector<16xi32>
      %shift_right_logical3A_347 = arith.constant 16 : i32
      %shift_right_logical3A_348 = vector.broadcast %shift_right_logical3A_347 : i32 to vector<16xi32>
      %shift_right_logical3A_349 = arith.shrui %get3A_330, %shift_right_logical3A_348 : vector<16xi32>
      %and3A_350 = arith.constant 1 : i32
      %and3A_351 = vector.broadcast %and3A_350 : i32 to vector<16xi32>
      %and3A_352 = arith.andi %shift_right_logical3A_349, %and3A_351 : vector<16xi32>
      %add3A_353 = arith.addi %add3A_346, %and3A_352 : vector<16xi32>
      %shift_right_logical3A_354 = arith.constant 16 : i32
      %shift_right_logical3A_355 = vector.broadcast %shift_right_logical3A_354 : i32 to vector<16xi32>
      %shift_right_logical3A_356 = arith.shrui %add3A_353, %shift_right_logical3A_355 : vector<16xi32>
      %shift_left3A_357 = arith.constant 16 : i32
      %shift_left3A_358 = vector.broadcast %shift_left3A_357 : i32 to vector<16xi32>
      %shift_left3A_359 = arith.shli %shift_right_logical3A_356, %shift_left3A_358 : vector<16xi32>
      %or3A_360 = arith.ori %shift_left3A_359, %shift_right_logical3A_343 : vector<16xi32>
      %swap3A_361 = arith.index_cast %scan3A_242 : i32 to index
      %swap3A_362 = arith.constant 32 : index
      %swap3A_363 = tpu.vector_load %arg11[%swap3A_361, %swap3A_362] {strides = array<i32>} : memref<128x64xi32, #tpu.memory_space<vmem>>, vector<1x16xi32>,
      %swap3A_364 = vector.shape_cast %swap3A_363 : vector<1x16xi32> to vector<16xi32>
      %swap3A_365 = vector.shape_cast %or3A_360 : vector<16xi32> to vector<1x16xi32>
      tpu.vector_store %arg11[%swap3A_361, %swap3A_362], %swap3A_365 {strides = array<i32>} : memref<128x64xi32, #tpu.memory_space<vmem>>, vector<1x16xi32>,
      %get3A_366 = arith.index_cast %scan3A_242 : i32 to index
      %get3A_367 = arith.constant 96 : index
      %get3A_368 = tpu.vector_load %arg8[%get3A_366, %get3A_367] {strides = array<i32>} : memref<128x128xi32, #tpu.memory_space<vmem>>, vector<1x16xi32>,
      %get3A_369 = vector.shape_cast %get3A_368 : vector<1x16xi32> to vector<16xi32>
      %get3A_370 = arith.index_cast %scan3A_242 : i32 to index
      %get3A_371 = arith.constant 112 : index
      %get3A_372 = tpu.vector_load %arg8[%get3A_370, %get3A_371] {strides = array<i32>} : memref<128x128xi32, #tpu.memory_space<vmem>>, vector<1x16xi32>,
      %get3A_373 = vector.shape_cast %get3A_372 : vector<1x16xi32> to vector<16xi32>
      %add3A_374 = arith.constant 32767 : i32
      %add3A_375 = vector.broadcast %add3A_374 : i32 to vector<16xi32>
      %add3A_376 = arith.addi %get3A_369, %add3A_375 : vector<16xi32>
      %shift_right_logical3A_377 = arith.constant 16 : i32
      %shift_right_logical3A_378 = vector.broadcast %shift_right_logical3A_377 : i32 to vector<16xi32>
      %shift_right_logical3A_379 = arith.shrui %get3A_369, %shift_right_logical3A_378 : vector<16xi32>
      %and3A_380 = arith.constant 1 : i32
      %and3A_381 = vector.broadcast %and3A_380 : i32 to vector<16xi32>
      %and3A_382 = arith.andi %shift_right_logical3A_379, %and3A_381 : vector<16xi32>
      %add3A_383 = arith.addi %add3A_376, %and3A_382 : vector<16xi32>
      %shift_right_logical3A_384 = arith.constant 16 : i32
      %shift_right_logical3A_385 = vector.broadcast %shift_right_logical3A_384 : i32 to vector<16xi32>
      %shift_right_logical3A_386 = arith.shrui %add3A_383, %shift_right_logical3A_385 : vector<16xi32>
      %add3A_387 = arith.constant 32767 : i32
      %add3A_388 = vector.broadcast %add3A_387 : i32 to vector<16xi32>
      %add3A_389 = arith.addi %get3A_373, %add3A_388 : vector<16xi32>
      %shift_right_logical3A_390 = arith.constant 16 : i32
      %shift_right_logical3A_391 = vector.broadcast %shift_right_logical3A_390 : i32 to vector<16xi32>
      %shift_right_logical3A_392 = arith.shrui %get3A_373, %shift_right_logical3A_391 : vector<16xi32>
      %and3A_393 = arith.constant 1 : i32
      %and3A_394 = vector.broadcast %and3A_393 : i32 to vector<16xi32>
      %and3A_395 = arith.andi %shift_right_logical3A_392, %and3A_394 : vector<16xi32>
      %add3A_396 = arith.addi %add3A_389, %and3A_395 : vector<16xi32>
      %shift_right_logical3A_397 = arith.constant 16 : i32
      %shift_right_logical3A_398 = vector.broadcast %shift_right_logical3A_397 : i32 to vector<16xi32>
      %shift_right_logical3A_399 = arith.shrui %add3A_396, %shift_right_logical3A_398 : vector<16xi32>
      %shift_left3A_400 = arith.constant 16 : i32
      %shift_left3A_401 = vector.broadcast %shift_left3A_400 : i32 to vector<16xi32>
      %shift_left3A_402 = arith.shli %shift_right_logical3A_399, %shift_left3A_401 : vector<16xi32>
      %or3A_403 = arith.ori %shift_left3A_402, %shift_right_logical3A_386 : vector<16xi32>
      %swap3A_404 = arith.index_cast %scan3A_242 : i32 to index
      %swap3A_405 = arith.constant 48 : index
      %swap3A_406 = tpu.vector_load %arg11[%swap3A_404, %swap3A_405] {strides = array<i32>} : memref<128x64xi32, #tpu.memory_space<vmem>>, vector<1x16xi32>,
      %swap3A_407 = vector.shape_cast %swap3A_406 : vector<1x16xi32> to vector<16xi32>
      %swap3A_408 = vector.shape_cast %or3A_403 : vector<16xi32> to vector<1x16xi32>
      tpu.vector_store %arg11[%swap3A_404, %swap3A_405], %swap3A_408 {strides = array<i32>} : memref<128x64xi32, #tpu.memory_space<vmem>>, vector<1x16xi32>,
    }
    %scan3A_115 = arith.constant 128 : i32
    %add3A_116 = arith.constant 384 : i32
    %add3A_117 = arith.addi %mul3A_2, %add3A_116 : i32
    %dma_start3A_118 = arith.constant 0 : i32
    %dma_start3A_119 = tpu.memref_slice %arg5[%add3A_117, %dma_start3A_118] : memref<32768x64xi32, #tpu.memory_space<hbm>> -> memref<128x64xi32, #tpu.memory_space<hbm>>
    %dma_start3A_120 = arith.constant 0 : i32
    %dma_start3A_121 = tpu.memref_slice %arg5[%add3A_117, %dma_start3A_120] : memref<32768x64xi32, #tpu.memory_space<hbm>> -> memref<128x64xi32, #tpu.memory_space<hbm>>
    tpu.enqueue_dma source(%arg11 : memref<128x64xi32, #tpu.memory_space<vmem>>) target(%dma_start3A_121 : memref<128x64xi32, #tpu.memory_space<hbm>>) target_semaphore(%arg17 : memref<!tpu.dma_semaphore, #tpu.memory_space<semaphore_mem>>)
    %dma_start3A_122 = arith.constant 6 : i32
    %dma_start3A_123 = arith.constant 0 : i32
    %dma_start3A_124 = tpu.memref_slice %arg7[%dma_start3A_122, %dma_start3A_123] : memref<8x128xi32, #tpu.memory_space<vmem>> -> memref<1x128xi32, #tpu.memory_space<vmem>>
    %dma_start3A_125 = tpu.memref_squeeze %dma_start3A_124 : memref<1x128xi32, #tpu.memory_space<vmem>> -> memref<128xi32, #tpu.memory_space<vmem>>
    %dma_start3A_126 = arith.constant 0 : i32
    %dma_start3A_127 = arith.constant 0 : i32
    %dma_start3A_128 = tpu.memref_slice %arg2[%dma_start3A_126, %dma_start3A_127] : memref<100000x128xi32, #tpu.memory_space<hbm>> -> memref<100000x128xi32, #tpu.memory_space<hbm>>
    tpu.enqueue_indirect_dma source(%dma_start3A_128 : memref<100000x128xi32, #tpu.memory_space<hbm>>) target(%arg8 : memref<128x128xi32, #tpu.memory_space<vmem>>) offsets(%dma_start3A_125 : memref<128xi32, #tpu.memory_space<vmem>>) semaphore(%arg14 : memref<!tpu.dma_semaphore, #tpu.memory_space<semaphore_mem>>)
    %dma_wait3A_129 = arith.constant 4 : i32
    %dma_wait3A_130 = arith.constant 0 : i32
    %dma_wait3A_131 = tpu.memref_slice %arg7[%dma_wait3A_129, %dma_wait3A_130] : memref<8x128xi32, #tpu.memory_space<vmem>> -> memref<1x128xi32, #tpu.memory_space<vmem>>
    %dma_wait3A_132 = tpu.memref_squeeze %dma_wait3A_131 : memref<1x128xi32, #tpu.memory_space<vmem>> -> memref<128xi32, #tpu.memory_space<vmem>>
    %dma_wait3A_133 = arith.constant 0 : i32
    %dma_wait3A_134 = arith.constant 0 : i32
    %dma_wait3A_135 = tpu.memref_slice %arg2[%dma_wait3A_133, %dma_wait3A_134] : memref<100000x128xi32, #tpu.memory_space<hbm>> -> memref<100000x128xi32, #tpu.memory_space<hbm>>
    tpu.wait_indirect_dma semaphore(%arg15 : memref<!tpu.dma_semaphore, #tpu.memory_space<semaphore_mem>>) src(%dma_wait3A_135 : memref<100000x128xi32, #tpu.memory_space<hbm>>) dst(%arg9 : memref<128x128xi32, #tpu.memory_space<vmem>>)
    %dma_wait3A_136 = arith.constant 0 : i32
    %dma_wait3A_137 = tpu.memref_slice %arg5[%add3A_61, %dma_wait3A_136] : memref<32768x64xi32, #tpu.memory_space<hbm>> -> memref<128x64xi32, #tpu.memory_space<hbm>>
    %dma_wait3A_138 = arith.constant 0 : i32
    %dma_wait3A_139 = tpu.memref_slice %arg5[%add3A_61, %dma_wait3A_138] : memref<32768x64xi32, #tpu.memory_space<hbm>> -> memref<128x64xi32, #tpu.memory_space<hbm>>
    tpu.wait_dma2 semaphore(%arg18 : memref<!tpu.dma_semaphore, #tpu.memory_space<semaphore_mem>>) src(%arg12 : memref<128x64xi32, #tpu.memory_space<vmem>>) dst(%dma_wait3A_139 : memref<128x64xi32, #tpu.memory_space<hbm>>)
    %scan3A_140 = arith.constant 0 : i32
    %scan3A_141 = arith.constant 0 : i32
    %scan3A_142 = arith.constant 128 : i32
    %scan3A_143 = arith.addi %scan3A_141, %scan3A_142 : i32
    %scan3A_144 = arith.constant 1 : i32
    scf.for %scan3A_242 = %scan3A_141 to %scan3A_143 step %scan3A_144  : i32 {
      %get3A = arith.index_cast %scan3A_242 : i32 to index
      %get3A_243 = arith.constant 0 : index
      %get3A_244 = tpu.vector_load %arg9[%get3A, %get3A_243] {strides = array<i32>} : memref<128x128xi32, #tpu.memory_space<vmem>>, vector<1x16xi32>,
      %get3A_245 = vector.shape_cast %get3A_244 : vector<1x16xi32> to vector<16xi32>
      %get3A_246 = arith.index_cast %scan3A_242 : i32 to index
      %get3A_247 = arith.constant 16 : index
      %get3A_248 = tpu.vector_load %arg9[%get3A_246, %get3A_247] {strides = array<i32>} : memref<128x128xi32, #tpu.memory_space<vmem>>, vector<1x16xi32>,
      %get3A_249 = vector.shape_cast %get3A_248 : vector<1x16xi32> to vector<16xi32>
      %add3A_250 = arith.constant 32767 : i32
      %add3A_251 = vector.broadcast %add3A_250 : i32 to vector<16xi32>
      %add3A_252 = arith.addi %get3A_245, %add3A_251 : vector<16xi32>
      %shift_right_logical3A = arith.constant 16 : i32
      %shift_right_logical3A_253 = vector.broadcast %shift_right_logical3A : i32 to vector<16xi32>
      %shift_right_logical3A_254 = arith.shrui %get3A_245, %shift_right_logical3A_253 : vector<16xi32>
      %and3A = arith.constant 1 : i32
      %and3A_255 = vector.broadcast %and3A : i32 to vector<16xi32>
      %and3A_256 = arith.andi %shift_right_logical3A_254, %and3A_255 : vector<16xi32>
      %add3A_257 = arith.addi %add3A_252, %and3A_256 : vector<16xi32>
      %shift_right_logical3A_258 = arith.constant 16 : i32
      %shift_right_logical3A_259 = vector.broadcast %shift_right_logical3A_258 : i32 to vector<16xi32>
      %shift_right_logical3A_260 = arith.shrui %add3A_257, %shift_right_logical3A_259 : vector<16xi32>
      %add3A_261 = arith.constant 32767 : i32
      %add3A_262 = vector.broadcast %add3A_261 : i32 to vector<16xi32>
      %add3A_263 = arith.addi %get3A_249, %add3A_262 : vector<16xi32>
      %shift_right_logical3A_264 = arith.constant 16 : i32
      %shift_right_logical3A_265 = vector.broadcast %shift_right_logical3A_264 : i32 to vector<16xi32>
      %shift_right_logical3A_266 = arith.shrui %get3A_249, %shift_right_logical3A_265 : vector<16xi32>
      %and3A_267 = arith.constant 1 : i32
      %and3A_268 = vector.broadcast %and3A_267 : i32 to vector<16xi32>
      %and3A_269 = arith.andi %shift_right_logical3A_266, %and3A_268 : vector<16xi32>
      %add3A_270 = arith.addi %add3A_263, %and3A_269 : vector<16xi32>
      %shift_right_logical3A_271 = arith.constant 16 : i32
      %shift_right_logical3A_272 = vector.broadcast %shift_right_logical3A_271 : i32 to vector<16xi32>
      %shift_right_logical3A_273 = arith.shrui %add3A_270, %shift_right_logical3A_272 : vector<16xi32>
      %shift_left3A = arith.constant 16 : i32
      %shift_left3A_274 = vector.broadcast %shift_left3A : i32 to vector<16xi32>
      %shift_left3A_275 = arith.shli %shift_right_logical3A_273, %shift_left3A_274 : vector<16xi32>
      %or3A = arith.ori %shift_left3A_275, %shift_right_logical3A_260 : vector<16xi32>
      %swap3A = arith.index_cast %scan3A_242 : i32 to index
      %swap3A_276 = arith.constant 0 : index
      %swap3A_277 = tpu.vector_load %arg12[%swap3A, %swap3A_276] {strides = array<i32>} : memref<128x64xi32, #tpu.memory_space<vmem>>, vector<1x16xi32>,
      %swap3A_278 = vector.shape_cast %swap3A_277 : vector<1x16xi32> to vector<16xi32>
      %swap3A_279 = vector.shape_cast %or3A : vector<16xi32> to vector<1x16xi32>
      tpu.vector_store %arg12[%swap3A, %swap3A_276], %swap3A_279 {strides = array<i32>} : memref<128x64xi32, #tpu.memory_space<vmem>>, vector<1x16xi32>,
      %get3A_280 = arith.index_cast %scan3A_242 : i32 to index
      %get3A_281 = arith.constant 32 : index
      %get3A_282 = tpu.vector_load %arg9[%get3A_280, %get3A_281] {strides = array<i32>} : memref<128x128xi32, #tpu.memory_space<vmem>>, vector<1x16xi32>,
      %get3A_283 = vector.shape_cast %get3A_282 : vector<1x16xi32> to vector<16xi32>
      %get3A_284 = arith.index_cast %scan3A_242 : i32 to index
      %get3A_285 = arith.constant 48 : index
      %get3A_286 = tpu.vector_load %arg9[%get3A_284, %get3A_285] {strides = array<i32>} : memref<128x128xi32, #tpu.memory_space<vmem>>, vector<1x16xi32>,
      %get3A_287 = vector.shape_cast %get3A_286 : vector<1x16xi32> to vector<16xi32>
      %add3A_288 = arith.constant 32767 : i32
      %add3A_289 = vector.broadcast %add3A_288 : i32 to vector<16xi32>
      %add3A_290 = arith.addi %get3A_283, %add3A_289 : vector<16xi32>
      %shift_right_logical3A_291 = arith.constant 16 : i32
      %shift_right_logical3A_292 = vector.broadcast %shift_right_logical3A_291 : i32 to vector<16xi32>
      %shift_right_logical3A_293 = arith.shrui %get3A_283, %shift_right_logical3A_292 : vector<16xi32>
      %and3A_294 = arith.constant 1 : i32
      %and3A_295 = vector.broadcast %and3A_294 : i32 to vector<16xi32>
      %and3A_296 = arith.andi %shift_right_logical3A_293, %and3A_295 : vector<16xi32>
      %add3A_297 = arith.addi %add3A_290, %and3A_296 : vector<16xi32>
      %shift_right_logical3A_298 = arith.constant 16 : i32
      %shift_right_logical3A_299 = vector.broadcast %shift_right_logical3A_298 : i32 to vector<16xi32>
      %shift_right_logical3A_300 = arith.shrui %add3A_297, %shift_right_logical3A_299 : vector<16xi32>
      %add3A_301 = arith.constant 32767 : i32
      %add3A_302 = vector.broadcast %add3A_301 : i32 to vector<16xi32>
      %add3A_303 = arith.addi %get3A_287, %add3A_302 : vector<16xi32>
      %shift_right_logical3A_304 = arith.constant 16 : i32
      %shift_right_logical3A_305 = vector.broadcast %shift_right_logical3A_304 : i32 to vector<16xi32>
      %shift_right_logical3A_306 = arith.shrui %get3A_287, %shift_right_logical3A_305 : vector<16xi32>
      %and3A_307 = arith.constant 1 : i32
      %and3A_308 = vector.broadcast %and3A_307 : i32 to vector<16xi32>
      %and3A_309 = arith.andi %shift_right_logical3A_306, %and3A_308 : vector<16xi32>
      %add3A_310 = arith.addi %add3A_303, %and3A_309 : vector<16xi32>
      %shift_right_logical3A_311 = arith.constant 16 : i32
      %shift_right_logical3A_312 = vector.broadcast %shift_right_logical3A_311 : i32 to vector<16xi32>
      %shift_right_logical3A_313 = arith.shrui %add3A_310, %shift_right_logical3A_312 : vector<16xi32>
      %shift_left3A_314 = arith.constant 16 : i32
      %shift_left3A_315 = vector.broadcast %shift_left3A_314 : i32 to vector<16xi32>
      %shift_left3A_316 = arith.shli %shift_right_logical3A_313, %shift_left3A_315 : vector<16xi32>
      %or3A_317 = arith.ori %shift_left3A_316, %shift_right_logical3A_300 : vector<16xi32>
      %swap3A_318 = arith.index_cast %scan3A_242 : i32 to index
      %swap3A_319 = arith.constant 16 : index
      %swap3A_320 = tpu.vector_load %arg12[%swap3A_318, %swap3A_319] {strides = array<i32>} : memref<128x64xi32, #tpu.memory_space<vmem>>, vector<1x16xi32>,
      %swap3A_321 = vector.shape_cast %swap3A_320 : vector<1x16xi32> to vector<16xi32>
      %swap3A_322 = vector.shape_cast %or3A_317 : vector<16xi32> to vector<1x16xi32>
      tpu.vector_store %arg12[%swap3A_318, %swap3A_319], %swap3A_322 {strides = array<i32>} : memref<128x64xi32, #tpu.memory_space<vmem>>, vector<1x16xi32>,
      %get3A_323 = arith.index_cast %scan3A_242 : i32 to index
      %get3A_324 = arith.constant 64 : index
      %get3A_325 = tpu.vector_load %arg9[%get3A_323, %get3A_324] {strides = array<i32>} : memref<128x128xi32, #tpu.memory_space<vmem>>, vector<1x16xi32>,
      %get3A_326 = vector.shape_cast %get3A_325 : vector<1x16xi32> to vector<16xi32>
      %get3A_327 = arith.index_cast %scan3A_242 : i32 to index
      %get3A_328 = arith.constant 80 : index
      %get3A_329 = tpu.vector_load %arg9[%get3A_327, %get3A_328] {strides = array<i32>} : memref<128x128xi32, #tpu.memory_space<vmem>>, vector<1x16xi32>,
      %get3A_330 = vector.shape_cast %get3A_329 : vector<1x16xi32> to vector<16xi32>
      %add3A_331 = arith.constant 32767 : i32
      %add3A_332 = vector.broadcast %add3A_331 : i32 to vector<16xi32>
      %add3A_333 = arith.addi %get3A_326, %add3A_332 : vector<16xi32>
      %shift_right_logical3A_334 = arith.constant 16 : i32
      %shift_right_logical3A_335 = vector.broadcast %shift_right_logical3A_334 : i32 to vector<16xi32>
      %shift_right_logical3A_336 = arith.shrui %get3A_326, %shift_right_logical3A_335 : vector<16xi32>
      %and3A_337 = arith.constant 1 : i32
      %and3A_338 = vector.broadcast %and3A_337 : i32 to vector<16xi32>
      %and3A_339 = arith.andi %shift_right_logical3A_336, %and3A_338 : vector<16xi32>
      %add3A_340 = arith.addi %add3A_333, %and3A_339 : vector<16xi32>
      %shift_right_logical3A_341 = arith.constant 16 : i32
      %shift_right_logical3A_342 = vector.broadcast %shift_right_logical3A_341 : i32 to vector<16xi32>
      %shift_right_logical3A_343 = arith.shrui %add3A_340, %shift_right_logical3A_342 : vector<16xi32>
      %add3A_344 = arith.constant 32767 : i32
      %add3A_345 = vector.broadcast %add3A_344 : i32 to vector<16xi32>
      %add3A_346 = arith.addi %get3A_330, %add3A_345 : vector<16xi32>
      %shift_right_logical3A_347 = arith.constant 16 : i32
      %shift_right_logical3A_348 = vector.broadcast %shift_right_logical3A_347 : i32 to vector<16xi32>
      %shift_right_logical3A_349 = arith.shrui %get3A_330, %shift_right_logical3A_348 : vector<16xi32>
      %and3A_350 = arith.constant 1 : i32
      %and3A_351 = vector.broadcast %and3A_350 : i32 to vector<16xi32>
      %and3A_352 = arith.andi %shift_right_logical3A_349, %and3A_351 : vector<16xi32>
      %add3A_353 = arith.addi %add3A_346, %and3A_352 : vector<16xi32>
      %shift_right_logical3A_354 = arith.constant 16 : i32
      %shift_right_logical3A_355 = vector.broadcast %shift_right_logical3A_354 : i32 to vector<16xi32>
      %shift_right_logical3A_356 = arith.shrui %add3A_353, %shift_right_logical3A_355 : vector<16xi32>
      %shift_left3A_357 = arith.constant 16 : i32
      %shift_left3A_358 = vector.broadcast %shift_left3A_357 : i32 to vector<16xi32>
      %shift_left3A_359 = arith.shli %shift_right_logical3A_356, %shift_left3A_358 : vector<16xi32>
      %or3A_360 = arith.ori %shift_left3A_359, %shift_right_logical3A_343 : vector<16xi32>
      %swap3A_361 = arith.index_cast %scan3A_242 : i32 to index
      %swap3A_362 = arith.constant 32 : index
      %swap3A_363 = tpu.vector_load %arg12[%swap3A_361, %swap3A_362] {strides = array<i32>} : memref<128x64xi32, #tpu.memory_space<vmem>>, vector<1x16xi32>,
      %swap3A_364 = vector.shape_cast %swap3A_363 : vector<1x16xi32> to vector<16xi32>
      %swap3A_365 = vector.shape_cast %or3A_360 : vector<16xi32> to vector<1x16xi32>
      tpu.vector_store %arg12[%swap3A_361, %swap3A_362], %swap3A_365 {strides = array<i32>} : memref<128x64xi32, #tpu.memory_space<vmem>>, vector<1x16xi32>,
      %get3A_366 = arith.index_cast %scan3A_242 : i32 to index
      %get3A_367 = arith.constant 96 : index
      %get3A_368 = tpu.vector_load %arg9[%get3A_366, %get3A_367] {strides = array<i32>} : memref<128x128xi32, #tpu.memory_space<vmem>>, vector<1x16xi32>,
      %get3A_369 = vector.shape_cast %get3A_368 : vector<1x16xi32> to vector<16xi32>
      %get3A_370 = arith.index_cast %scan3A_242 : i32 to index
      %get3A_371 = arith.constant 112 : index
      %get3A_372 = tpu.vector_load %arg9[%get3A_370, %get3A_371] {strides = array<i32>} : memref<128x128xi32, #tpu.memory_space<vmem>>, vector<1x16xi32>,
      %get3A_373 = vector.shape_cast %get3A_372 : vector<1x16xi32> to vector<16xi32>
      %add3A_374 = arith.constant 32767 : i32
      %add3A_375 = vector.broadcast %add3A_374 : i32 to vector<16xi32>
      %add3A_376 = arith.addi %get3A_369, %add3A_375 : vector<16xi32>
      %shift_right_logical3A_377 = arith.constant 16 : i32
      %shift_right_logical3A_378 = vector.broadcast %shift_right_logical3A_377 : i32 to vector<16xi32>
      %shift_right_logical3A_379 = arith.shrui %get3A_369, %shift_right_logical3A_378 : vector<16xi32>
      %and3A_380 = arith.constant 1 : i32
      %and3A_381 = vector.broadcast %and3A_380 : i32 to vector<16xi32>
      %and3A_382 = arith.andi %shift_right_logical3A_379, %and3A_381 : vector<16xi32>
      %add3A_383 = arith.addi %add3A_376, %and3A_382 : vector<16xi32>
      %shift_right_logical3A_384 = arith.constant 16 : i32
      %shift_right_logical3A_385 = vector.broadcast %shift_right_logical3A_384 : i32 to vector<16xi32>
      %shift_right_logical3A_386 = arith.shrui %add3A_383, %shift_right_logical3A_385 : vector<16xi32>
      %add3A_387 = arith.constant 32767 : i32
      %add3A_388 = vector.broadcast %add3A_387 : i32 to vector<16xi32>
      %add3A_389 = arith.addi %get3A_373, %add3A_388 : vector<16xi32>
      %shift_right_logical3A_390 = arith.constant 16 : i32
      %shift_right_logical3A_391 = vector.broadcast %shift_right_logical3A_390 : i32 to vector<16xi32>
      %shift_right_logical3A_392 = arith.shrui %get3A_373, %shift_right_logical3A_391 : vector<16xi32>
      %and3A_393 = arith.constant 1 : i32
      %and3A_394 = vector.broadcast %and3A_393 : i32 to vector<16xi32>
      %and3A_395 = arith.andi %shift_right_logical3A_392, %and3A_394 : vector<16xi32>
      %add3A_396 = arith.addi %add3A_389, %and3A_395 : vector<16xi32>
      %shift_right_logical3A_397 = arith.constant 16 : i32
      %shift_right_logical3A_398 = vector.broadcast %shift_right_logical3A_397 : i32 to vector<16xi32>
      %shift_right_logical3A_399 = arith.shrui %add3A_396, %shift_right_logical3A_398 : vector<16xi32>
      %shift_left3A_400 = arith.constant 16 : i32
      %shift_left3A_401 = vector.broadcast %shift_left3A_400 : i32 to vector<16xi32>
      %shift_left3A_402 = arith.shli %shift_right_logical3A_399, %shift_left3A_401 : vector<16xi32>
      %or3A_403 = arith.ori %shift_left3A_402, %shift_right_logical3A_386 : vector<16xi32>
      %swap3A_404 = arith.index_cast %scan3A_242 : i32 to index
      %swap3A_405 = arith.constant 48 : index
      %swap3A_406 = tpu.vector_load %arg12[%swap3A_404, %swap3A_405] {strides = array<i32>} : memref<128x64xi32, #tpu.memory_space<vmem>>, vector<1x16xi32>,
      %swap3A_407 = vector.shape_cast %swap3A_406 : vector<1x16xi32> to vector<16xi32>
      %swap3A_408 = vector.shape_cast %or3A_403 : vector<16xi32> to vector<1x16xi32>
      tpu.vector_store %arg12[%swap3A_404, %swap3A_405], %swap3A_408 {strides = array<i32>} : memref<128x64xi32, #tpu.memory_space<vmem>>, vector<1x16xi32>,
    }
    %scan3A_145 = arith.constant 128 : i32
    %add3A_146 = arith.constant 512 : i32
    %add3A_147 = arith.addi %mul3A_2, %add3A_146 : i32
    %dma_start3A_148 = arith.constant 0 : i32
    %dma_start3A_149 = tpu.memref_slice %arg5[%add3A_147, %dma_start3A_148] : memref<32768x64xi32, #tpu.memory_space<hbm>> -> memref<128x64xi32, #tpu.memory_space<hbm>>
    %dma_start3A_150 = arith.constant 0 : i32
    %dma_start3A_151 = tpu.memref_slice %arg5[%add3A_147, %dma_start3A_150] : memref<32768x64xi32, #tpu.memory_space<hbm>> -> memref<128x64xi32, #tpu.memory_space<hbm>>
    tpu.enqueue_dma source(%arg12 : memref<128x64xi32, #tpu.memory_space<vmem>>) target(%dma_start3A_151 : memref<128x64xi32, #tpu.memory_space<hbm>>) target_semaphore(%arg18 : memref<!tpu.dma_semaphore, #tpu.memory_space<semaphore_mem>>)
    %dma_start3A_152 = arith.constant 7 : i32
    %dma_start3A_153 = arith.constant 0 : i32
    %dma_start3A_154 = tpu.memref_slice %arg7[%dma_start3A_152, %dma_start3A_153] : memref<8x128xi32, #tpu.memory_space<vmem>> -> memref<1x128xi32, #tpu.memory_space<vmem>>
    %dma_start3A_155 = tpu.memref_squeeze %dma_start3A_154 : memref<1x128xi32, #tpu.memory_space<vmem>> -> memref<128xi32, #tpu.memory_space<vmem>>
    %dma_start3A_156 = arith.constant 0 : i32
    %dma_start3A_157 = arith.constant 0 : i32
    %dma_start3A_158 = tpu.memref_slice %arg2[%dma_start3A_156, %dma_start3A_157] : memref<100000x128xi32, #tpu.memory_space<hbm>> -> memref<100000x128xi32, #tpu.memory_space<hbm>>
    tpu.enqueue_indirect_dma source(%dma_start3A_158 : memref<100000x128xi32, #tpu.memory_space<hbm>>) target(%arg9 : memref<128x128xi32, #tpu.memory_space<vmem>>) offsets(%dma_start3A_155 : memref<128xi32, #tpu.memory_space<vmem>>) semaphore(%arg15 : memref<!tpu.dma_semaphore, #tpu.memory_space<semaphore_mem>>)
    %dma_wait3A_159 = arith.constant 5 : i32
    %dma_wait3A_160 = arith.constant 0 : i32
    %dma_wait3A_161 = tpu.memref_slice %arg7[%dma_wait3A_159, %dma_wait3A_160] : memref<8x128xi32, #tpu.memory_space<vmem>> -> memref<1x128xi32, #tpu.memory_space<vmem>>
    %dma_wait3A_162 = tpu.memref_squeeze %dma_wait3A_161 : memref<1x128xi32, #tpu.memory_space<vmem>> -> memref<128xi32, #tpu.memory_space<vmem>>
    %dma_wait3A_163 = arith.constant 0 : i32
    %dma_wait3A_164 = arith.constant 0 : i32
    %dma_wait3A_165 = tpu.memref_slice %arg2[%dma_wait3A_163, %dma_wait3A_164] : memref<100000x128xi32, #tpu.memory_space<hbm>> -> memref<100000x128xi32, #tpu.memory_space<hbm>>
    tpu.wait_indirect_dma semaphore(%arg16 : memref<!tpu.dma_semaphore, #tpu.memory_space<semaphore_mem>>) src(%dma_wait3A_165 : memref<100000x128xi32, #tpu.memory_space<hbm>>) dst(%arg10 : memref<128x128xi32, #tpu.memory_space<vmem>>)
    %dma_wait3A_166 = arith.constant 0 : i32
    %dma_wait3A_167 = tpu.memref_slice %arg5[%add3A_87, %dma_wait3A_166] : memref<32768x64xi32, #tpu.memory_space<hbm>> -> memref<128x64xi32, #tpu.memory_space<hbm>>
    %dma_wait3A_168 = arith.constant 0 : i32
    %dma_wait3A_169 = tpu.memref_slice %arg5[%add3A_87, %dma_wait3A_168] : memref<32768x64xi32, #tpu.memory_space<hbm>> -> memref<128x64xi32, #tpu.memory_space<hbm>>
    tpu.wait_dma2 semaphore(%arg19 : memref<!tpu.dma_semaphore, #tpu.memory_space<semaphore_mem>>) src(%arg13 : memref<128x64xi32, #tpu.memory_space<vmem>>) dst(%dma_wait3A_169 : memref<128x64xi32, #tpu.memory_space<hbm>>)
    %scan3A_170 = arith.constant 0 : i32
    %scan3A_171 = arith.constant 0 : i32
    %scan3A_172 = arith.constant 128 : i32
    %scan3A_173 = arith.addi %scan3A_171, %scan3A_172 : i32
    %scan3A_174 = arith.constant 1 : i32
    scf.for %scan3A_242 = %scan3A_171 to %scan3A_173 step %scan3A_174  : i32 {
      %get3A = arith.index_cast %scan3A_242 : i32 to index
      %get3A_243 = arith.constant 0 : index
      %get3A_244 = tpu.vector_load %arg10[%get3A, %get3A_243] {strides = array<i32>} : memref<128x128xi32, #tpu.memory_space<vmem>>, vector<1x16xi32>,
      %get3A_245 = vector.shape_cast %get3A_244 : vector<1x16xi32> to vector<16xi32>
      %get3A_246 = arith.index_cast %scan3A_242 : i32 to index
      %get3A_247 = arith.constant 16 : index
      %get3A_248 = tpu.vector_load %arg10[%get3A_246, %get3A_247] {strides = array<i32>} : memref<128x128xi32, #tpu.memory_space<vmem>>, vector<1x16xi32>,
      %get3A_249 = vector.shape_cast %get3A_248 : vector<1x16xi32> to vector<16xi32>
      %add3A_250 = arith.constant 32767 : i32
      %add3A_251 = vector.broadcast %add3A_250 : i32 to vector<16xi32>
      %add3A_252 = arith.addi %get3A_245, %add3A_251 : vector<16xi32>
      %shift_right_logical3A = arith.constant 16 : i32
      %shift_right_logical3A_253 = vector.broadcast %shift_right_logical3A : i32 to vector<16xi32>
      %shift_right_logical3A_254 = arith.shrui %get3A_245, %shift_right_logical3A_253 : vector<16xi32>
      %and3A = arith.constant 1 : i32
      %and3A_255 = vector.broadcast %and3A : i32 to vector<16xi32>
      %and3A_256 = arith.andi %shift_right_logical3A_254, %and3A_255 : vector<16xi32>
      %add3A_257 = arith.addi %add3A_252, %and3A_256 : vector<16xi32>
      %shift_right_logical3A_258 = arith.constant 16 : i32
      %shift_right_logical3A_259 = vector.broadcast %shift_right_logical3A_258 : i32 to vector<16xi32>
      %shift_right_logical3A_260 = arith.shrui %add3A_257, %shift_right_logical3A_259 : vector<16xi32>
      %add3A_261 = arith.constant 32767 : i32
      %add3A_262 = vector.broadcast %add3A_261 : i32 to vector<16xi32>
      %add3A_263 = arith.addi %get3A_249, %add3A_262 : vector<16xi32>
      %shift_right_logical3A_264 = arith.constant 16 : i32
      %shift_right_logical3A_265 = vector.broadcast %shift_right_logical3A_264 : i32 to vector<16xi32>
      %shift_right_logical3A_266 = arith.shrui %get3A_249, %shift_right_logical3A_265 : vector<16xi32>
      %and3A_267 = arith.constant 1 : i32
      %and3A_268 = vector.broadcast %and3A_267 : i32 to vector<16xi32>
      %and3A_269 = arith.andi %shift_right_logical3A_266, %and3A_268 : vector<16xi32>
      %add3A_270 = arith.addi %add3A_263, %and3A_269 : vector<16xi32>
      %shift_right_logical3A_271 = arith.constant 16 : i32
      %shift_right_logical3A_272 = vector.broadcast %shift_right_logical3A_271 : i32 to vector<16xi32>
      %shift_right_logical3A_273 = arith.shrui %add3A_270, %shift_right_logical3A_272 : vector<16xi32>
      %shift_left3A = arith.constant 16 : i32
      %shift_left3A_274 = vector.broadcast %shift_left3A : i32 to vector<16xi32>
      %shift_left3A_275 = arith.shli %shift_right_logical3A_273, %shift_left3A_274 : vector<16xi32>
      %or3A = arith.ori %shift_left3A_275, %shift_right_logical3A_260 : vector<16xi32>
      %swap3A = arith.index_cast %scan3A_242 : i32 to index
      %swap3A_276 = arith.constant 0 : index
      %swap3A_277 = tpu.vector_load %arg13[%swap3A, %swap3A_276] {strides = array<i32>} : memref<128x64xi32, #tpu.memory_space<vmem>>, vector<1x16xi32>,
      %swap3A_278 = vector.shape_cast %swap3A_277 : vector<1x16xi32> to vector<16xi32>
      %swap3A_279 = vector.shape_cast %or3A : vector<16xi32> to vector<1x16xi32>
      tpu.vector_store %arg13[%swap3A, %swap3A_276], %swap3A_279 {strides = array<i32>} : memref<128x64xi32, #tpu.memory_space<vmem>>, vector<1x16xi32>,
      %get3A_280 = arith.index_cast %scan3A_242 : i32 to index
      %get3A_281 = arith.constant 32 : index
      %get3A_282 = tpu.vector_load %arg10[%get3A_280, %get3A_281] {strides = array<i32>} : memref<128x128xi32, #tpu.memory_space<vmem>>, vector<1x16xi32>,
      %get3A_283 = vector.shape_cast %get3A_282 : vector<1x16xi32> to vector<16xi32>
      %get3A_284 = arith.index_cast %scan3A_242 : i32 to index
      %get3A_285 = arith.constant 48 : index
      %get3A_286 = tpu.vector_load %arg10[%get3A_284, %get3A_285] {strides = array<i32>} : memref<128x128xi32, #tpu.memory_space<vmem>>, vector<1x16xi32>,
      %get3A_287 = vector.shape_cast %get3A_286 : vector<1x16xi32> to vector<16xi32>
      %add3A_288 = arith.constant 32767 : i32
      %add3A_289 = vector.broadcast %add3A_288 : i32 to vector<16xi32>
      %add3A_290 = arith.addi %get3A_283, %add3A_289 : vector<16xi32>
      %shift_right_logical3A_291 = arith.constant 16 : i32
      %shift_right_logical3A_292 = vector.broadcast %shift_right_logical3A_291 : i32 to vector<16xi32>
      %shift_right_logical3A_293 = arith.shrui %get3A_283, %shift_right_logical3A_292 : vector<16xi32>
      %and3A_294 = arith.constant 1 : i32
      %and3A_295 = vector.broadcast %and3A_294 : i32 to vector<16xi32>
      %and3A_296 = arith.andi %shift_right_logical3A_293, %and3A_295 : vector<16xi32>
      %add3A_297 = arith.addi %add3A_290, %and3A_296 : vector<16xi32>
      %shift_right_logical3A_298 = arith.constant 16 : i32
      %shift_right_logical3A_299 = vector.broadcast %shift_right_logical3A_298 : i32 to vector<16xi32>
      %shift_right_logical3A_300 = arith.shrui %add3A_297, %shift_right_logical3A_299 : vector<16xi32>
      %add3A_301 = arith.constant 32767 : i32
      %add3A_302 = vector.broadcast %add3A_301 : i32 to vector<16xi32>
      %add3A_303 = arith.addi %get3A_287, %add3A_302 : vector<16xi32>
      %shift_right_logical3A_304 = arith.constant 16 : i32
      %shift_right_logical3A_305 = vector.broadcast %shift_right_logical3A_304 : i32 to vector<16xi32>
      %shift_right_logical3A_306 = arith.shrui %get3A_287, %shift_right_logical3A_305 : vector<16xi32>
      %and3A_307 = arith.constant 1 : i32
      %and3A_308 = vector.broadcast %and3A_307 : i32 to vector<16xi32>
      %and3A_309 = arith.andi %shift_right_logical3A_306, %and3A_308 : vector<16xi32>
      %add3A_310 = arith.addi %add3A_303, %and3A_309 : vector<16xi32>
      %shift_right_logical3A_311 = arith.constant 16 : i32
      %shift_right_logical3A_312 = vector.broadcast %shift_right_logical3A_311 : i32 to vector<16xi32>
      %shift_right_logical3A_313 = arith.shrui %add3A_310, %shift_right_logical3A_312 : vector<16xi32>
      %shift_left3A_314 = arith.constant 16 : i32
      %shift_left3A_315 = vector.broadcast %shift_left3A_314 : i32 to vector<16xi32>
      %shift_left3A_316 = arith.shli %shift_right_logical3A_313, %shift_left3A_315 : vector<16xi32>
      %or3A_317 = arith.ori %shift_left3A_316, %shift_right_logical3A_300 : vector<16xi32>
      %swap3A_318 = arith.index_cast %scan3A_242 : i32 to index
      %swap3A_319 = arith.constant 16 : index
      %swap3A_320 = tpu.vector_load %arg13[%swap3A_318, %swap3A_319] {strides = array<i32>} : memref<128x64xi32, #tpu.memory_space<vmem>>, vector<1x16xi32>,
      %swap3A_321 = vector.shape_cast %swap3A_320 : vector<1x16xi32> to vector<16xi32>
      %swap3A_322 = vector.shape_cast %or3A_317 : vector<16xi32> to vector<1x16xi32>
      tpu.vector_store %arg13[%swap3A_318, %swap3A_319], %swap3A_322 {strides = array<i32>} : memref<128x64xi32, #tpu.memory_space<vmem>>, vector<1x16xi32>,
      %get3A_323 = arith.index_cast %scan3A_242 : i32 to index
      %get3A_324 = arith.constant 64 : index
      %get3A_325 = tpu.vector_load %arg10[%get3A_323, %get3A_324] {strides = array<i32>} : memref<128x128xi32, #tpu.memory_space<vmem>>, vector<1x16xi32>,
      %get3A_326 = vector.shape_cast %get3A_325 : vector<1x16xi32> to vector<16xi32>
      %get3A_327 = arith.index_cast %scan3A_242 : i32 to index
      %get3A_328 = arith.constant 80 : index
      %get3A_329 = tpu.vector_load %arg10[%get3A_327, %get3A_328] {strides = array<i32>} : memref<128x128xi32, #tpu.memory_space<vmem>>, vector<1x16xi32>,
      %get3A_330 = vector.shape_cast %get3A_329 : vector<1x16xi32> to vector<16xi32>
      %add3A_331 = arith.constant 32767 : i32
      %add3A_332 = vector.broadcast %add3A_331 : i32 to vector<16xi32>
      %add3A_333 = arith.addi %get3A_326, %add3A_332 : vector<16xi32>
      %shift_right_logical3A_334 = arith.constant 16 : i32
      %shift_right_logical3A_335 = vector.broadcast %shift_right_logical3A_334 : i32 to vector<16xi32>
      %shift_right_logical3A_336 = arith.shrui %get3A_326, %shift_right_logical3A_335 : vector<16xi32>
      %and3A_337 = arith.constant 1 : i32
      %and3A_338 = vector.broadcast %and3A_337 : i32 to vector<16xi32>
      %and3A_339 = arith.andi %shift_right_logical3A_336, %and3A_338 : vector<16xi32>
      %add3A_340 = arith.addi %add3A_333, %and3A_339 : vector<16xi32>
      %shift_right_logical3A_341 = arith.constant 16 : i32
      %shift_right_logical3A_342 = vector.broadcast %shift_right_logical3A_341 : i32 to vector<16xi32>
      %shift_right_logical3A_343 = arith.shrui %add3A_340, %shift_right_logical3A_342 : vector<16xi32>
      %add3A_344 = arith.constant 32767 : i32
      %add3A_345 = vector.broadcast %add3A_344 : i32 to vector<16xi32>
      %add3A_346 = arith.addi %get3A_330, %add3A_345 : vector<16xi32>
      %shift_right_logical3A_347 = arith.constant 16 : i32
      %shift_right_logical3A_348 = vector.broadcast %shift_right_logical3A_347 : i32 to vector<16xi32>
      %shift_right_logical3A_349 = arith.shrui %get3A_330, %shift_right_logical3A_348 : vector<16xi32>
      %and3A_350 = arith.constant 1 : i32
      %and3A_351 = vector.broadcast %and3A_350 : i32 to vector<16xi32>
      %and3A_352 = arith.andi %shift_right_logical3A_349, %and3A_351 : vector<16xi32>
      %add3A_353 = arith.addi %add3A_346, %and3A_352 : vector<16xi32>
      %shift_right_logical3A_354 = arith.constant 16 : i32
      %shift_right_logical3A_355 = vector.broadcast %shift_right_logical3A_354 : i32 to vector<16xi32>
      %shift_right_logical3A_356 = arith.shrui %add3A_353, %shift_right_logical3A_355 : vector<16xi32>
      %shift_left3A_357 = arith.constant 16 : i32
      %shift_left3A_358 = vector.broadcast %shift_left3A_357 : i32 to vector<16xi32>
      %shift_left3A_359 = arith.shli %shift_right_logical3A_356, %shift_left3A_358 : vector<16xi32>
      %or3A_360 = arith.ori %shift_left3A_359, %shift_right_logical3A_343 : vector<16xi32>
      %swap3A_361 = arith.index_cast %scan3A_242 : i32 to index
      %swap3A_362 = arith.constant 32 : index
      %swap3A_363 = tpu.vector_load %arg13[%swap3A_361, %swap3A_362] {strides = array<i32>} : memref<128x64xi32, #tpu.memory_space<vmem>>, vector<1x16xi32>,
      %swap3A_364 = vector.shape_cast %swap3A_363 : vector<1x16xi32> to vector<16xi32>
      %swap3A_365 = vector.shape_cast %or3A_360 : vector<16xi32> to vector<1x16xi32>
      tpu.vector_store %arg13[%swap3A_361, %swap3A_362], %swap3A_365 {strides = array<i32>} : memref<128x64xi32, #tpu.memory_space<vmem>>, vector<1x16xi32>,
      %get3A_366 = arith.index_cast %scan3A_242 : i32 to index
      %get3A_367 = arith.constant 96 : index
      %get3A_368 = tpu.vector_load %arg10[%get3A_366, %get3A_367] {strides = array<i32>} : memref<128x128xi32, #tpu.memory_space<vmem>>, vector<1x16xi32>,
      %get3A_369 = vector.shape_cast %get3A_368 : vector<1x16xi32> to vector<16xi32>
      %get3A_370 = arith.index_cast %scan3A_242 : i32 to index
      %get3A_371 = arith.constant 112 : index
      %get3A_372 = tpu.vector_load %arg10[%get3A_370, %get3A_371] {strides = array<i32>} : memref<128x128xi32, #tpu.memory_space<vmem>>, vector<1x16xi32>,
      %get3A_373 = vector.shape_cast %get3A_372 : vector<1x16xi32> to vector<16xi32>
      %add3A_374 = arith.constant 32767 : i32
      %add3A_375 = vector.broadcast %add3A_374 : i32 to vector<16xi32>
      %add3A_376 = arith.addi %get3A_369, %add3A_375 : vector<16xi32>
      %shift_right_logical3A_377 = arith.constant 16 : i32
      %shift_right_logical3A_378 = vector.broadcast %shift_right_logical3A_377 : i32 to vector<16xi32>
      %shift_right_logical3A_379 = arith.shrui %get3A_369, %shift_right_logical3A_378 : vector<16xi32>
      %and3A_380 = arith.constant 1 : i32
      %and3A_381 = vector.broadcast %and3A_380 : i32 to vector<16xi32>
      %and3A_382 = arith.andi %shift_right_logical3A_379, %and3A_381 : vector<16xi32>
      %add3A_383 = arith.addi %add3A_376, %and3A_382 : vector<16xi32>
      %shift_right_logical3A_384 = arith.constant 16 : i32
      %shift_right_logical3A_385 = vector.broadcast %shift_right_logical3A_384 : i32 to vector<16xi32>
      %shift_right_logical3A_386 = arith.shrui %add3A_383, %shift_right_logical3A_385 : vector<16xi32>
      %add3A_387 = arith.constant 32767 : i32
      %add3A_388 = vector.broadcast %add3A_387 : i32 to vector<16xi32>
      %add3A_389 = arith.addi %get3A_373, %add3A_388 : vector<16xi32>
      %shift_right_logical3A_390 = arith.constant 16 : i32
      %shift_right_logical3A_391 = vector.broadcast %shift_right_logical3A_390 : i32 to vector<16xi32>
      %shift_right_logical3A_392 = arith.shrui %get3A_373, %shift_right_logical3A_391 : vector<16xi32>
      %and3A_393 = arith.constant 1 : i32
      %and3A_394 = vector.broadcast %and3A_393 : i32 to vector<16xi32>
      %and3A_395 = arith.andi %shift_right_logical3A_392, %and3A_394 : vector<16xi32>
      %add3A_396 = arith.addi %add3A_389, %and3A_395 : vector<16xi32>
      %shift_right_logical3A_397 = arith.constant 16 : i32
      %shift_right_logical3A_398 = vector.broadcast %shift_right_logical3A_397 : i32 to vector<16xi32>
      %shift_right_logical3A_399 = arith.shrui %add3A_396, %shift_right_logical3A_398 : vector<16xi32>
      %shift_left3A_400 = arith.constant 16 : i32
      %shift_left3A_401 = vector.broadcast %shift_left3A_400 : i32 to vector<16xi32>
      %shift_left3A_402 = arith.shli %shift_right_logical3A_399, %shift_left3A_401 : vector<16xi32>
      %or3A_403 = arith.ori %shift_left3A_402, %shift_right_logical3A_386 : vector<16xi32>
      %swap3A_404 = arith.index_cast %scan3A_242 : i32 to index
      %swap3A_405 = arith.constant 48 : index
      %swap3A_406 = tpu.vector_load %arg13[%swap3A_404, %swap3A_405] {strides = array<i32>} : memref<128x64xi32, #tpu.memory_space<vmem>>, vector<1x16xi32>,
      %swap3A_407 = vector.shape_cast %swap3A_406 : vector<1x16xi32> to vector<16xi32>
      %swap3A_408 = vector.shape_cast %or3A_403 : vector<16xi32> to vector<1x16xi32>
      tpu.vector_store %arg13[%swap3A_404, %swap3A_405], %swap3A_408 {strides = array<i32>} : memref<128x64xi32, #tpu.memory_space<vmem>>, vector<1x16xi32>,
    }
    %scan3A_175 = arith.constant 128 : i32
    %add3A_176 = arith.constant 640 : i32
    %add3A_177 = arith.addi %mul3A_2, %add3A_176 : i32
    %dma_start3A_178 = arith.constant 0 : i32
    %dma_start3A_179 = tpu.memref_slice %arg5[%add3A_177, %dma_start3A_178] : memref<32768x64xi32, #tpu.memory_space<hbm>> -> memref<128x64xi32, #tpu.memory_space<hbm>>
    %dma_start3A_180 = arith.constant 0 : i32
    %dma_start3A_181 = tpu.memref_slice %arg5[%add3A_177, %dma_start3A_180] : memref<32768x64xi32, #tpu.memory_space<hbm>> -> memref<128x64xi32, #tpu.memory_space<hbm>>
    tpu.enqueue_dma source(%arg13 : memref<128x64xi32, #tpu.memory_space<vmem>>) target(%dma_start3A_181 : memref<128x64xi32, #tpu.memory_space<hbm>>) target_semaphore(%arg19 : memref<!tpu.dma_semaphore, #tpu.memory_space<semaphore_mem>>)
    %dma_wait3A_182 = arith.constant 6 : i32
    %dma_wait3A_183 = arith.constant 0 : i32
    %dma_wait3A_184 = tpu.memref_slice %arg7[%dma_wait3A_182, %dma_wait3A_183] : memref<8x128xi32, #tpu.memory_space<vmem>> -> memref<1x128xi32, #tpu.memory_space<vmem>>
    %dma_wait3A_185 = tpu.memref_squeeze %dma_wait3A_184 : memref<1x128xi32, #tpu.memory_space<vmem>> -> memref<128xi32, #tpu.memory_space<vmem>>
    %dma_wait3A_186 = arith.constant 0 : i32
    %dma_wait3A_187 = arith.constant 0 : i32
    %dma_wait3A_188 = tpu.memref_slice %arg2[%dma_wait3A_186, %dma_wait3A_187] : memref<100000x128xi32, #tpu.memory_space<hbm>> -> memref<100000x128xi32, #tpu.memory_space<hbm>>
    tpu.wait_indirect_dma semaphore(%arg14 : memref<!tpu.dma_semaphore, #tpu.memory_space<semaphore_mem>>) src(%dma_wait3A_188 : memref<100000x128xi32, #tpu.memory_space<hbm>>) dst(%arg8 : memref<128x128xi32, #tpu.memory_space<vmem>>)
    %dma_wait3A_189 = arith.constant 0 : i32
    %dma_wait3A_190 = tpu.memref_slice %arg5[%add3A_117, %dma_wait3A_189] : memref<32768x64xi32, #tpu.memory_space<hbm>> -> memref<128x64xi32, #tpu.memory_space<hbm>>
    %dma_wait3A_191 = arith.constant 0 : i32
    %dma_wait3A_192 = tpu.memref_slice %arg5[%add3A_117, %dma_wait3A_191] : memref<32768x64xi32, #tpu.memory_space<hbm>> -> memref<128x64xi32, #tpu.memory_space<hbm>>
    tpu.wait_dma2 semaphore(%arg17 : memref<!tpu.dma_semaphore, #tpu.memory_space<semaphore_mem>>) src(%arg11 : memref<128x64xi32, #tpu.memory_space<vmem>>) dst(%dma_wait3A_192 : memref<128x64xi32, #tpu.memory_space<hbm>>)
    %scan3A_193 = arith.constant 0 : i32
    %scan3A_194 = arith.constant 0 : i32
    %scan3A_195 = arith.constant 128 : i32
    %scan3A_196 = arith.addi %scan3A_194, %scan3A_195 : i32
    %scan3A_197 = arith.constant 1 : i32
    scf.for %scan3A_242 = %scan3A_194 to %scan3A_196 step %scan3A_197  : i32 {
      %get3A = arith.index_cast %scan3A_242 : i32 to index
      %get3A_243 = arith.constant 0 : index
      %get3A_244 = tpu.vector_load %arg8[%get3A, %get3A_243] {strides = array<i32>} : memref<128x128xi32, #tpu.memory_space<vmem>>, vector<1x16xi32>,
      %get3A_245 = vector.shape_cast %get3A_244 : vector<1x16xi32> to vector<16xi32>
      %get3A_246 = arith.index_cast %scan3A_242 : i32 to index
      %get3A_247 = arith.constant 16 : index
      %get3A_248 = tpu.vector_load %arg8[%get3A_246, %get3A_247] {strides = array<i32>} : memref<128x128xi32, #tpu.memory_space<vmem>>, vector<1x16xi32>,
      %get3A_249 = vector.shape_cast %get3A_248 : vector<1x16xi32> to vector<16xi32>
      %add3A_250 = arith.constant 32767 : i32
      %add3A_251 = vector.broadcast %add3A_250 : i32 to vector<16xi32>
      %add3A_252 = arith.addi %get3A_245, %add3A_251 : vector<16xi32>
      %shift_right_logical3A = arith.constant 16 : i32
      %shift_right_logical3A_253 = vector.broadcast %shift_right_logical3A : i32 to vector<16xi32>
      %shift_right_logical3A_254 = arith.shrui %get3A_245, %shift_right_logical3A_253 : vector<16xi32>
      %and3A = arith.constant 1 : i32
      %and3A_255 = vector.broadcast %and3A : i32 to vector<16xi32>
      %and3A_256 = arith.andi %shift_right_logical3A_254, %and3A_255 : vector<16xi32>
      %add3A_257 = arith.addi %add3A_252, %and3A_256 : vector<16xi32>
      %shift_right_logical3A_258 = arith.constant 16 : i32
      %shift_right_logical3A_259 = vector.broadcast %shift_right_logical3A_258 : i32 to vector<16xi32>
      %shift_right_logical3A_260 = arith.shrui %add3A_257, %shift_right_logical3A_259 : vector<16xi32>
      %add3A_261 = arith.constant 32767 : i32
      %add3A_262 = vector.broadcast %add3A_261 : i32 to vector<16xi32>
      %add3A_263 = arith.addi %get3A_249, %add3A_262 : vector<16xi32>
      %shift_right_logical3A_264 = arith.constant 16 : i32
      %shift_right_logical3A_265 = vector.broadcast %shift_right_logical3A_264 : i32 to vector<16xi32>
      %shift_right_logical3A_266 = arith.shrui %get3A_249, %shift_right_logical3A_265 : vector<16xi32>
      %and3A_267 = arith.constant 1 : i32
      %and3A_268 = vector.broadcast %and3A_267 : i32 to vector<16xi32>
      %and3A_269 = arith.andi %shift_right_logical3A_266, %and3A_268 : vector<16xi32>
      %add3A_270 = arith.addi %add3A_263, %and3A_269 : vector<16xi32>
      %shift_right_logical3A_271 = arith.constant 16 : i32
      %shift_right_logical3A_272 = vector.broadcast %shift_right_logical3A_271 : i32 to vector<16xi32>
      %shift_right_logical3A_273 = arith.shrui %add3A_270, %shift_right_logical3A_272 : vector<16xi32>
      %shift_left3A = arith.constant 16 : i32
      %shift_left3A_274 = vector.broadcast %shift_left3A : i32 to vector<16xi32>
      %shift_left3A_275 = arith.shli %shift_right_logical3A_273, %shift_left3A_274 : vector<16xi32>
      %or3A = arith.ori %shift_left3A_275, %shift_right_logical3A_260 : vector<16xi32>
      %swap3A = arith.index_cast %scan3A_242 : i32 to index
      %swap3A_276 = arith.constant 0 : index
      %swap3A_277 = tpu.vector_load %arg11[%swap3A, %swap3A_276] {strides = array<i32>} : memref<128x64xi32, #tpu.memory_space<vmem>>, vector<1x16xi32>,
      %swap3A_278 = vector.shape_cast %swap3A_277 : vector<1x16xi32> to vector<16xi32>
      %swap3A_279 = vector.shape_cast %or3A : vector<16xi32> to vector<1x16xi32>
      tpu.vector_store %arg11[%swap3A, %swap3A_276], %swap3A_279 {strides = array<i32>} : memref<128x64xi32, #tpu.memory_space<vmem>>, vector<1x16xi32>,
      %get3A_280 = arith.index_cast %scan3A_242 : i32 to index
      %get3A_281 = arith.constant 32 : index
      %get3A_282 = tpu.vector_load %arg8[%get3A_280, %get3A_281] {strides = array<i32>} : memref<128x128xi32, #tpu.memory_space<vmem>>, vector<1x16xi32>,
      %get3A_283 = vector.shape_cast %get3A_282 : vector<1x16xi32> to vector<16xi32>
      %get3A_284 = arith.index_cast %scan3A_242 : i32 to index
      %get3A_285 = arith.constant 48 : index
      %get3A_286 = tpu.vector_load %arg8[%get3A_284, %get3A_285] {strides = array<i32>} : memref<128x128xi32, #tpu.memory_space<vmem>>, vector<1x16xi32>,
      %get3A_287 = vector.shape_cast %get3A_286 : vector<1x16xi32> to vector<16xi32>
      %add3A_288 = arith.constant 32767 : i32
      %add3A_289 = vector.broadcast %add3A_288 : i32 to vector<16xi32>
      %add3A_290 = arith.addi %get3A_283, %add3A_289 : vector<16xi32>
      %shift_right_logical3A_291 = arith.constant 16 : i32
      %shift_right_logical3A_292 = vector.broadcast %shift_right_logical3A_291 : i32 to vector<16xi32>
      %shift_right_logical3A_293 = arith.shrui %get3A_283, %shift_right_logical3A_292 : vector<16xi32>
      %and3A_294 = arith.constant 1 : i32
      %and3A_295 = vector.broadcast %and3A_294 : i32 to vector<16xi32>
      %and3A_296 = arith.andi %shift_right_logical3A_293, %and3A_295 : vector<16xi32>
      %add3A_297 = arith.addi %add3A_290, %and3A_296 : vector<16xi32>
      %shift_right_logical3A_298 = arith.constant 16 : i32
      %shift_right_logical3A_299 = vector.broadcast %shift_right_logical3A_298 : i32 to vector<16xi32>
      %shift_right_logical3A_300 = arith.shrui %add3A_297, %shift_right_logical3A_299 : vector<16xi32>
      %add3A_301 = arith.constant 32767 : i32
      %add3A_302 = vector.broadcast %add3A_301 : i32 to vector<16xi32>
      %add3A_303 = arith.addi %get3A_287, %add3A_302 : vector<16xi32>
      %shift_right_logical3A_304 = arith.constant 16 : i32
      %shift_right_logical3A_305 = vector.broadcast %shift_right_logical3A_304 : i32 to vector<16xi32>
      %shift_right_logical3A_306 = arith.shrui %get3A_287, %shift_right_logical3A_305 : vector<16xi32>
      %and3A_307 = arith.constant 1 : i32
      %and3A_308 = vector.broadcast %and3A_307 : i32 to vector<16xi32>
      %and3A_309 = arith.andi %shift_right_logical3A_306, %and3A_308 : vector<16xi32>
      %add3A_310 = arith.addi %add3A_303, %and3A_309 : vector<16xi32>
      %shift_right_logical3A_311 = arith.constant 16 : i32
      %shift_right_logical3A_312 = vector.broadcast %shift_right_logical3A_311 : i32 to vector<16xi32>
      %shift_right_logical3A_313 = arith.shrui %add3A_310, %shift_right_logical3A_312 : vector<16xi32>
      %shift_left3A_314 = arith.constant 16 : i32
      %shift_left3A_315 = vector.broadcast %shift_left3A_314 : i32 to vector<16xi32>
      %shift_left3A_316 = arith.shli %shift_right_logical3A_313, %shift_left3A_315 : vector<16xi32>
      %or3A_317 = arith.ori %shift_left3A_316, %shift_right_logical3A_300 : vector<16xi32>
      %swap3A_318 = arith.index_cast %scan3A_242 : i32 to index
      %swap3A_319 = arith.constant 16 : index
      %swap3A_320 = tpu.vector_load %arg11[%swap3A_318, %swap3A_319] {strides = array<i32>} : memref<128x64xi32, #tpu.memory_space<vmem>>, vector<1x16xi32>,
      %swap3A_321 = vector.shape_cast %swap3A_320 : vector<1x16xi32> to vector<16xi32>
      %swap3A_322 = vector.shape_cast %or3A_317 : vector<16xi32> to vector<1x16xi32>
      tpu.vector_store %arg11[%swap3A_318, %swap3A_319], %swap3A_322 {strides = array<i32>} : memref<128x64xi32, #tpu.memory_space<vmem>>, vector<1x16xi32>,
      %get3A_323 = arith.index_cast %scan3A_242 : i32 to index
      %get3A_324 = arith.constant 64 : index
      %get3A_325 = tpu.vector_load %arg8[%get3A_323, %get3A_324] {strides = array<i32>} : memref<128x128xi32, #tpu.memory_space<vmem>>, vector<1x16xi32>,
      %get3A_326 = vector.shape_cast %get3A_325 : vector<1x16xi32> to vector<16xi32>
      %get3A_327 = arith.index_cast %scan3A_242 : i32 to index
      %get3A_328 = arith.constant 80 : index
      %get3A_329 = tpu.vector_load %arg8[%get3A_327, %get3A_328] {strides = array<i32>} : memref<128x128xi32, #tpu.memory_space<vmem>>, vector<1x16xi32>,
      %get3A_330 = vector.shape_cast %get3A_329 : vector<1x16xi32> to vector<16xi32>
      %add3A_331 = arith.constant 32767 : i32
      %add3A_332 = vector.broadcast %add3A_331 : i32 to vector<16xi32>
      %add3A_333 = arith.addi %get3A_326, %add3A_332 : vector<16xi32>
      %shift_right_logical3A_334 = arith.constant 16 : i32
      %shift_right_logical3A_335 = vector.broadcast %shift_right_logical3A_334 : i32 to vector<16xi32>
      %shift_right_logical3A_336 = arith.shrui %get3A_326, %shift_right_logical3A_335 : vector<16xi32>
      %and3A_337 = arith.constant 1 : i32
      %and3A_338 = vector.broadcast %and3A_337 : i32 to vector<16xi32>
      %and3A_339 = arith.andi %shift_right_logical3A_336, %and3A_338 : vector<16xi32>
      %add3A_340 = arith.addi %add3A_333, %and3A_339 : vector<16xi32>
      %shift_right_logical3A_341 = arith.constant 16 : i32
      %shift_right_logical3A_342 = vector.broadcast %shift_right_logical3A_341 : i32 to vector<16xi32>
      %shift_right_logical3A_343 = arith.shrui %add3A_340, %shift_right_logical3A_342 : vector<16xi32>
      %add3A_344 = arith.constant 32767 : i32
      %add3A_345 = vector.broadcast %add3A_344 : i32 to vector<16xi32>
      %add3A_346 = arith.addi %get3A_330, %add3A_345 : vector<16xi32>
      %shift_right_logical3A_347 = arith.constant 16 : i32
      %shift_right_logical3A_348 = vector.broadcast %shift_right_logical3A_347 : i32 to vector<16xi32>
      %shift_right_logical3A_349 = arith.shrui %get3A_330, %shift_right_logical3A_348 : vector<16xi32>
      %and3A_350 = arith.constant 1 : i32
      %and3A_351 = vector.broadcast %and3A_350 : i32 to vector<16xi32>
      %and3A_352 = arith.andi %shift_right_logical3A_349, %and3A_351 : vector<16xi32>
      %add3A_353 = arith.addi %add3A_346, %and3A_352 : vector<16xi32>
      %shift_right_logical3A_354 = arith.constant 16 : i32
      %shift_right_logical3A_355 = vector.broadcast %shift_right_logical3A_354 : i32 to vector<16xi32>
      %shift_right_logical3A_356 = arith.shrui %add3A_353, %shift_right_logical3A_355 : vector<16xi32>
      %shift_left3A_357 = arith.constant 16 : i32
      %shift_left3A_358 = vector.broadcast %shift_left3A_357 : i32 to vector<16xi32>
      %shift_left3A_359 = arith.shli %shift_right_logical3A_356, %shift_left3A_358 : vector<16xi32>
      %or3A_360 = arith.ori %shift_left3A_359, %shift_right_logical3A_343 : vector<16xi32>
      %swap3A_361 = arith.index_cast %scan3A_242 : i32 to index
      %swap3A_362 = arith.constant 32 : index
      %swap3A_363 = tpu.vector_load %arg11[%swap3A_361, %swap3A_362] {strides = array<i32>} : memref<128x64xi32, #tpu.memory_space<vmem>>, vector<1x16xi32>,
      %swap3A_364 = vector.shape_cast %swap3A_363 : vector<1x16xi32> to vector<16xi32>
      %swap3A_365 = vector.shape_cast %or3A_360 : vector<16xi32> to vector<1x16xi32>
      tpu.vector_store %arg11[%swap3A_361, %swap3A_362], %swap3A_365 {strides = array<i32>} : memref<128x64xi32, #tpu.memory_space<vmem>>, vector<1x16xi32>,
      %get3A_366 = arith.index_cast %scan3A_242 : i32 to index
      %get3A_367 = arith.constant 96 : index
      %get3A_368 = tpu.vector_load %arg8[%get3A_366, %get3A_367] {strides = array<i32>} : memref<128x128xi32, #tpu.memory_space<vmem>>, vector<1x16xi32>,
      %get3A_369 = vector.shape_cast %get3A_368 : vector<1x16xi32> to vector<16xi32>
      %get3A_370 = arith.index_cast %scan3A_242 : i32 to index
      %get3A_371 = arith.constant 112 : index
      %get3A_372 = tpu.vector_load %arg8[%get3A_370, %get3A_371] {strides = array<i32>} : memref<128x128xi32, #tpu.memory_space<vmem>>, vector<1x16xi32>,
      %get3A_373 = vector.shape_cast %get3A_372 : vector<1x16xi32> to vector<16xi32>
      %add3A_374 = arith.constant 32767 : i32
      %add3A_375 = vector.broadcast %add3A_374 : i32 to vector<16xi32>
      %add3A_376 = arith.addi %get3A_369, %add3A_375 : vector<16xi32>
      %shift_right_logical3A_377 = arith.constant 16 : i32
      %shift_right_logical3A_378 = vector.broadcast %shift_right_logical3A_377 : i32 to vector<16xi32>
      %shift_right_logical3A_379 = arith.shrui %get3A_369, %shift_right_logical3A_378 : vector<16xi32>
      %and3A_380 = arith.constant 1 : i32
      %and3A_381 = vector.broadcast %and3A_380 : i32 to vector<16xi32>
      %and3A_382 = arith.andi %shift_right_logical3A_379, %and3A_381 : vector<16xi32>
      %add3A_383 = arith.addi %add3A_376, %and3A_382 : vector<16xi32>
      %shift_right_logical3A_384 = arith.constant 16 : i32
      %shift_right_logical3A_385 = vector.broadcast %shift_right_logical3A_384 : i32 to vector<16xi32>
      %shift_right_logical3A_386 = arith.shrui %add3A_383, %shift_right_logical3A_385 : vector<16xi32>
      %add3A_387 = arith.constant 32767 : i32
      %add3A_388 = vector.broadcast %add3A_387 : i32 to vector<16xi32>
      %add3A_389 = arith.addi %get3A_373, %add3A_388 : vector<16xi32>
      %shift_right_logical3A_390 = arith.constant 16 : i32
      %shift_right_logical3A_391 = vector.broadcast %shift_right_logical3A_390 : i32 to vector<16xi32>
      %shift_right_logical3A_392 = arith.shrui %get3A_373, %shift_right_logical3A_391 : vector<16xi32>
      %and3A_393 = arith.constant 1 : i32
      %and3A_394 = vector.broadcast %and3A_393 : i32 to vector<16xi32>
      %and3A_395 = arith.andi %shift_right_logical3A_392, %and3A_394 : vector<16xi32>
      %add3A_396 = arith.addi %add3A_389, %and3A_395 : vector<16xi32>
      %shift_right_logical3A_397 = arith.constant 16 : i32
      %shift_right_logical3A_398 = vector.broadcast %shift_right_logical3A_397 : i32 to vector<16xi32>
      %shift_right_logical3A_399 = arith.shrui %add3A_396, %shift_right_logical3A_398 : vector<16xi32>
      %shift_left3A_400 = arith.constant 16 : i32
      %shift_left3A_401 = vector.broadcast %shift_left3A_400 : i32 to vector<16xi32>
      %shift_left3A_402 = arith.shli %shift_right_logical3A_399, %shift_left3A_401 : vector<16xi32>
      %or3A_403 = arith.ori %shift_left3A_402, %shift_right_logical3A_386 : vector<16xi32>
      %swap3A_404 = arith.index_cast %scan3A_242 : i32 to index
      %swap3A_405 = arith.constant 48 : index
      %swap3A_406 = tpu.vector_load %arg11[%swap3A_404, %swap3A_405] {strides = array<i32>} : memref<128x64xi32, #tpu.memory_space<vmem>>, vector<1x16xi32>,
      %swap3A_407 = vector.shape_cast %swap3A_406 : vector<1x16xi32> to vector<16xi32>
      %swap3A_408 = vector.shape_cast %or3A_403 : vector<16xi32> to vector<1x16xi32>
      tpu.vector_store %arg11[%swap3A_404, %swap3A_405], %swap3A_408 {strides = array<i32>} : memref<128x64xi32, #tpu.memory_space<vmem>>, vector<1x16xi32>,
    }
    %scan3A_198 = arith.constant 128 : i32
    %add3A_199 = arith.constant 768 : i32
    %add3A_200 = arith.addi %mul3A_2, %add3A_199 : i32
    %dma_start3A_201 = arith.constant 0 : i32
    %dma_start3A_202 = tpu.memref_slice %arg5[%add3A_200, %dma_start3A_201] : memref<32768x64xi32, #tpu.memory_space<hbm>> -> memref<128x64xi32, #tpu.memory_space<hbm>>
    %dma_start3A_203 = arith.constant 0 : i32
    %dma_start3A_204 = tpu.memref_slice %arg5[%add3A_200, %dma_start3A_203] : memref<32768x64xi32, #tpu.memory_space<hbm>> -> memref<128x64xi32, #tpu.memory_space<hbm>>
    tpu.enqueue_dma source(%arg11 : memref<128x64xi32, #tpu.memory_space<vmem>>) target(%dma_start3A_204 : memref<128x64xi32, #tpu.memory_space<hbm>>) target_semaphore(%arg17 : memref<!tpu.dma_semaphore, #tpu.memory_space<semaphore_mem>>)
    %dma_wait3A_205 = arith.constant 7 : i32
    %dma_wait3A_206 = arith.constant 0 : i32
    %dma_wait3A_207 = tpu.memref_slice %arg7[%dma_wait3A_205, %dma_wait3A_206] : memref<8x128xi32, #tpu.memory_space<vmem>> -> memref<1x128xi32, #tpu.memory_space<vmem>>
    %dma_wait3A_208 = tpu.memref_squeeze %dma_wait3A_207 : memref<1x128xi32, #tpu.memory_space<vmem>> -> memref<128xi32, #tpu.memory_space<vmem>>
    %dma_wait3A_209 = arith.constant 0 : i32
    %dma_wait3A_210 = arith.constant 0 : i32
    %dma_wait3A_211 = tpu.memref_slice %arg2[%dma_wait3A_209, %dma_wait3A_210] : memref<100000x128xi32, #tpu.memory_space<hbm>> -> memref<100000x128xi32, #tpu.memory_space<hbm>>
    tpu.wait_indirect_dma semaphore(%arg15 : memref<!tpu.dma_semaphore, #tpu.memory_space<semaphore_mem>>) src(%dma_wait3A_211 : memref<100000x128xi32, #tpu.memory_space<hbm>>) dst(%arg9 : memref<128x128xi32, #tpu.memory_space<vmem>>)
    %dma_wait3A_212 = arith.constant 0 : i32
    %dma_wait3A_213 = tpu.memref_slice %arg5[%add3A_147, %dma_wait3A_212] : memref<32768x64xi32, #tpu.memory_space<hbm>> -> memref<128x64xi32, #tpu.memory_space<hbm>>
    %dma_wait3A_214 = arith.constant 0 : i32
    %dma_wait3A_215 = tpu.memref_slice %arg5[%add3A_147, %dma_wait3A_214] : memref<32768x64xi32, #tpu.memory_space<hbm>> -> memref<128x64xi32, #tpu.memory_space<hbm>>
    tpu.wait_dma2 semaphore(%arg18 : memref<!tpu.dma_semaphore, #tpu.memory_space<semaphore_mem>>) src(%arg12 : memref<128x64xi32, #tpu.memory_space<vmem>>) dst(%dma_wait3A_215 : memref<128x64xi32, #tpu.memory_space<hbm>>)
    %scan3A_216 = arith.constant 0 : i32
    %scan3A_217 = arith.constant 0 : i32
    %scan3A_218 = arith.constant 128 : i32
    %scan3A_219 = arith.addi %scan3A_217, %scan3A_218 : i32
    %scan3A_220 = arith.constant 1 : i32
    scf.for %scan3A_242 = %scan3A_217 to %scan3A_219 step %scan3A_220  : i32 {
      %get3A = arith.index_cast %scan3A_242 : i32 to index
      %get3A_243 = arith.constant 0 : index
      %get3A_244 = tpu.vector_load %arg9[%get3A, %get3A_243] {strides = array<i32>} : memref<128x128xi32, #tpu.memory_space<vmem>>, vector<1x16xi32>,
      %get3A_245 = vector.shape_cast %get3A_244 : vector<1x16xi32> to vector<16xi32>
      %get3A_246 = arith.index_cast %scan3A_242 : i32 to index
      %get3A_247 = arith.constant 16 : index
      %get3A_248 = tpu.vector_load %arg9[%get3A_246, %get3A_247] {strides = array<i32>} : memref<128x128xi32, #tpu.memory_space<vmem>>, vector<1x16xi32>,
      %get3A_249 = vector.shape_cast %get3A_248 : vector<1x16xi32> to vector<16xi32>
      %add3A_250 = arith.constant 32767 : i32
      %add3A_251 = vector.broadcast %add3A_250 : i32 to vector<16xi32>
      %add3A_252 = arith.addi %get3A_245, %add3A_251 : vector<16xi32>
      %shift_right_logical3A = arith.constant 16 : i32
      %shift_right_logical3A_253 = vector.broadcast %shift_right_logical3A : i32 to vector<16xi32>
      %shift_right_logical3A_254 = arith.shrui %get3A_245, %shift_right_logical3A_253 : vector<16xi32>
      %and3A = arith.constant 1 : i32
      %and3A_255 = vector.broadcast %and3A : i32 to vector<16xi32>
      %and3A_256 = arith.andi %shift_right_logical3A_254, %and3A_255 : vector<16xi32>
      %add3A_257 = arith.addi %add3A_252, %and3A_256 : vector<16xi32>
      %shift_right_logical3A_258 = arith.constant 16 : i32
      %shift_right_logical3A_259 = vector.broadcast %shift_right_logical3A_258 : i32 to vector<16xi32>
      %shift_right_logical3A_260 = arith.shrui %add3A_257, %shift_right_logical3A_259 : vector<16xi32>
      %add3A_261 = arith.constant 32767 : i32
      %add3A_262 = vector.broadcast %add3A_261 : i32 to vector<16xi32>
      %add3A_263 = arith.addi %get3A_249, %add3A_262 : vector<16xi32>
      %shift_right_logical3A_264 = arith.constant 16 : i32
      %shift_right_logical3A_265 = vector.broadcast %shift_right_logical3A_264 : i32 to vector<16xi32>
      %shift_right_logical3A_266 = arith.shrui %get3A_249, %shift_right_logical3A_265 : vector<16xi32>
      %and3A_267 = arith.constant 1 : i32
      %and3A_268 = vector.broadcast %and3A_267 : i32 to vector<16xi32>
      %and3A_269 = arith.andi %shift_right_logical3A_266, %and3A_268 : vector<16xi32>
      %add3A_270 = arith.addi %add3A_263, %and3A_269 : vector<16xi32>
      %shift_right_logical3A_271 = arith.constant 16 : i32
      %shift_right_logical3A_272 = vector.broadcast %shift_right_logical3A_271 : i32 to vector<16xi32>
      %shift_right_logical3A_273 = arith.shrui %add3A_270, %shift_right_logical3A_272 : vector<16xi32>
      %shift_left3A = arith.constant 16 : i32
      %shift_left3A_274 = vector.broadcast %shift_left3A : i32 to vector<16xi32>
      %shift_left3A_275 = arith.shli %shift_right_logical3A_273, %shift_left3A_274 : vector<16xi32>
      %or3A = arith.ori %shift_left3A_275, %shift_right_logical3A_260 : vector<16xi32>
      %swap3A = arith.index_cast %scan3A_242 : i32 to index
      %swap3A_276 = arith.constant 0 : index
      %swap3A_277 = tpu.vector_load %arg12[%swap3A, %swap3A_276] {strides = array<i32>} : memref<128x64xi32, #tpu.memory_space<vmem>>, vector<1x16xi32>,
      %swap3A_278 = vector.shape_cast %swap3A_277 : vector<1x16xi32> to vector<16xi32>
      %swap3A_279 = vector.shape_cast %or3A : vector<16xi32> to vector<1x16xi32>
      tpu.vector_store %arg12[%swap3A, %swap3A_276], %swap3A_279 {strides = array<i32>} : memref<128x64xi32, #tpu.memory_space<vmem>>, vector<1x16xi32>,
      %get3A_280 = arith.index_cast %scan3A_242 : i32 to index
      %get3A_281 = arith.constant 32 : index
      %get3A_282 = tpu.vector_load %arg9[%get3A_280, %get3A_281] {strides = array<i32>} : memref<128x128xi32, #tpu.memory_space<vmem>>, vector<1x16xi32>,
      %get3A_283 = vector.shape_cast %get3A_282 : vector<1x16xi32> to vector<16xi32>
      %get3A_284 = arith.index_cast %scan3A_242 : i32 to index
      %get3A_285 = arith.constant 48 : index
      %get3A_286 = tpu.vector_load %arg9[%get3A_284, %get3A_285] {strides = array<i32>} : memref<128x128xi32, #tpu.memory_space<vmem>>, vector<1x16xi32>,
      %get3A_287 = vector.shape_cast %get3A_286 : vector<1x16xi32> to vector<16xi32>
      %add3A_288 = arith.constant 32767 : i32
      %add3A_289 = vector.broadcast %add3A_288 : i32 to vector<16xi32>
      %add3A_290 = arith.addi %get3A_283, %add3A_289 : vector<16xi32>
      %shift_right_logical3A_291 = arith.constant 16 : i32
      %shift_right_logical3A_292 = vector.broadcast %shift_right_logical3A_291 : i32 to vector<16xi32>
      %shift_right_logical3A_293 = arith.shrui %get3A_283, %shift_right_logical3A_292 : vector<16xi32>
      %and3A_294 = arith.constant 1 : i32
      %and3A_295 = vector.broadcast %and3A_294 : i32 to vector<16xi32>
      %and3A_296 = arith.andi %shift_right_logical3A_293, %and3A_295 : vector<16xi32>
      %add3A_297 = arith.addi %add3A_290, %and3A_296 : vector<16xi32>
      %shift_right_logical3A_298 = arith.constant 16 : i32
      %shift_right_logical3A_299 = vector.broadcast %shift_right_logical3A_298 : i32 to vector<16xi32>
      %shift_right_logical3A_300 = arith.shrui %add3A_297, %shift_right_logical3A_299 : vector<16xi32>
      %add3A_301 = arith.constant 32767 : i32
      %add3A_302 = vector.broadcast %add3A_301 : i32 to vector<16xi32>
      %add3A_303 = arith.addi %get3A_287, %add3A_302 : vector<16xi32>
      %shift_right_logical3A_304 = arith.constant 16 : i32
      %shift_right_logical3A_305 = vector.broadcast %shift_right_logical3A_304 : i32 to vector<16xi32>
      %shift_right_logical3A_306 = arith.shrui %get3A_287, %shift_right_logical3A_305 : vector<16xi32>
      %and3A_307 = arith.constant 1 : i32
      %and3A_308 = vector.broadcast %and3A_307 : i32 to vector<16xi32>
      %and3A_309 = arith.andi %shift_right_logical3A_306, %and3A_308 : vector<16xi32>
      %add3A_310 = arith.addi %add3A_303, %and3A_309 : vector<16xi32>
      %shift_right_logical3A_311 = arith.constant 16 : i32
      %shift_right_logical3A_312 = vector.broadcast %shift_right_logical3A_311 : i32 to vector<16xi32>
      %shift_right_logical3A_313 = arith.shrui %add3A_310, %shift_right_logical3A_312 : vector<16xi32>
      %shift_left3A_314 = arith.constant 16 : i32
      %shift_left3A_315 = vector.broadcast %shift_left3A_314 : i32 to vector<16xi32>
      %shift_left3A_316 = arith.shli %shift_right_logical3A_313, %shift_left3A_315 : vector<16xi32>
      %or3A_317 = arith.ori %shift_left3A_316, %shift_right_logical3A_300 : vector<16xi32>
      %swap3A_318 = arith.index_cast %scan3A_242 : i32 to index
      %swap3A_319 = arith.constant 16 : index
      %swap3A_320 = tpu.vector_load %arg12[%swap3A_318, %swap3A_319] {strides = array<i32>} : memref<128x64xi32, #tpu.memory_space<vmem>>, vector<1x16xi32>,
      %swap3A_321 = vector.shape_cast %swap3A_320 : vector<1x16xi32> to vector<16xi32>
      %swap3A_322 = vector.shape_cast %or3A_317 : vector<16xi32> to vector<1x16xi32>
      tpu.vector_store %arg12[%swap3A_318, %swap3A_319], %swap3A_322 {strides = array<i32>} : memref<128x64xi32, #tpu.memory_space<vmem>>, vector<1x16xi32>,
      %get3A_323 = arith.index_cast %scan3A_242 : i32 to index
      %get3A_324 = arith.constant 64 : index
      %get3A_325 = tpu.vector_load %arg9[%get3A_323, %get3A_324] {strides = array<i32>} : memref<128x128xi32, #tpu.memory_space<vmem>>, vector<1x16xi32>,
      %get3A_326 = vector.shape_cast %get3A_325 : vector<1x16xi32> to vector<16xi32>
      %get3A_327 = arith.index_cast %scan3A_242 : i32 to index
      %get3A_328 = arith.constant 80 : index
      %get3A_329 = tpu.vector_load %arg9[%get3A_327, %get3A_328] {strides = array<i32>} : memref<128x128xi32, #tpu.memory_space<vmem>>, vector<1x16xi32>,
      %get3A_330 = vector.shape_cast %get3A_329 : vector<1x16xi32> to vector<16xi32>
      %add3A_331 = arith.constant 32767 : i32
      %add3A_332 = vector.broadcast %add3A_331 : i32 to vector<16xi32>
      %add3A_333 = arith.addi %get3A_326, %add3A_332 : vector<16xi32>
      %shift_right_logical3A_334 = arith.constant 16 : i32
      %shift_right_logical3A_335 = vector.broadcast %shift_right_logical3A_334 : i32 to vector<16xi32>
      %shift_right_logical3A_336 = arith.shrui %get3A_326, %shift_right_logical3A_335 : vector<16xi32>
      %and3A_337 = arith.constant 1 : i32
      %and3A_338 = vector.broadcast %and3A_337 : i32 to vector<16xi32>
      %and3A_339 = arith.andi %shift_right_logical3A_336, %and3A_338 : vector<16xi32>
      %add3A_340 = arith.addi %add3A_333, %and3A_339 : vector<16xi32>
      %shift_right_logical3A_341 = arith.constant 16 : i32
      %shift_right_logical3A_342 = vector.broadcast %shift_right_logical3A_341 : i32 to vector<16xi32>
      %shift_right_logical3A_343 = arith.shrui %add3A_340, %shift_right_logical3A_342 : vector<16xi32>
      %add3A_344 = arith.constant 32767 : i32
      %add3A_345 = vector.broadcast %add3A_344 : i32 to vector<16xi32>
      %add3A_346 = arith.addi %get3A_330, %add3A_345 : vector<16xi32>
      %shift_right_logical3A_347 = arith.constant 16 : i32
      %shift_right_logical3A_348 = vector.broadcast %shift_right_logical3A_347 : i32 to vector<16xi32>
      %shift_right_logical3A_349 = arith.shrui %get3A_330, %shift_right_logical3A_348 : vector<16xi32>
      %and3A_350 = arith.constant 1 : i32
      %and3A_351 = vector.broadcast %and3A_350 : i32 to vector<16xi32>
      %and3A_352 = arith.andi %shift_right_logical3A_349, %and3A_351 : vector<16xi32>
      %add3A_353 = arith.addi %add3A_346, %and3A_352 : vector<16xi32>
      %shift_right_logical3A_354 = arith.constant 16 : i32
      %shift_right_logical3A_355 = vector.broadcast %shift_right_logical3A_354 : i32 to vector<16xi32>
      %shift_right_logical3A_356 = arith.shrui %add3A_353, %shift_right_logical3A_355 : vector<16xi32>
      %shift_left3A_357 = arith.constant 16 : i32
      %shift_left3A_358 = vector.broadcast %shift_left3A_357 : i32 to vector<16xi32>
      %shift_left3A_359 = arith.shli %shift_right_logical3A_356, %shift_left3A_358 : vector<16xi32>
      %or3A_360 = arith.ori %shift_left3A_359, %shift_right_logical3A_343 : vector<16xi32>
      %swap3A_361 = arith.index_cast %scan3A_242 : i32 to index
      %swap3A_362 = arith.constant 32 : index
      %swap3A_363 = tpu.vector_load %arg12[%swap3A_361, %swap3A_362] {strides = array<i32>} : memref<128x64xi32, #tpu.memory_space<vmem>>, vector<1x16xi32>,
      %swap3A_364 = vector.shape_cast %swap3A_363 : vector<1x16xi32> to vector<16xi32>
      %swap3A_365 = vector.shape_cast %or3A_360 : vector<16xi32> to vector<1x16xi32>
      tpu.vector_store %arg12[%swap3A_361, %swap3A_362], %swap3A_365 {strides = array<i32>} : memref<128x64xi32, #tpu.memory_space<vmem>>, vector<1x16xi32>,
      %get3A_366 = arith.index_cast %scan3A_242 : i32 to index
      %get3A_367 = arith.constant 96 : index
      %get3A_368 = tpu.vector_load %arg9[%get3A_366, %get3A_367] {strides = array<i32>} : memref<128x128xi32, #tpu.memory_space<vmem>>, vector<1x16xi32>,
      %get3A_369 = vector.shape_cast %get3A_368 : vector<1x16xi32> to vector<16xi32>
      %get3A_370 = arith.index_cast %scan3A_242 : i32 to index
      %get3A_371 = arith.constant 112 : index
      %get3A_372 = tpu.vector_load %arg9[%get3A_370, %get3A_371] {strides = array<i32>} : memref<128x128xi32, #tpu.memory_space<vmem>>, vector<1x16xi32>,
      %get3A_373 = vector.shape_cast %get3A_372 : vector<1x16xi32> to vector<16xi32>
      %add3A_374 = arith.constant 32767 : i32
      %add3A_375 = vector.broadcast %add3A_374 : i32 to vector<16xi32>
      %add3A_376 = arith.addi %get3A_369, %add3A_375 : vector<16xi32>
      %shift_right_logical3A_377 = arith.constant 16 : i32
      %shift_right_logical3A_378 = vector.broadcast %shift_right_logical3A_377 : i32 to vector<16xi32>
      %shift_right_logical3A_379 = arith.shrui %get3A_369, %shift_right_logical3A_378 : vector<16xi32>
      %and3A_380 = arith.constant 1 : i32
      %and3A_381 = vector.broadcast %and3A_380 : i32 to vector<16xi32>
      %and3A_382 = arith.andi %shift_right_logical3A_379, %and3A_381 : vector<16xi32>
      %add3A_383 = arith.addi %add3A_376, %and3A_382 : vector<16xi32>
      %shift_right_logical3A_384 = arith.constant 16 : i32
      %shift_right_logical3A_385 = vector.broadcast %shift_right_logical3A_384 : i32 to vector<16xi32>
      %shift_right_logical3A_386 = arith.shrui %add3A_383, %shift_right_logical3A_385 : vector<16xi32>
      %add3A_387 = arith.constant 32767 : i32
      %add3A_388 = vector.broadcast %add3A_387 : i32 to vector<16xi32>
      %add3A_389 = arith.addi %get3A_373, %add3A_388 : vector<16xi32>
      %shift_right_logical3A_390 = arith.constant 16 : i32
      %shift_right_logical3A_391 = vector.broadcast %shift_right_logical3A_390 : i32 to vector<16xi32>
      %shift_right_logical3A_392 = arith.shrui %get3A_373, %shift_right_logical3A_391 : vector<16xi32>
      %and3A_393 = arith.constant 1 : i32
      %and3A_394 = vector.broadcast %and3A_393 : i32 to vector<16xi32>
      %and3A_395 = arith.andi %shift_right_logical3A_392, %and3A_394 : vector<16xi32>
      %add3A_396 = arith.addi %add3A_389, %and3A_395 : vector<16xi32>
      %shift_right_logical3A_397 = arith.constant 16 : i32
      %shift_right_logical3A_398 = vector.broadcast %shift_right_logical3A_397 : i32 to vector<16xi32>
      %shift_right_logical3A_399 = arith.shrui %add3A_396, %shift_right_logical3A_398 : vector<16xi32>
      %shift_left3A_400 = arith.constant 16 : i32
      %shift_left3A_401 = vector.broadcast %shift_left3A_400 : i32 to vector<16xi32>
      %shift_left3A_402 = arith.shli %shift_right_logical3A_399, %shift_left3A_401 : vector<16xi32>
      %or3A_403 = arith.ori %shift_left3A_402, %shift_right_logical3A_386 : vector<16xi32>
      %swap3A_404 = arith.index_cast %scan3A_242 : i32 to index
      %swap3A_405 = arith.constant 48 : index
      %swap3A_406 = tpu.vector_load %arg12[%swap3A_404, %swap3A_405] {strides = array<i32>} : memref<128x64xi32, #tpu.memory_space<vmem>>, vector<1x16xi32>,
      %swap3A_407 = vector.shape_cast %swap3A_406 : vector<1x16xi32> to vector<16xi32>
      %swap3A_408 = vector.shape_cast %or3A_403 : vector<16xi32> to vector<1x16xi32>
      tpu.vector_store %arg12[%swap3A_404, %swap3A_405], %swap3A_408 {strides = array<i32>} : memref<128x64xi32, #tpu.memory_space<vmem>>, vector<1x16xi32>,
    }
    %scan3A_221 = arith.constant 128 : i32
    %add3A_222 = arith.constant 896 : i32
    %add3A_223 = arith.addi %mul3A_2, %add3A_222 : i32
    %dma_start3A_224 = arith.constant 0 : i32
    %dma_start3A_225 = tpu.memref_slice %arg5[%add3A_223, %dma_start3A_224] : memref<32768x64xi32, #tpu.memory_space<hbm>> -> memref<128x64xi32, #tpu.memory_space<hbm>>
    %dma_start3A_226 = arith.constant 0 : i32
    %dma_start3A_227 = tpu.memref_slice %arg5[%add3A_223, %dma_start3A_226] : memref<32768x64xi32, #tpu.memory_space<hbm>> -> memref<128x64xi32, #tpu.memory_space<hbm>>
    tpu.enqueue_dma source(%arg12 : memref<128x64xi32, #tpu.memory_space<vmem>>) target(%dma_start3A_227 : memref<128x64xi32, #tpu.memory_space<hbm>>) target_semaphore(%arg18 : memref<!tpu.dma_semaphore, #tpu.memory_space<semaphore_mem>>)
    %dma_wait3A_228 = arith.constant 0 : i32
    %dma_wait3A_229 = tpu.memref_slice %arg5[%add3A_177, %dma_wait3A_228] : memref<32768x64xi32, #tpu.memory_space<hbm>> -> memref<128x64xi32, #tpu.memory_space<hbm>>
    %dma_wait3A_230 = arith.constant 0 : i32
    %dma_wait3A_231 = tpu.memref_slice %arg5[%add3A_177, %dma_wait3A_230] : memref<32768x64xi32, #tpu.memory_space<hbm>> -> memref<128x64xi32, #tpu.memory_space<hbm>>
    tpu.wait_dma2 semaphore(%arg19 : memref<!tpu.dma_semaphore, #tpu.memory_space<semaphore_mem>>) src(%arg13 : memref<128x64xi32, #tpu.memory_space<vmem>>) dst(%dma_wait3A_231 : memref<128x64xi32, #tpu.memory_space<hbm>>)
    %dma_wait3A_232 = arith.constant 0 : i32
    %dma_wait3A_233 = tpu.memref_slice %arg5[%add3A_200, %dma_wait3A_232] : memref<32768x64xi32, #tpu.memory_space<hbm>> -> memref<128x64xi32, #tpu.memory_space<hbm>>
    %dma_wait3A_234 = arith.constant 0 : i32
    %dma_wait3A_235 = tpu.memref_slice %arg5[%add3A_200, %dma_wait3A_234] : memref<32768x64xi32, #tpu.memory_space<hbm>> -> memref<128x64xi32, #tpu.memory_space<hbm>>
    tpu.wait_dma2 semaphore(%arg17 : memref<!tpu.dma_semaphore, #tpu.memory_space<semaphore_mem>>) src(%arg11 : memref<128x64xi32, #tpu.memory_space<vmem>>) dst(%dma_wait3A_235 : memref<128x64xi32, #tpu.memory_space<hbm>>)
    %dma_wait3A_236 = arith.constant 0 : i32
    %dma_wait3A_237 = tpu.memref_slice %arg5[%add3A_223, %dma_wait3A_236] : memref<32768x64xi32, #tpu.memory_space<hbm>> -> memref<128x64xi32, #tpu.memory_space<hbm>>
    %dma_wait3A_238 = arith.constant 0 : i32
    %dma_wait3A_239 = tpu.memref_slice %arg5[%add3A_223, %dma_wait3A_238] : memref<32768x64xi32, #tpu.memory_space<hbm>> -> memref<128x64xi32, #tpu.memory_space<hbm>>
    tpu.wait_dma2 semaphore(%arg18 : memref<!tpu.dma_semaphore, #tpu.memory_space<semaphore_mem>>) src(%arg12 : memref<128x64xi32, #tpu.memory_space<vmem>>) dst(%dma_wait3A_239 : memref<128x64xi32, #tpu.memory_space<hbm>>)
    %eq3A = arith.constant 0 : i32
    %eq3A_240 = arith.cmpi eq, %add3A, %eq3A : i32
    %convert_element_type3A = arith.extui %eq3A_240 : i1 to i32
    %cond3A = arith.constant 0 : i32
    %cond3A_241 = arith.cmpi ne, %convert_element_type3A, %cond3A : i32
    scf.if %cond3A_241 {
      "tpu.region"() ({
        %run_scoped3A = tpu.sem_alloc : memref<!tpu.dma_semaphore, #tpu.memory_space<semaphore_mem>>
        tpu.enqueue_dma source(%arg4 : memref<16xi32, #tpu.memory_space<hbm>>) target(%arg20 : memref<16xi32, #tpu.memory_space<vmem>>) target_semaphore(%run_scoped3A : memref<!tpu.dma_semaphore, #tpu.memory_space<semaphore_mem>>)
        tpu.wait_dma2 semaphore(%run_scoped3A : memref<!tpu.dma_semaphore, #tpu.memory_space<semaphore_mem>>) src(%arg4 : memref<16xi32, #tpu.memory_space<hbm>>) dst(%arg20 : memref<16xi32, #tpu.memory_space<vmem>>)
        tpu.yield
      }) : () -> ()
      %dma_start3A_242 = arith.constant 0 : i32
      %dma_start3A_243 = arith.constant 0 : i32
      %dma_start3A_244 = tpu.memref_slice %arg2[%dma_start3A_242, %dma_start3A_243] : memref<100000x128xi32, #tpu.memory_space<hbm>> -> memref<100000x128xi32, #tpu.memory_space<hbm>>
      tpu.enqueue_indirect_dma source(%dma_start3A_244 : memref<100000x128xi32, #tpu.memory_space<hbm>>) target(%arg21 : memref<16x128xi32, #tpu.memory_space<vmem>>) offsets(%arg20 : memref<16xi32, #tpu.memory_space<vmem>>) semaphore(%arg22 : memref<!tpu.dma_semaphore, #tpu.memory_space<semaphore_mem>>)
      %dma_wait3A_245 = arith.constant 0 : i32
      %dma_wait3A_246 = arith.constant 0 : i32
      %dma_wait3A_247 = tpu.memref_slice %arg2[%dma_wait3A_245, %dma_wait3A_246] : memref<100000x128xi32, #tpu.memory_space<hbm>> -> memref<100000x128xi32, #tpu.memory_space<hbm>>
      tpu.wait_indirect_dma semaphore(%arg22 : memref<!tpu.dma_semaphore, #tpu.memory_space<semaphore_mem>>) src(%dma_wait3A_247 : memref<100000x128xi32, #tpu.memory_space<hbm>>) dst(%arg21 : memref<16x128xi32, #tpu.memory_space<vmem>>)
      "tpu.region"() ({
        %run_scoped3A = tpu.sem_alloc : memref<!tpu.dma_semaphore, #tpu.memory_space<semaphore_mem>>
        tpu.enqueue_dma source(%arg21 : memref<16x128xi32, #tpu.memory_space<vmem>>) target(%arg6 : memref<16x128xi32, #tpu.memory_space<hbm>>) target_semaphore(%run_scoped3A : memref<!tpu.dma_semaphore, #tpu.memory_space<semaphore_mem>>)
        tpu.wait_dma2 semaphore(%run_scoped3A : memref<!tpu.dma_semaphore, #tpu.memory_space<semaphore_mem>>) src(%arg21 : memref<16x128xi32, #tpu.memory_space<vmem>>) dst(%arg6 : memref<16x128xi32, #tpu.memory_space<hbm>>)
        tpu.yield
      }) : () -> ()
    } else {
    }
    return
  }
}

module attributes {stable_mosaic.version = 14 : i64} {
  func.func @body(%arg0: i32, %arg1: memref<4096x64xi32, #tpu.memory_space<vmem>>, %arg2: memref<16x128xf32, #tpu.memory_space<vmem>>, %arg3: memref<1x32x2048xf32, #tpu.memory_space<vmem>>, %arg4: memref<2048x16xf32, #tpu.memory_space<vmem>>, %arg5: memref<128x128xf32, #tpu.memory_space<vmem>>, %arg6: memref<128x128xf32, #tpu.memory_space<vmem>>, %arg7: memref<64x128xf32, #tpu.memory_space<vmem>>, %arg8: memref<64x128xf32, #tpu.memory_space<vmem>>, %arg9: memref<64x128xf32, #tpu.memory_space<vmem>>, %arg10: memref<64x128xf32, #tpu.memory_space<vmem>>, %arg11: memref<32x128xf32, #tpu.memory_space<vmem>>, %arg12: memref<32x128xf32, #tpu.memory_space<vmem>>, %arg13: memref<128x2xf32, #tpu.memory_space<vmem>>, %arg14: memref<1x1xf32, #tpu.memory_space<vmem>>, %arg15: memref<2048x16xf32, #tpu.memory_space<vmem>>) attributes {dimension_semantics = [#tpu.dimension_semantics<arbitrary>], iteration_bounds = array<i64: 8>, scalar_prefetch = 0 : i64, scratch_operands = 0 : i64, tpu.core_type = #tpu.core_type<tc>, window_params = [{transform_indices = @transform_0, window_bounds = array<i64: 4096, 64>}, {pipeline_mode = #tpu.pipeline_mode<synchronous>, transform_indices = @transform_1, window_bounds = array<i64: 16, 128>}, {transform_indices = @transform_2, window_bounds = array<i64: 1, 32, 2048>}, {pipeline_mode = #tpu.pipeline_mode<synchronous>, transform_indices = @transform_3, window_bounds = array<i64: 2048, 16>}, {pipeline_mode = #tpu.pipeline_mode<synchronous>, transform_indices = @transform_4, window_bounds = array<i64: 128, 128>}, {pipeline_mode = #tpu.pipeline_mode<synchronous>, transform_indices = @transform_5, window_bounds = array<i64: 128, 128>}, {pipeline_mode = #tpu.pipeline_mode<synchronous>, transform_indices = @transform_6, window_bounds = array<i64: 64, 128>}, {pipeline_mode = #tpu.pipeline_mode<synchronous>, transform_indices = @transform_7, window_bounds = array<i64: 64, 128>}, {pipeline_mode = #tpu.pipeline_mode<synchronous>, transform_indices = @transform_8, window_bounds = array<i64: 64, 128>}, {pipeline_mode = #tpu.pipeline_mode<synchronous>, transform_indices = @transform_9, window_bounds = array<i64: 64, 128>}, {pipeline_mode = #tpu.pipeline_mode<synchronous>, transform_indices = @transform_10, window_bounds = array<i64: 32, 128>}, {pipeline_mode = #tpu.pipeline_mode<synchronous>, transform_indices = @transform_11, window_bounds = array<i64: 32, 128>}, {pipeline_mode = #tpu.pipeline_mode<synchronous>, transform_indices = @transform_12, window_bounds = array<i64: 128, 2>}, {pipeline_mode = #tpu.pipeline_mode<synchronous>, transform_indices = @transform_13, window_bounds = array<i64: 1, 1>}, {pipeline_mode = #tpu.pipeline_mode<synchronous>, transform_indices = @transform_14, window_bounds = array<i64: 2048, 16>}]} {
    %iota3A = tpu.iota {dimensions = array<i32: 0>} : vector<16x32xi32>
    %mul3A = arith.constant 2 : i32
    %mul3A_0 = arith.muli %mul3A, %arg0 : i32
    %add3A = arith.constant 0 : i32
    %add3A_1 = arith.addi %add3A, %mul3A_0 : i32
    %iota3A_2 = tpu.iota {dimensions = array<i32: 1>} : vector<16x32xi32>
    %jit3A = arith.constant 16 : i32
    %div3A = vector.broadcast %jit3A : i32 to vector<16x32xi32>
    %div3A_3 = arith.divsi %iota3A_2, %div3A : vector<16x32xi32>
    %sign3A = arith.constant 0 : i32
    %sign3A_4 = vector.broadcast %sign3A : i32 to vector<16x32xi32>
    %sign3A_5 = arith.cmpi sgt, %iota3A_2, %sign3A_4 : vector<16x32xi32>
    %sign3A_6 = arith.extui %sign3A_5 : vector<16x32xi1> to vector<16x32xi32>
    %sign3A_7 = arith.constant 0 : i32
    %sign3A_8 = vector.broadcast %sign3A_7 : i32 to vector<16x32xi32>
    %sign3A_9 = arith.cmpi slt, %iota3A_2, %sign3A_8 : vector<16x32xi32>
    %sign3A_10 = arith.extui %sign3A_9 : vector<16x32xi1> to vector<16x32xi32>
    %sign3A_11 = arith.subi %sign3A_6, %sign3A_10 : vector<16x32xi32>
    %sign3A_12 = arith.constant 0 : i32
    %sign3A_13 = arith.cmpi sgt, %jit3A, %sign3A_12 : i32
    %sign3A_14 = arith.extui %sign3A_13 : i1 to i32
    %sign3A_15 = arith.constant 0 : i32
    %sign3A_16 = arith.cmpi slt, %jit3A, %sign3A_15 : i32
    %sign3A_17 = arith.extui %sign3A_16 : i1 to i32
    %sign3A_18 = arith.subi %sign3A_14, %sign3A_17 : i32
    %ne3A = vector.broadcast %sign3A_18 : i32 to vector<16x32xi32>
    %ne3A_19 = arith.cmpi ne, %sign3A_11, %ne3A : vector<16x32xi32>
    %rem3A = vector.broadcast %jit3A : i32 to vector<16x32xi32>
    %rem3A_20 = arith.remsi %iota3A_2, %rem3A : vector<16x32xi32>
    %ne3A_21 = arith.constant 0 : i32
    %ne3A_22 = vector.broadcast %ne3A_21 : i32 to vector<16x32xi32>
    %ne3A_23 = arith.cmpi ne, %rem3A_20, %ne3A_22 : vector<16x32xi32>
    %and3A = arith.andi %ne3A_19, %ne3A_23 : vector<16x32xi1>
    %sub3A = arith.constant 1 : i32
    %sub3A_24 = vector.broadcast %sub3A : i32 to vector<16x32xi32>
    %sub3A_25 = arith.subi %div3A_3, %sub3A_24 : vector<16x32xi32>
    %select_n3A = arith.select %and3A, %sub3A_25, %div3A_3 : vector<16x32xi1>, vector<16x32xi32>
    %add3A_26 = vector.broadcast %add3A_1 : i32 to vector<16x32xi32>
    %add3A_27 = arith.addi %add3A_26, %select_n3A : vector<16x32xi32>
    %eq3A = arith.cmpi eq, %iota3A, %add3A_27 : vector<16x32xi32>
    %convert_element_type3A = arith.extui %eq3A : vector<16x32xi1> to vector<16x32xi32>
    %convert_element_type3A_28 = arith.sitofp %convert_element_type3A : vector<16x32xi32> to vector<16x32xf32>
    %get3A = arith.constant 0 : index
    %get3A_29 = arith.constant 0 : index
    %get3A_30 = vector.load %arg4[%get3A, %get3A_29] : memref<2048x16xf32, #tpu.memory_space<vmem>>, vector<2048x16xf32>
    %dot_general3A = arith.constant dense<0.000000e+00> : vector<2048x32xf32>
    %dot_general3A_31 = tpu.matmul %get3A_30, %convert_element_type3A_28, %dot_general3A {dimension_numbers = #tpu.dot_dimension_numbers<[1], [0], [0], [1], [0, 0, 1, 1], [], []>, transpose_lhs_hint = false} : vector<2048x16xf32>, vector<16x32xf32>, vector<2048x32xf32> -> vector<2048x32xf32>
    %iota3A_32 = tpu.iota {dimensions = array<i32: 1>} : vector<1x32xi32>
    %jit3A_33 = arith.constant 16 : i32
    %eq3A_34 = arith.constant 0 : i32
    %eq3A_35 = arith.cmpi eq, %jit3A_33, %eq3A_34 : i32
    %jit3A_36 = arith.constant 1 : i32
    %select_n3A_37 = arith.select %eq3A_35, %jit3A_36, %jit3A_33 : i32
    %rem3A_38 = vector.broadcast %select_n3A_37 : i32 to vector<1x32xi32>
    %rem3A_39 = arith.remsi %iota3A_32, %rem3A_38 : vector<1x32xi32>
    %ne3A_40 = arith.constant 0 : i32
    %ne3A_41 = vector.broadcast %ne3A_40 : i32 to vector<1x32xi32>
    %ne3A_42 = arith.cmpi ne, %rem3A_39, %ne3A_41 : vector<1x32xi32>
    %lt3A = arith.constant 0 : i32
    %lt3A_43 = vector.broadcast %lt3A : i32 to vector<1x32xi32>
    %lt3A_44 = arith.cmpi slt, %rem3A_39, %lt3A_43 : vector<1x32xi32>
    %lt3A_45 = arith.constant 0 : i32
    %lt3A_46 = arith.cmpi slt, %select_n3A_37, %lt3A_45 : i32
    %ne3A_47 = vector.broadcast %lt3A_46 : i1 to vector<1x32xi1>
    %ne3A_48 = vector.broadcast %ne3A_47 : vector<1x32xi1> to vector<1x32xi1>
    %ne3A_49 = arith.xori %lt3A_44, %ne3A_48 : vector<1x32xi1>
    %and3A_50 = arith.andi %ne3A_49, %ne3A_42 : vector<1x32xi1>
    %add3A_51 = vector.broadcast %select_n3A_37 : i32 to vector<1x32xi32>
    %add3A_52 = arith.addi %rem3A_39, %add3A_51 : vector<1x32xi32>
    %select_n3A_53 = arith.select %and3A_50, %add3A_52, %rem3A_39 : vector<1x32xi1>, vector<1x32xi32>
    %convert_element_type3A_54 = arith.sitofp %select_n3A_53 : vector<1x32xi32> to vector<1x32xf32>
    %eq3A_55 = vector.broadcast %convert_element_type3A_54 : vector<1x32xf32> to vector<2048x32xf32>
    %eq3A_56 = arith.cmpf oeq, %dot_general3A_31, %eq3A_55 : vector<2048x32xf32>
    %convert_element_type3A_57 = arith.extui %eq3A_56 : vector<2048x32xi1> to vector<2048x32xi32>
    %convert_element_type3A_58 = arith.sitofp %convert_element_type3A_57 : vector<2048x32xi32> to vector<2048x32xf32>
    %get3A_59 = arith.constant 0 : index
    %get3A_60 = arith.constant 0 : index
    %get3A_61 = vector.load %arg2[%get3A_59, %get3A_60] : memref<16x128xf32, #tpu.memory_space<vmem>>, vector<16x128xf32>
    %get3A_62 = arith.constant 0 : index
    %get3A_63 = arith.constant 0 : index
    %get3A_64 = vector.load %arg5[%get3A_62, %get3A_63] : memref<128x128xf32, #tpu.memory_space<vmem>>, vector<128x128xf32>
    %dot_general3A_65 = arith.constant dense<0.000000e+00> : vector<16x128xf32>
    %dot_general3A_66 = tpu.matmul %get3A_61, %get3A_64, %dot_general3A_65 {dimension_numbers = #tpu.dot_dimension_numbers<[1], [0], [0], [1], [0, 0, 1, 1], [], []>, transpose_lhs_hint = false} : vector<16x128xf32>, vector<128x128xf32>, vector<16x128xf32> -> vector<16x128xf32>
    %get3A_67 = arith.constant 0 : index
    %get3A_68 = arith.constant 0 : index
    %get3A_69 = vector.load %arg6[%get3A_67, %get3A_68] : memref<128x128xf32, #tpu.memory_space<vmem>>, vector<128x128xf32>
    %dot_general3A_70 = arith.constant dense<0.000000e+00> : vector<16x128xf32>
    %dot_general3A_71 = tpu.matmul %get3A_61, %get3A_69, %dot_general3A_70 {dimension_numbers = #tpu.dot_dimension_numbers<[1], [0], [0], [1], [0, 0, 1, 1], [], []>, transpose_lhs_hint = false} : vector<16x128xf32>, vector<128x128xf32>, vector<16x128xf32> -> vector<16x128xf32>
    %concatenate3A = tpu.concatenate %dot_general3A_66, %dot_general3A_71 in 0 : vector<16x128xf32>, vector<16x128xf32> -> vector<32x128xf32>
    %get3A_72 = arith.constant 0 : index
    %get3A_73 = arith.constant 0 : index
    %get3A_74 = vector.load %arg12[%get3A_72, %get3A_73] : memref<32x128xf32, #tpu.memory_space<vmem>>, vector<32x128xf32>
    %add3A_75 = arith.addf %concatenate3A, %get3A_74 : vector<32x128xf32>
    %get3A_76 = arith.constant 0 : index
    %get3A_77 = arith.constant 0 : index
    %get3A_78 = vector.load %arg1[%get3A_76, %get3A_77] : memref<4096x64xi32, #tpu.memory_space<vmem>>, vector<4096x64xi32>
    %shift_left3A = arith.constant 16 : i32
    %shift_left3A_79 = vector.broadcast %shift_left3A : i32 to vector<4096x64xi32>
    %shift_left3A_80 = arith.shli %get3A_78, %shift_left3A_79 : vector<4096x64xi32>
    %bitcast_convert_type3A = tpu.bitcast %shift_left3A_80 : vector<4096x64xi32> -> vector<4096x64xf32>
    %and3A_81 = arith.constant -65536 : i32
    %and3A_82 = vector.broadcast %and3A_81 : i32 to vector<4096x64xi32>
    %and3A_83 = arith.andi %get3A_78, %and3A_82 : vector<4096x64xi32>
    %bitcast_convert_type3A_84 = tpu.bitcast %and3A_83 : vector<4096x64xi32> -> vector<4096x64xf32>
    %get3A_85 = arith.constant 0 : index
    %get3A_86 = arith.constant 0 : index
    %get3A_87 = arith.constant 0 : index
    %get3A_88 = vector.load %arg3[%get3A_85, %get3A_86, %get3A_87] : memref<1x32x2048xf32, #tpu.memory_space<vmem>>, vector<1x32x2048xf32>
    %get3A_89 = vector.shape_cast %get3A_88 : vector<1x32x2048xf32> to vector<32x2048xf32>
    %slice3A = vector.extract_strided_slice %bitcast_convert_type3A {offsets = [0, 0], sizes = [2048, 64], strides = [1, 1]} : vector<4096x64xf32> to vector<2048x64xf32>
    %get3A_90 = arith.constant 0 : index
    %get3A_91 = arith.constant 0 : index
    %get3A_92 = vector.load %arg7[%get3A_90, %get3A_91] : memref<64x128xf32, #tpu.memory_space<vmem>>, vector<64x128xf32>
    %dot_general3A_93 = arith.constant dense<0.000000e+00> : vector<2048x128xf32>
    %dot_general3A_94 = tpu.matmul %slice3A, %get3A_92, %dot_general3A_93 {dimension_numbers = #tpu.dot_dimension_numbers<[1], [0], [0], [1], [0, 0, 1, 1], [], []>, transpose_lhs_hint = false} : vector<2048x64xf32>, vector<64x128xf32>, vector<2048x128xf32> -> vector<2048x128xf32>
    %slice3A_95 = vector.extract_strided_slice %bitcast_convert_type3A_84 {offsets = [0, 0], sizes = [2048, 64], strides = [1, 1]} : vector<4096x64xf32> to vector<2048x64xf32>
    %get3A_96 = arith.constant 0 : index
    %get3A_97 = arith.constant 0 : index
    %get3A_98 = vector.load %arg8[%get3A_96, %get3A_97] : memref<64x128xf32, #tpu.memory_space<vmem>>, vector<64x128xf32>
    %dot_general3A_99 = arith.constant dense<0.000000e+00> : vector<2048x128xf32>
    %dot_general3A_100 = tpu.matmul %slice3A_95, %get3A_98, %dot_general3A_99 {dimension_numbers = #tpu.dot_dimension_numbers<[1], [0], [0], [1], [0, 0, 1, 1], [], []>, transpose_lhs_hint = false} : vector<2048x64xf32>, vector<64x128xf32>, vector<2048x128xf32> -> vector<2048x128xf32>
    %add3A_101 = arith.addf %dot_general3A_94, %dot_general3A_100 : vector<2048x128xf32>
    %slice3A_102 = vector.extract_strided_slice %bitcast_convert_type3A {offsets = [2048, 0], sizes = [2048, 64], strides = [1, 1]} : vector<4096x64xf32> to vector<2048x64xf32>
    %get3A_103 = arith.constant 0 : index
    %get3A_104 = arith.constant 0 : index
    %get3A_105 = vector.load %arg9[%get3A_103, %get3A_104] : memref<64x128xf32, #tpu.memory_space<vmem>>, vector<64x128xf32>
    %dot_general3A_106 = arith.constant dense<0.000000e+00> : vector<2048x128xf32>
    %dot_general3A_107 = tpu.matmul %slice3A_102, %get3A_105, %dot_general3A_106 {dimension_numbers = #tpu.dot_dimension_numbers<[1], [0], [0], [1], [0, 0, 1, 1], [], []>, transpose_lhs_hint = false} : vector<2048x64xf32>, vector<64x128xf32>, vector<2048x128xf32> -> vector<2048x128xf32>
    %add3A_108 = arith.addf %add3A_101, %dot_general3A_107 : vector<2048x128xf32>
    %slice3A_109 = vector.extract_strided_slice %bitcast_convert_type3A_84 {offsets = [2048, 0], sizes = [2048, 64], strides = [1, 1]} : vector<4096x64xf32> to vector<2048x64xf32>
    %get3A_110 = arith.constant 0 : index
    %get3A_111 = arith.constant 0 : index
    %get3A_112 = vector.load %arg10[%get3A_110, %get3A_111] : memref<64x128xf32, #tpu.memory_space<vmem>>, vector<64x128xf32>
    %dot_general3A_113 = arith.constant dense<0.000000e+00> : vector<2048x128xf32>
    %dot_general3A_114 = tpu.matmul %slice3A_109, %get3A_112, %dot_general3A_113 {dimension_numbers = #tpu.dot_dimension_numbers<[1], [0], [0], [1], [0, 0, 1, 1], [], []>, transpose_lhs_hint = false} : vector<2048x64xf32>, vector<64x128xf32>, vector<2048x128xf32> -> vector<2048x128xf32>
    %add3A_115 = arith.addf %add3A_108, %dot_general3A_114 : vector<2048x128xf32>
    %get3A_116 = arith.constant 0 : index
    %get3A_117 = arith.constant 0 : index
    %get3A_118 = vector.load %arg11[%get3A_116, %get3A_117] : memref<32x128xf32, #tpu.memory_space<vmem>>, vector<32x128xf32>
    %dot_general3A_119 = arith.constant dense<0.000000e+00> : vector<2048x128xf32>
    %dot_general3A_120 = tpu.matmul %get3A_89, %get3A_118, %dot_general3A_119 {dimension_numbers = #tpu.dot_dimension_numbers<[0], [0], [1], [1], [0, 1, 1, 1], [], []>, transpose_lhs_hint = false} : vector<32x2048xf32>, vector<32x128xf32>, vector<2048x128xf32> -> vector<2048x128xf32>
    %add3A_121 = arith.addf %add3A_115, %dot_general3A_120 : vector<2048x128xf32>
    %dot_general3A_122 = arith.constant dense<0.000000e+00> : vector<2048x128xf32>
    %dot_general3A_123 = tpu.matmul %convert_element_type3A_58, %add3A_75, %dot_general3A_122 {dimension_numbers = #tpu.dot_dimension_numbers<[1], [0], [0], [1], [0, 0, 1, 1], [], []>, transpose_lhs_hint = false} : vector<2048x32xf32>, vector<32x128xf32>, vector<2048x128xf32> -> vector<2048x128xf32>
    %add3A_124 = arith.addf %add3A_121, %dot_general3A_123 : vector<2048x128xf32>
    %max3A = arith.constant 0.000000e+00 : f32
    %max3A_125 = vector.broadcast %max3A : f32 to vector<2048x128xf32>
    %max3A_126 = arith.maximumf %add3A_124, %max3A_125 : vector<2048x128xf32>
    %get3A_127 = arith.constant 0 : index
    %get3A_128 = arith.constant 0 : index
    %get3A_129 = vector.load %arg13[%get3A_127, %get3A_128] : memref<128x2xf32, #tpu.memory_space<vmem>>, vector<128x2xf32>
    %dot_general3A_130 = arith.constant dense<0.000000e+00> : vector<2048x2xf32>
    %dot_general3A_131 = tpu.matmul %max3A_126, %get3A_129, %dot_general3A_130 {dimension_numbers = #tpu.dot_dimension_numbers<[1], [0], [0], [1], [0, 0, 1, 1], [], []>, transpose_lhs_hint = false} : vector<2048x128xf32>, vector<128x2xf32>, vector<2048x2xf32> -> vector<2048x2xf32>
    %iota3A_132 = tpu.iota {dimensions = array<i32: 1>} : vector<2x16xi32>
    %mul3A_133 = arith.constant 2 : i32
    %mul3A_134 = arith.muli %mul3A_133, %arg0 : i32
    %iota3A_135 = tpu.iota {dimensions = array<i32: 0>} : vector<2x16xi32>
    %add3A_136 = vector.broadcast %mul3A_134 : i32 to vector<2x16xi32>
    %add3A_137 = arith.addi %add3A_136, %iota3A_135 : vector<2x16xi32>
    %eq3A_138 = arith.cmpi eq, %iota3A_132, %add3A_137 : vector<2x16xi32>
    %convert_element_type3A_139 = arith.extui %eq3A_138 : vector<2x16xi1> to vector<2x16xi32>
    %convert_element_type3A_140 = arith.sitofp %convert_element_type3A_139 : vector<2x16xi32> to vector<2x16xf32>
    %dot_general3A_141 = arith.constant dense<0.000000e+00> : vector<2048x16xf32>
    %dot_general3A_142 = tpu.matmul %dot_general3A_131, %convert_element_type3A_140, %dot_general3A_141 {dimension_numbers = #tpu.dot_dimension_numbers<[1], [0], [0], [1], [0, 0, 1, 1], [], []>, transpose_lhs_hint = false} : vector<2048x2xf32>, vector<2x16xf32>, vector<2048x16xf32> -> vector<2048x16xf32>
    %eq3A_143 = arith.constant 0 : i32
    %eq3A_144 = arith.cmpi eq, %arg0, %eq3A_143 : i32
    %convert_element_type3A_145 = arith.extui %eq3A_144 : i1 to i32
    %cond3A = arith.constant 0 : i32
    %cond3A_146 = arith.cmpi ne, %convert_element_type3A_145, %cond3A : i32
    scf.if %cond3A_146 {
      %get3A_151 = arith.constant 0 : index
      %get3A_152 = arith.constant 0 : index
      %get3A_153 = vector.load %arg14[%get3A_151, %get3A_152] : memref<1x1xf32, #tpu.memory_space<vmem>>, vector<1x1xf32>
      %add3A_154 = vector.broadcast %get3A_153 : vector<1x1xf32> to vector<2048x16xf32>
      %add3A_155 = arith.addf %dot_general3A_142, %add3A_154 : vector<2048x16xf32>
      %swap3A = arith.constant 0 : index
      %swap3A_156 = arith.constant 0 : index
      %swap3A_157 = vector.load %arg15[%swap3A, %swap3A_156] : memref<2048x16xf32, #tpu.memory_space<vmem>>, vector<2048x16xf32>
      tpu.vector_store %arg15[%swap3A, %swap3A_156], %add3A_155 {strides = array<i32>} : memref<2048x16xf32, #tpu.memory_space<vmem>>, vector<2048x16xf32>,
    } else {
    }
    %gt3A = arith.constant 0 : i32
    %gt3A_147 = arith.cmpi sgt, %arg0, %gt3A : i32
    %convert_element_type3A_148 = arith.extui %gt3A_147 : i1 to i32
    %cond3A_149 = arith.constant 0 : i32
    %cond3A_150 = arith.cmpi ne, %convert_element_type3A_148, %cond3A_149 : i32
    scf.if %cond3A_150 {
      %get3A_151 = arith.constant 0 : index
      %get3A_152 = arith.constant 0 : index
      %get3A_153 = vector.load %arg15[%get3A_151, %get3A_152] : memref<2048x16xf32, #tpu.memory_space<vmem>>, vector<2048x16xf32>
      %add3A_154 = arith.addf %get3A_153, %dot_general3A_142 : vector<2048x16xf32>
      %swap3A = arith.constant 0 : index
      %swap3A_155 = arith.constant 0 : index
      %swap3A_156 = vector.load %arg15[%swap3A, %swap3A_155] : memref<2048x16xf32, #tpu.memory_space<vmem>>, vector<2048x16xf32>
      tpu.vector_store %arg15[%swap3A, %swap3A_155], %add3A_154 {strides = array<i32>} : memref<2048x16xf32, #tpu.memory_space<vmem>>, vector<2048x16xf32>,
    } else {
    }
    return
  }
  func.func @transform_0(%arg0: i32) -> (i32, i32) {
    %c0_i32 = arith.constant 0 : i32
    %c0_i32_0 = arith.constant 0 : i32
    return %arg0, %c0_i32 : i32, i32
  }
  func.func @transform_1(%arg0: i32) -> (i32, i32) {
    %c0_i32 = arith.constant 0 : i32
    %c0_i32_0 = arith.constant 0 : i32
    %c0_i32_1 = arith.constant 0 : i32
    return %c0_i32, %c0_i32_0 : i32, i32
  }
  func.func @transform_2(%arg0: i32) -> (i32, i32, i32) {
    %add3A = arith.constant 0 : i32
    %add3A_0 = arith.addi %arg0, %add3A : i32
    %c0_i32 = arith.constant 0 : i32
    %c0_i32_1 = arith.constant 0 : i32
    %c0_i32_2 = arith.constant 0 : i32
    return %add3A_0, %c0_i32, %c0_i32_1 : i32, i32, i32
  }
  func.func @transform_3(%arg0: i32) -> (i32, i32) {
    %c0_i32 = arith.constant 0 : i32
    %c0_i32_0 = arith.constant 0 : i32
    %c0_i32_1 = arith.constant 0 : i32
    return %c0_i32, %c0_i32_0 : i32, i32
  }
  func.func @transform_4(%arg0: i32) -> (i32, i32) {
    %c0_i32 = arith.constant 0 : i32
    %c0_i32_0 = arith.constant 0 : i32
    %c0_i32_1 = arith.constant 0 : i32
    return %c0_i32, %c0_i32_0 : i32, i32
  }
  func.func @transform_5(%arg0: i32) -> (i32, i32) {
    %c0_i32 = arith.constant 0 : i32
    %c0_i32_0 = arith.constant 0 : i32
    %c0_i32_1 = arith.constant 0 : i32
    return %c0_i32, %c0_i32_0 : i32, i32
  }
  func.func @transform_6(%arg0: i32) -> (i32, i32) {
    %c0_i32 = arith.constant 0 : i32
    %c0_i32_0 = arith.constant 0 : i32
    %c0_i32_1 = arith.constant 0 : i32
    return %c0_i32, %c0_i32_0 : i32, i32
  }
  func.func @transform_7(%arg0: i32) -> (i32, i32) {
    %c0_i32 = arith.constant 0 : i32
    %c0_i32_0 = arith.constant 0 : i32
    %c0_i32_1 = arith.constant 0 : i32
    return %c0_i32, %c0_i32_0 : i32, i32
  }
  func.func @transform_8(%arg0: i32) -> (i32, i32) {
    %c0_i32 = arith.constant 0 : i32
    %c0_i32_0 = arith.constant 0 : i32
    %c0_i32_1 = arith.constant 0 : i32
    return %c0_i32, %c0_i32_0 : i32, i32
  }
  func.func @transform_9(%arg0: i32) -> (i32, i32) {
    %c0_i32 = arith.constant 0 : i32
    %c0_i32_0 = arith.constant 0 : i32
    %c0_i32_1 = arith.constant 0 : i32
    return %c0_i32, %c0_i32_0 : i32, i32
  }
  func.func @transform_10(%arg0: i32) -> (i32, i32) {
    %c0_i32 = arith.constant 0 : i32
    %c0_i32_0 = arith.constant 0 : i32
    %c0_i32_1 = arith.constant 0 : i32
    return %c0_i32, %c0_i32_0 : i32, i32
  }
  func.func @transform_11(%arg0: i32) -> (i32, i32) {
    %c0_i32 = arith.constant 0 : i32
    %c0_i32_0 = arith.constant 0 : i32
    %c0_i32_1 = arith.constant 0 : i32
    return %c0_i32, %c0_i32_0 : i32, i32
  }
  func.func @transform_12(%arg0: i32) -> (i32, i32) {
    %c0_i32 = arith.constant 0 : i32
    %c0_i32_0 = arith.constant 0 : i32
    %c0_i32_1 = arith.constant 0 : i32
    return %c0_i32, %c0_i32_0 : i32, i32
  }
  func.func @transform_13(%arg0: i32) -> (i32, i32) {
    %c0_i32 = arith.constant 0 : i32
    %c0_i32_0 = arith.constant 0 : i32
    %c0_i32_1 = arith.constant 0 : i32
    return %c0_i32, %c0_i32_0 : i32, i32
  }
  func.func @transform_14(%arg0: i32) -> (i32, i32) {
    %c0_i32 = arith.constant 0 : i32
    %c0_i32_0 = arith.constant 0 : i32
    %c0_i32_1 = arith.constant 0 : i32
    return %c0_i32, %c0_i32_0 : i32, i32
  }
}

</mosaic_0001>

<sc_bundles>
// kernel: kernel.4.cloned.1.call-start
scs
__scs_entry_jumppad:
0x0: {  	(pc) =	sbr.rel $0x88, $3  }
0x1: {  	(tag) =	ssettag $0x0;
	lr =	simm.s32 $0x1  }
0x2: {  	[smem:$0x3F98] =	sst lr;
	_ =	strace $0xD0000000  }
0x3: {  	_ = 	snop  }
0x4: {  	_ = 	snop  }
0x5: {  	_ = 	snop  }
0x6: {  	_ = 	snop  }
0x7: {  	_ = 	snop  }
__scs_overlays_trampoline_lowered:
0x8: {  	[smem:$0x3FA7] =	sst s0  }
0x9: {  	[smem:$0x3FA8] =	sst s1  }
0xa: {  	[smem:$0x3FA9] =	sst s2  }
0xb: {  	[smem:$0x3FAA] =	sst s3  }
0xc: {  	[smem:$0x3FAB] =	sst s4  }
0xd: {  	[smem:$0x3FAC] =	sst s5  }
0xe: {  	[smem:$0x3FAD] =	sst s6  }
0xf: {  	[smem:$0x3FAE] =	sst s7  }
0x10: {  	[smem:$0x3FAF] =	sst s8  }
0x11: {  	[smem:$0x3FB0] =	sst s9;
	s0 =	simm.s32 @!p0 $0x0  }
0x12: {  	s1 =	sld [smem:$0x3F96];
	s0 =	simm.s32 @p0 $0x1  }
0x13: {  	[smem:$0x3FB1] =	sst s0;
	s0 =	simm.s32 @!p1 $0x0  }
0x14: {  	s2 =	sld [smem:$0x3F95];
	s0 =	simm.s32 @p1 $0x1  }
0x15: {  	[smem:$0x3FB2] =	sst s0;
	s0 =	simm.s32 @!p2 $0x0  }
0x16: {  	s3 =	sld [smem:$0x3FDB];
	s0 =	simm.s32 @p2 $0x1  }
0x17: {  	s4 =	simm.s32 $0x1BF5;
	[smem:$0x3FB4] =	sst s0  }
0x18: {  	s0 =	sld [smem:$0x3F97];
	_ =	swait.ge [sflag:s4], $0x0  }
0x19: {  	s7 =	sld [smem:$0x3F98]  }
0x1a: {  	s8 =	sadd.s32 $0xFFFFE003, lr  }
0x1b: {  	s9 =	sadd.s32 $0xFFFFFEF7, lr;
	s5 =	simm.s32 $0xFFFFFFFF;
	p2 =	slt.u32 s8, $0xFFFFF086  }
0x1c: {  	p1 =	slt.u32 s9, $0xF7A;
	s5 =	simm.s32 @!p2 $0x0  }
0x1d: {  	s5 =	simm.s32 @p1 $0x1;
	p0 =	seq.s32 s7, s2  }
0x1e: {  	s7 =	smul.u32 @!p0 $0xF7A, s2;
	p2 =	seq.s32 @!p0 s5, $0x0  }
0x1f: {  	s9 =	smul.u32 $0xF7A, s1;
	s8 =	simm.s32 @!p0 $0x1BF5;
	p2 =	por !p2, p0  }
0x20: {  	[sflag:s8] =	ssyncset.s32 @!p0 $0xFFFFF086;
	s6 =	sadd.s32 @!p0 s3, s7;
	s7 =	simm.s32 @!p0 $0x108  }
0x21: {  	s3 =	sadd.s32 s3, s9;
	s6 =	sadd.s32 @!p0 $0x88, s6;
	s7 =	simm.s32 @p2 $0x1082  }
0x22: {  	[simem:s7], [sflag:s8] =	dma.local @!p0 [hbm:s6], $0xF7A  }
0x23: {  	s9 =	sor.u32 $0xD0000000, s2;
	s6 =	simm.s32 $0x108;
	_ =	swait.ge @!p0 [sflag:s8], $0x0  }
0x24: {  	s3 =	sadd.s32 $0x88, s3;
	s6 =	simm.s32 @!p1 $0x1082;
	[sflag:s4] =	ssyncset.s32 $0xFFFFF086  }
0x25: {  	[simem:s6], [sflag:s4] =	dma.local [hbm:s3], $0xF7A  }
0x26: {  	[smem:$0x3F98] =	sst s1;
	(tag) =	ssettag s2;
	_ =	strace s9  }
0x27: {  	s1 =	sld [smem:$0x3FA8]  }
0x28: {  	s2 =	sld [smem:$0x3FA9]  }
0x29: {  	s4 =	sld [smem:$0x3FAB]  }
0x2a: {  	p0 =	seq.s32 s5, $0x0;
	s5 =	sld [smem:$0x3FAC]  }
0x2b: {  	s6 =	sld [smem:$0x3FAD]  }
0x2c: {  	s7 =	sld [smem:$0x3FAE]  }
0x2d: {  	s3 =	simm.s32 $0x108;
	s8 =	sld [smem:$0x3FAF]  }
0x2e: {  	s3 =	simm.s32 @!p0 $0x1082;
	s9 =	sld [smem:$0x3FB0]  }
0x2f: {  	lr =	sadd.s32 s0, s3;
	s0 =	sld [smem:$0x3FA7]  }
0x30: {  	s3 =	sld [smem:$0x3FAA]  }
0x31: {  	[smem:$0x3FB3] =	sst s10  }
0x32: {  	s10 =	sld [smem:$0x3FB1];
	_ =	sdelay $0x3  }
0x33: {  	p0 =	seq.s32 s10, $0x1;
	s10 =	sld [smem:$0x3FB3];
	_ =	sdelay $0x3  }
0x34: {  	[smem:$0x3FB3] =	sst s10  }
0x35: {  	s10 =	sld [smem:$0x3FB2];
	_ =	sdelay $0x3  }
0x36: {  	p1 =	seq.s32 s10, $0x1;
	s10 =	sld [smem:$0x3FB3];
	_ =	sdelay $0x3  }
0x37: {  	[smem:$0x3FB3] =	sst s10  }
0x38: {  	s10 =	sld [smem:$0x3FB4]  }
0x39: {  	_ = 	snop;
	(pc) =	sbr.ind lr, $3  }
0x3a: {  	_ = 	snop  }
0x3b: {  	_ = 	snop  }
0x3c: {  	p2 =	seq.s32 s10, $0x1;
	s10 =	sld [smem:$0x3FB3]  }
0x3d: {  	_ =	shalt  }
0x3e: {  	_ =	shalt  }
0x3f: {  	_ =	shalt  }
0x40: {  	_ =	shalt  }
0x41: {  	_ =	shalt  }
0x42: {  	_ =	shalt  }
0x43: {  	_ =	shalt  }
0x44: {  	_ =	shalt  }
0x45: {  	_ =	shalt  }
0x46: {  	_ =	shalt  }
0x47: {  	_ =	shalt  }
0x48: {  	_ =	shalt  }
0x49: {  	_ =	shalt  }
0x4a: {  	_ =	shalt  }
0x4b: {  	_ =	shalt  }
0x4c: {  	_ =	shalt  }
0x4d: {  	_ =	shalt  }
0x4e: {  	_ =	shalt  }
0x4f: {  	_ =	shalt  }
0x50: {  	_ =	shalt  }
0x51: {  	_ =	shalt  }
0x52: {  	_ =	shalt  }
0x53: {  	_ =	shalt  }
0x54: {  	_ =	shalt  }
0x55: {  	_ =	shalt  }
0x56: {  	_ =	shalt  }
0x57: {  	_ =	shalt  }
0x58: {  	_ =	shalt  }
0x59: {  	_ =	shalt  }
0x5a: {  	_ =	shalt  }
0x5b: {  	_ =	shalt  }
0x5c: {  	_ =	shalt  }
0x5d: {  	_ =	shalt  }
0x5e: {  	_ =	shalt  }
0x5f: {  	_ =	shalt  }
0x60: {  	_ =	shalt  }
0x61: {  	_ =	shalt  }
0x62: {  	_ =	shalt  }
0x63: {  	_ =	shalt  }
0x64: {  	_ =	shalt  }
0x65: {  	_ =	shalt  }
0x66: {  	_ =	shalt  }
0x67: {  	_ =	shalt  }
0x68: {  	_ =	shalt  }
0x69: {  	_ =	shalt  }
0x6a: {  	_ =	shalt  }
0x6b: {  	_ =	shalt  }
0x6c: {  	_ =	shalt  }
0x6d: {  	_ =	shalt  }
0x6e: {  	_ =	shalt  }
0x6f: {  	_ =	shalt  }
0x70: {  	_ =	shalt  }
0x71: {  	_ =	shalt  }
0x72: {  	_ =	shalt  }
0x73: {  	_ =	shalt  }
0x74: {  	_ =	shalt  }
0x75: {  	_ =	shalt  }
0x76: {  	_ =	shalt  }
0x77: {  	_ =	shalt  }
0x78: {  	_ =	shalt  }
0x79: {  	_ =	shalt  }
0x7a: {  	_ =	shalt  }
0x7b: {  	_ =	shalt  }
0x7c: {  	_ =	shalt  }
0x7d: {  	_ =	shalt  }
0x7e: {  	_ =	shalt  }
0x7f: {  	_ =	shalt  }
0x80: {  	_ =	shalt  }
0x81: {  	_ =	shalt  }
0x82: {  	_ =	shalt  }
0x83: {  	_ =	shalt  }
0x84: {  	_ =	shalt  }
0x85: {  	_ =	shalt  }
0x86: {  	_ =	shalt  }
0x87: {  	_ =	shalt  }
.Lfunc_end0:
.L_simem_size_0:
called_computation_lowered:
.L_overlay_start_0:
0x88: {  	s2 =	sld [smem:$0x3FD9]  }
0x89: {  	s3 =	sld [smem:$0x3FFE];
	_ =	sdelay $0x1  }
0x8a: {  	s1 =	srdreg.scid  }
0x8b: {  	s0 =	sand.u32 $0x1, s1  }
0x8c: {  	s17 =	sshll.u32 s0, $0xA;
	s2 =	sadd.s32 s3, s2  }
0x8d: {  	s2 =	sadd.s32 s2, s17  }
0x8e: {  	[smem:$0x3FBF] =	sst s2  }
0x8f: {  	_ = 	snop  }
0x90: {  	s2 =	sld [smem:$0x3FC8]  }
0x91: {  	s18 =	sld [smem:$0x3FC7]  }
0x92: {  	s4 =	sld [smem:$0x3FD0];
	(tm) =	ssettm $0x1  }
0x93: {  	s5 =	sld [smem:$0x3FFB];
	_ =	sdelay $0x3  }
0x94: {  	_ =	strace s5  }
0x95: {  	s5 =	sld [smem:$0x3FFC];
	_ =	sdelay $0x3  }
0x96: {  	_ =	strace s5  }
0x97: {  	s5 =	sld [smem:$0x3FFD];
	_ =	sdelay $0x3  }
0x98: {  	_ =	strace s5  }
0x99: {  	_ =	strace $0x8FFFFFFF  }
0x9a: {  	s19 =	sld [smem:$0x3FDB];
	_ =	sdelay $0x1  }
0x9b: {  	s6 =	simm.s32 $_scs_section_size  }
0x9c: {  	s7 =	simm.s32 $_size__tile_overlayer_lowered;
	s8 =	simm.s32 $_tile_overlayer_lowered  }
0x9d: {  	s22 =	simm.s32 $0x1BFF;
	s21 =	sshll.u32 s8, $0x1;
	s5 =	sadd.s32 s6, s19  }
0x9e: {  	s9 =	simm.s32 $0x0;
	s20 =	sshll.u32 s7, $0x1;
	s7 =	sadd.s32 s21, s5  }
0x9f: {  	[timem:s9], [sflag:s22] =	dma.local [hbm:s7], s20  }
0xa0: {  	_ =	swait.ge [sflag:s22], s20  }
0xa1: {  	s6 =	ssub.s32 $0x0, s20;
	[sflag:s22] =	ssyncset.done $0x0  }
0xa2: {  	[sflag:s22] =	ssyncadd.s32 s6;
	_ =	sdelay $0x1  }
0xa3: {  	s23 =	simm.s32 $0x1B8B  }
0xa4: {  	_ =	swait.ge [sflag:s23], $0x1  }
0xa5: {  	[sflag:s23] =	ssyncset.done $0x0  }
0xa6: {  	s25 =	simm.s32 $0x1B8E;
	s24 =	sld [smem:$0x3FFE];
	[sflag:s23] =	ssyncadd.s32 $0xFFFFFFFF  }
0xa7: {  	s26 =	simm.s32 $execute0_lowered;
	[smem:$0x3FD2] =	sst s25  }
0xa8: {  	s7 =	sshll.u32 s26, $0x1;
	_ =	strace $0x80000046;
	[dreg:$0x1] =	wrdreg $0xFFFFFFFF  }
0xa9: {  	s28 =	simm.s32 $_size_execute0_lowered;
	s5 =	sadd.s32 s5, s7;
	[dreg:$0x0] =	wrdreg $0x0  }
0xaa: {  	s7 =	sshll.u32 s28, $0x1;
	[dreg:$0x2] =	wrdreg s5  }
0xab: {  	[dreg:$0x3] =	wrdreg s7  }
0xac: {  	[dreg:$0x4] =	wrdreg $0xC0  }
0xad: {  	_ =	task [dreg:s9], $0x5FFFF  }
0xae: {  	[dreg:$0x1] =	wrdreg $0xFFFFFFFF  }
0xaf: {  	[dreg:$0x0] =	wrdreg $0x60  }
0xb0: {  	[dreg:$0x2] =	wrdreg s24  }
0xb1: {  	[dreg:$0x3] =	wrdreg s18  }
0xb2: {  	[dreg:$0x4] =	wrdreg s2  }
0xb3: {  	[dreg:$0x5] =	wrdreg s4  }
0xb4: {  	[dreg:$0x6] =	wrdreg $0x9  }
0xb5: {  	_ =	task.clear_ibuf [dreg:s9], $0x7FFFF;
	_ =	strace $0x90000046  }
0xb6: {  	s29 =	simm.s32 $0x9;
	_ =	strace $0x80000048  }
0xb7: {  	_ =	swait.ge [sflag:s29], $0x1  }
0xb8: {  	[sflag:s29] =	ssyncadd.s32 $0xFFFFFFFF  }
0xb9: {  	_ =	strace $0x90000048  }
0xba: {  	_ =	sfence  }
0xbb: {  	s30 =	sld [smem:$0x0];
	_ =	sdelay $0x2  }
0xbc: {  	s31 =	sshll.u32 s1, $0xD;
	s1 =	sshrl.u32 s1, $0x2  }
0xbd: {  	s3 =	sand.u32 $0x4000, s31;
	s1 =	sadd.s32 s1, s30  }
0xbe: {  	s0 =	sor.u32 s3, s0;
	s1 =	sshll.u32 s1, $0x11  }
0xbf: {  	s0 =	sor.u32 s1, s0  }
0xc0: {  	s0 =	sadd.s32 $0x8F2B, s0  }
0xc1: {  	[sflag:s0] =	ssyncadd.remote.s32 $0x1  }
0xc2: {  	_ =	sfence.sel $0xFFFF  }
0xc3: {  	[dreg:$0x0] =	wrdreg $0xFFFFFFFF;
	(pc) =	sbr.abs _section_cstart, $3  }
0xc4: {  	[dreg:$0x1] =	wrdreg $0xFFFFFFFF  }
0xc5: {  	_ =	task.clear_ibuf [dreg:s9], $0x2FFFF;
	_ =	strace $0x9FFFFFFF  }
0xc6: {  	(tm) =	ssettm $0x7FFFFFFF  }
0xc7: {  	_ =	shalt  }
tec
execute0_lowered:
.L_overlay_start_1:
0x0: {  	(tag) =	ssettag $0x1  }
0x1: {  	s0 =	rddreg [dreg:$0x0]  }
0x2: {  	s1 =	rddreg [dreg:$0x1];
	s4 =	simm.s32 $0x0;
	s2 =	srdreg.scid  }
0x3: {  	s3 =	stileid.u32;
	s16 =	simm.s32 $0x8;
	s17 =	simm.s32 $0x80  }
0x4: {  	s18 =	simm.s32 $0x400;
	s19 =	simm.s32 $0x4400;
	s21 =	simm.s32 $0x8400  }
0x5: {  	s22 =	simm.s32 $0x1;
	s23 =	simm.s32 $0xC400;
	s25 =	simm.s32 $0x2  }
0x6: {  	s26 =	simm.s32 $0x10400;
	s29 =	simm.s32 $0x3;
	s30 =	simm.s32 $0x14400  }
0x7: {  	s20 =	simm.s32 $0x6;
	s24 =	simm.s32 $0x0;
	[smem:$0x7FF] =	sst s4  }
0x8: {  	s2 =	sand.u32 $0x1, s2;
	s3 =	sshll.u32 s3, $0x1;
	s5 =	sadd.s32 $0x2600, s0  }
0x9: {  	_ =	strace $0x80000047;
	s3 =	sor.u32 s2, s3;
	s2 =	ssub.s32 $0x2, s2  }
0xa: {  	s6 =	sshll.u32 s3, $0xE;
	s31 =	sshrl.u32 s2, $0x1;
	s7 =	sshll.u32 s3, $0x7  }
0xb: {  	p0 =	sne.s32 s3, $0x0;
	s0 =	sadd.s32 s6, s0;
	s2 =	ssub.s32 s2, s31  }
0xc: {  	s6 =	sadd.s32 s1, s7;
	s1 =	simm.s32 $0x5;
	s7 =	sadd.s32 $0x189800, s0  }
0xd: {  	s8 =	sadd.s32 $0x189000, s0;
	s9 =	sadd.s32 $0x18A000, s0;
	s10 =	sadd.s32 $0x18A800, s0  }
0xe: {  	s11 =	sadd.s32 $0x18B000, s0;
	s12 =	sadd.s32 $0x18B800, s0;
	s13 =	sadd.s32 $0x18C000, s0  }
0xf: {  	s14 =	sadd.s32 $0x18C800, s0;
	s15 =	smax.u32 s2, $0x1;
	s0 =	simm.s32 $0x4  }
.LBB2_1:
0x10: {  	[tilespmem:s4], [sflag:$0x8] =	stream.linear.gather [hbm4b:s6+s4], $0x400, $0x38;
	[tilespmem:$0x18C80] =	vst v63  }
0x11: {  	_ =	swait.ge [sflag:s16], $0x400  }
0x12: {  	[sflag:s16] =	ssyncset.done $0x0  }
0x13: {  	[sflag:s16] =	ssyncadd.s32 $0xFFFFFC00  }
0x14: {  	[tilespmem:s18], [sflag:$0x1] =	stream.indirect.gather [hbm4b:s5+s17], $0x80, s4, s17, $0xb8;
	[tilespmem:$0x18C80] =	vst v63  }
0x15: {  	_ = 	snop  }
0x16: {  	[tilespmem:s19], [sflag:$0x2] =	stream.indirect.gather [hbm4b:s5+s17], $0x80, s17, s17, $0xb8;
	[tilespmem:$0x18C80] =	vst v63  }
0x17: {  	s2 =	simm.s32 $0x100  }
0x18: {  	[tilespmem:s21], [sflag:$0x3] =	stream.indirect.gather [hbm4b:s5+s17], $0x80, s2, s17, $0xb8;
	[tilespmem:$0x18C80] =	vst v63  }
0x19: {  	_ =	swait.ge [sflag:s22], $0x4000  }
0x1a: {  	[sflag:s22] =	ssyncset.done $0x0  }
0x1b: {  	s28 =	simm.s32 $0x0;
	[sflag:s22] =	ssyncadd.s32 $0xFFFFC000  }
0x1c: {  	v0 =	vld [tilespmem:s28+$0x460]  }
0x1d: {  	v1 =	vld [tilespmem:s28+$0x470]  }
0x1e: {  	v2 =	vld [tilespmem:s28+$0x400]  }
0x1f: {  	v3 =	vld [tilespmem:s28+$0x410]  }
0x20: {  	v6 =	vld [tilespmem:s28+$0x440];
	_ =	sdelay $0x2  }
0x21: {  	v4 =	vld [tilespmem:s28+$0x420]  }
0x22: {  	v5 =	vld [tilespmem:s28+$0x430];
	v7 =	vshrl.u32 v0, $0x10;
	v8 =	vshrl.u32 v1, $0x10  }
0x23: {  	v10 =	vld [tilespmem:s28+$0x450];
	v9 =	vshrl.u32 v2, $0x10;
	v11 =	vshrl.u32 v3, $0x10;
	v12 =	vshrl.u32 v6, $0x10  }
0x24: {  	v7 =	vand.u32 $0x1, v7;
	v8 =	vand.u32 $0x1, v8;
	v9 =	vand.u32 $0x1, v9  }
0x25: {  	v11 =	vand.u32 $0x1, v11;
	v0 =	vadd.s32 v7, v0;
	v1 =	vadd.s32 v8, v1  }
0x26: {  	v12 =	vand.u32 $0x1, v12;
	v0 =	vadd.s32 $0x7FFF, v0;
	v1 =	vadd.s32 $0x7FFF, v1  }
0x27: {  	v7 =	vshrl.u32 v4, $0x10;
	v0 =	vshrl.u32 v0, $0x10;
	v1 =	vand.u32 $0xFFFF0000, v1  }
0x28: {  	v8 =	vshrl.u32 v5, $0x10;
	v0 =	vor.u32 v0, v1;
	v1 =	vshrl.u32 v10, $0x10  }
0x29: {  	v7 =	vand.u32 $0x1, v7;
	v8 =	vand.u32 $0x1, v8;
	v13 =	vand.u32 $0x1, v1  }
0x2a: {  	s31 =	simm.s32 $0x80;
	[tilespmem:s28+$0xC430] =	vst v0;
	v1 =	vadd.s32 v9, v2;
	v2 =	vadd.s32 v11, v3;
	v3 =	vadd.s32 v7, v4  }
0x2b: {  	s2 =	simm.s32 $0x400;
	v4 =	vadd.s32 v8, v5;
	v5 =	vadd.s32 v12, v6;
	v0 =	vld [tilespmem:s31+$0x460];
	v6 =	vadd.s32 v13, v10  }
.LBB2_2:
0x2c: {  	p1 =	sne.s32 s2, $0xFE00;
	v7 =	vld [tilespmem:s31+$0x470];
	v1 =	vadd.s32 $0x7FFF, v1;
	v2 =	vadd.s32 $0x7FFF, v2;
	v3 =	vadd.s32 $0x7FFF, v3  }
0x2d: {  	v4 =	vadd.s32 $0x7FFF, v4;
	v5 =	vadd.s32 $0x7FFF, v5;
	v6 =	vadd.s32 $0x7FFF, v6;
	v8 =	vld [tilespmem:s31+$0x400]  }
0x2e: {  	v1 =	vshrl.u32 v1, $0x10;
	v2 =	vand.u32 $0xFFFF0000, v2;
	v3 =	vshrl.u32 v3, $0x10;
	v9 =	vld [tilespmem:s31+$0x410]  }
0x2f: {  	v4 =	vand.u32 $0xFFFF0000, v4;
	v5 =	vshrl.u32 v5, $0x10;
	v6 =	vand.u32 $0xFFFF0000, v6;
	v10 =	vld [tilespmem:s31+$0x420]  }
0x30: {  	v1 =	vor.u32 v1, v2;
	v2 =	vor.u32 v3, v4;
	v3 =	vor.u32 v5, v6;
	v11 =	vld [tilespmem:s31+$0x430]  }
0x31: {  	v4 =	vshrl.u32 v0, $0x10;
	v5 =	vld [tilespmem:s31+$0x440];
	v6 =	vshrl.u32 v7, $0x10;
	[tilespmem:s28+$0xC400] =	vst v1  }
0x32: {  	v4 =	vand.u32 $0x1, v4;
	v1 =	vshrl.u32 v8, $0x10;
	v12 =	vld [tilespmem:s31+$0x450];
	v6 =	vand.u32 $0x1, v6;
	[tilespmem:s28+$0xC410] =	vst v2  }
0x33: {  	v0 =	vadd.s32 v4, v0;
	v2 =	vshrl.u32 v9, $0x10;
	v4 =	vadd.s32 v6, v7;
	[tilespmem:s28+$0xC420] =	vst v3;
	s28 =	smov.u32 s31  }
0x34: {  	v0 =	vadd.s32 $0x7FFF, v0;
	v3 =	vshrl.u32 v10, $0x10;
	v4 =	vadd.s32 $0x7FFF, v4  }
0x35: {  	v0 =	vshrl.u32 v0, $0x10;
	v6 =	vshrl.u32 v11, $0x10;
	v4 =	vand.u32 $0xFFFF0000, v4  }
.Ltmp0:
0x36: {  	v1 =	vand.u32 $0x1, v1;
	v7 =	vshrl.u32 v5, $0x10;
	v0 =	vor.u32 v0, v4;
	(pc) =	sbr.rel @p1 .LBB2_2-.Ltmp0, $4  }
0x37: {  	v2 =	vand.u32 $0x1, v2;
	v3 =	vand.u32 $0x1, v3;
	v4 =	vshrl.u32 v12, $0x10;
	[tilespmem:s28+$0xC430] =	vst v0  }
0x38: {  	v6 =	vand.u32 $0x1, v6;
	v7 =	vand.u32 $0x1, v7;
	v13 =	vand.u32 $0x1, v4  }
0x39: {  	s31 =	sshra.s32 s2, $0x2;
	v1 =	vadd.s32 v1, v8;
	v2 =	vadd.s32 v2, v9;
	v3 =	vadd.s32 v3, v10  }
0x3a: {  	s2 =	sadd.s32 $0x200, s2;
	v4 =	vadd.s32 v6, v11;
	v5 =	vadd.s32 v7, v5;
	v6 =	vadd.s32 v13, v12;
	v0 =	vld [tilespmem:s31+$0x460]  }
0x3b: {  	v7 =	vld [tilespmem:s31+$0x470];
	v1 =	vadd.s32 $0x7FFF, v1;
	v2 =	vadd.s32 $0x7FFF, v2  }
0x3c: {  	v3 =	vadd.s32 $0x7FFF, v3;
	v8 =	vld [tilespmem:s31+$0x400];
	v4 =	vadd.s32 $0x7FFF, v4;
	v5 =	vadd.s32 $0x7FFF, v5  }
0x3d: {  	v6 =	vadd.s32 $0x7FFF, v6;
	v9 =	vld [tilespmem:s31+$0x410];
	v1 =	vshrl.u32 v1, $0x10;
	v2 =	vand.u32 $0xFFFF0000, v2  }
0x3e: {  	v10 =	vld [tilespmem:s31+$0x420];
	v3 =	vshrl.u32 v3, $0x10;
	v4 =	vand.u32 $0xFFFF0000, v4;
	v5 =	vshrl.u32 v5, $0x10  }
0x3f: {  	v6 =	vand.u32 $0xFFFF0000, v6;
	v1 =	vor.u32 v1, v2;
	v2 =	vor.u32 v3, v4;
	v3 =	vld [tilespmem:s31+$0x440]  }
0x40: {  	v5 =	vor.u32 v5, v6;
	v4 =	vshrl.u32 v0, $0x10  }
0x41: {  	v11 =	vld [tilespmem:s31+$0x430];
	[tilespmem:s28+$0xC400] =	vst v1;
	v12 =	vshrl.u32 v7, $0x10;
	v1 =	vand.u32 $0x1, v4;
	v6 =	vshrl.u32 v8, $0x10  }
0x42: {  	v58 =	vld [tilespmem:s31+$0x450];
	v4 =	vand.u32 $0x1, v12;
	v0 =	vadd.s32 v1, v0;
	v6 =	vand.u32 $0x1, v6  }
0x43: {  	v1 =	vadd.s32 v4, v7;
	v4 =	vshrl.u32 v9, $0x10;
	v0 =	vadd.s32 $0x7FFF, v0  }
0x44: {  	v7 =	vshrl.u32 v10, $0x10;
	v6 =	vadd.s32 v6, v8;
	v8 =	vshrl.u32 v3, $0x10  }
0x45: {  	v1 =	vadd.s32 $0x7FFF, v1;
	v0 =	vshrl.u32 v0, $0x10;
	v4 =	vand.u32 $0x1, v4  }
0x46: {  	v7 =	vand.u32 $0x1, v7;
	v8 =	vand.u32 $0x1, v8;
	v6 =	vadd.s32 $0x7FFF, v6  }
0x47: {  	v1 =	vand.u32 $0xFFFF0000, v1;
	v4 =	vadd.s32 v4, v9;
	v59 =	vshrl.u32 v58, $0x10  }
0x48: {  	v7 =	vadd.s32 v7, v10;
	v3 =	vadd.s32 v8, v3;
	v6 =	vshrl.u32 v6, $0x10  }
0x49: {  	v0 =	vor.u32 v0, v1;
	v1 =	vshrl.u32 v11, $0x10;
	v9 =	vand.u32 $0x1, v59  }
0x4a: {  	[tilespmem:s28+$0xC410] =	vst v2;
	v4 =	vadd.s32 $0x7FFF, v4;
	v2 =	vadd.s32 $0x7FFF, v7;
	v1 =	vand.u32 $0x1, v1  }
0x4b: {  	[tilespmem:s28+$0xC420] =	vst v5;
	v3 =	vadd.s32 $0x7FFF, v3;
	v8 =	vadd.s32 v9, v58;
	v1 =	vadd.s32 v1, v11  }
0x4c: {  	v4 =	vand.u32 $0xFFFF0000, v4;
	[tilespmem:s31+$0xC430] =	vst v0;
	v0 =	vshrl.u32 v2, $0x10;
	v1 =	vadd.s32 $0x7FFF, v1  }
0x4d: {  	v5 =	vadd.s32 $0x7FFF, v8;
	v2 =	vor.u32 v6, v4;
	v1 =	vand.u32 $0xFFFF0000, v1  }
0x4e: {  	v3 =	vshrl.u32 v3, $0x10;
	v4 =	vand.u32 $0xFFFF0000, v5;
	[tilespmem:s31+$0xC400] =	vst v2;
	v0 =	vor.u32 v0, v1  }
0x4f: {  	v1 =	vor.u32 v3, v4;
	[tilespmem:s31+$0xC410] =	vst v0  }
0x50: {  	s2 =	simm.s32 $0x0;
	[tilespmem:s31+$0xC420] =	vst v1  }
0x51: {  	[hbm4b:s8+s2] =	stream.linear.scatter [tilespmem:s23], [sflag:$0x4], $0x4000, $0x38;
	[tilespmem:$0x18C80] =	vst v63  }
0x52: {  	s3 =	simm.s32 $0x180  }
0x53: {  	[tilespmem:s18], [sflag:$0x1] =	stream.indirect.gather [hbm4b:s5+s17], $0x80, s3, s17, $0xb8;
	[tilespmem:$0x18C80] =	vst v63  }
0x54: {  	_ =	swait.ge [sflag:s25], $0x4000  }
0x55: {  	[sflag:s25] =	ssyncset.done $0x0  }
0x56: {  	s28 =	simm.s32 $0x0;
	[sflag:s25] =	ssyncadd.s32 $0xFFFFC000  }
0x57: {  	v0 =	vld [tilespmem:s28+$0x4460]  }
0x58: {  	v1 =	vld [tilespmem:s28+$0x4470]  }
0x59: {  	v2 =	vld [tilespmem:s28+$0x4400]  }
0x5a: {  	v3 =	vld [tilespmem:s28+$0x4410]  }
0x5b: {  	v6 =	vld [tilespmem:s28+$0x4440];
	_ =	sdelay $0x2  }
0x5c: {  	v4 =	vld [tilespmem:s28+$0x4420]  }
0x5d: {  	v5 =	vld [tilespmem:s28+$0x4430];
	v7 =	vshrl.u32 v0, $0x10;
	v8 =	vshrl.u32 v1, $0x10  }
0x5e: {  	v61 =	vld [tilespmem:s28+$0x4450];
	v60 =	vshrl.u32 v2, $0x10;
	v62 =	vshrl.u32 v3, $0x10;
	v63 =	vshrl.u32 v6, $0x10  }
0x5f: {  	v7 =	vand.u32 $0x1, v7;
	v8 =	vand.u32 $0x1, v8;
	v9 =	vand.u32 $0x1, v60  }
0x60: {  	v11 =	vand.u32 $0x1, v62;
	v0 =	vadd.s32 v7, v0;
	v1 =	vadd.s32 v8, v1  }
0x61: {  	v12 =	vand.u32 $0x1, v63;
	v0 =	vadd.s32 $0x7FFF, v0;
	v1 =	vadd.s32 $0x7FFF, v1  }
0x62: {  	v7 =	vshrl.u32 v4, $0x10;
	v0 =	vshrl.u32 v0, $0x10;
	v1 =	vand.u32 $0xFFFF0000, v1  }
0x63: {  	v8 =	vshrl.u32 v5, $0x10;
	v0 =	vor.u32 v0, v1;
	v1 =	vshrl.u32 v61, $0x10  }
0x64: {  	v7 =	vand.u32 $0x1, v7;
	v8 =	vand.u32 $0x1, v8;
	v13 =	vand.u32 $0x1, v1  }
0x65: {  	s31 =	simm.s32 $0x80;
	[tilespmem:s28+$0x10430] =	vst v0;
	v1 =	vadd.s32 v9, v2;
	v2 =	vadd.s32 v11, v3;
	v3 =	vadd.s32 v7, v4  }
0x66: {  	s2 =	simm.s32 $0x400;
	v4 =	vadd.s32 v8, v5;
	v5 =	vadd.s32 v12, v6;
	v0 =	vld [tilespmem:s31+$0x4460];
	v6 =	vadd.s32 v13, v61  }
.LBB2_4:
0x67: {  	p1 =	sne.s32 s2, $0xFE00;
	v7 =	vld [tilespmem:s31+$0x4470];
	v1 =	vadd.s32 $0x7FFF, v1;
	v2 =	vadd.s32 $0x7FFF, v2;
	v3 =	vadd.s32 $0x7FFF, v3  }
0x68: {  	v4 =	vadd.s32 $0x7FFF, v4;
	v5 =	vadd.s32 $0x7FFF, v5;
	v6 =	vadd.s32 $0x7FFF, v6;
	v8 =	vld [tilespmem:s31+$0x4400]  }
0x69: {  	v1 =	vshrl.u32 v1, $0x10;
	v2 =	vand.u32 $0xFFFF0000, v2;
	v3 =	vshrl.u32 v3, $0x10;
	v9 =	vld [tilespmem:s31+$0x4410]  }
0x6a: {  	v4 =	vand.u32 $0xFFFF0000, v4;
	v5 =	vshrl.u32 v5, $0x10;
	v6 =	vand.u32 $0xFFFF0000, v6;
	v10 =	vld [tilespmem:s31+$0x4420]  }
0x6b: {  	v1 =	vor.u32 v1, v2;
	v2 =	vor.u32 v3, v4;
	v3 =	vor.u32 v5, v6;
	v11 =	vld [tilespmem:s31+$0x4430]  }
0x6c: {  	v4 =	vshrl.u32 v0, $0x10;
	v5 =	vld [tilespmem:s31+$0x4440];
	v6 =	vshrl.u32 v7, $0x10;
	[tilespmem:s28+$0x10400] =	vst v1  }
0x6d: {  	v4 =	vand.u32 $0x1, v4;
	v1 =	vshrl.u32 v8, $0x10;
	v12 =	vld [tilespmem:s31+$0x4450];
	v6 =	vand.u32 $0x1, v6;
	[tilespmem:s28+$0x10410] =	vst v2  }
0x6e: {  	v0 =	vadd.s32 v4, v0;
	v2 =	vshrl.u32 v9, $0x10;
	v4 =	vadd.s32 v6, v7;
	[tilespmem:s28+$0x10420] =	vst v3;
	s28 =	smov.u32 s31  }
0x6f: {  	v0 =	vadd.s32 $0x7FFF, v0;
	v3 =	vshrl.u32 v10, $0x10;
	v4 =	vadd.s32 $0x7FFF, v4  }
0x70: {  	v0 =	vshrl.u32 v0, $0x10;
	v6 =	vshrl.u32 v11, $0x10;
	v4 =	vand.u32 $0xFFFF0000, v4  }
.Ltmp1:
0x71: {  	v1 =	vand.u32 $0x1, v1;
	v7 =	vshrl.u32 v5, $0x10;
	v0 =	vor.u32 v0, v4;
	(pc) =	sbr.rel @p1 .LBB2_4-.Ltmp1, $4  }
0x72: {  	v2 =	vand.u32 $0x1, v2;
	v3 =	vand.u32 $0x1, v3;
	v4 =	vshrl.u32 v12, $0x10;
	[tilespmem:s28+$0x10430] =	vst v0  }
0x73: {  	v6 =	vand.u32 $0x1, v6;
	v7 =	vand.u32 $0x1, v7;
	v13 =	vand.u32 $0x1, v4  }
0x74: {  	s31 =	sshra.s32 s2, $0x2;
	v1 =	vadd.s32 v1, v8;
	v2 =	vadd.s32 v2, v9;
	v3 =	vadd.s32 v3, v10  }
0x75: {  	s2 =	sadd.s32 $0x200, s2;
	v4 =	vadd.s32 v6, v11;
	v5 =	vadd.s32 v7, v5;
	v6 =	vadd.s32 v13, v12;
	v0 =	vld [tilespmem:s31+$0x4460]  }
0x76: {  	v7 =	vld [tilespmem:s31+$0x4470];
	v1 =	vadd.s32 $0x7FFF, v1;
	v2 =	vadd.s32 $0x7FFF, v2  }
0x77: {  	v3 =	vadd.s32 $0x7FFF, v3;
	v8 =	vld [tilespmem:s31+$0x4400];
	v4 =	vadd.s32 $0x7FFF, v4;
	v5 =	vadd.s32 $0x7FFF, v5  }
0x78: {  	v6 =	vadd.s32 $0x7FFF, v6;
	v9 =	vld [tilespmem:s31+$0x4410];
	v1 =	vshrl.u32 v1, $0x10;
	v2 =	vand.u32 $0xFFFF0000, v2  }
0x79: {  	v10 =	vld [tilespmem:s31+$0x4420];
	v3 =	vshrl.u32 v3, $0x10;
	v4 =	vand.u32 $0xFFFF0000, v4;
	v5 =	vshrl.u32 v5, $0x10  }
0x7a: {  	v6 =	vand.u32 $0xFFFF0000, v6;
	v1 =	vor.u32 v1, v2;
	v2 =	vor.u32 v3, v4;
	v3 =	vld [tilespmem:s31+$0x4440]  }
0x7b: {  	v5 =	vor.u32 v5, v6;
	v4 =	vshrl.u32 v0, $0x10  }
0x7c: {  	v11 =	vld [tilespmem:s31+$0x4430];
	[tilespmem:s28+$0x10400] =	vst v1;
	v12 =	vshrl.u32 v7, $0x10;
	v1 =	vand.u32 $0x1, v4;
	v6 =	vshrl.u32 v8, $0x10  }
0x7d: {  	v58 =	vld [tilespmem:s31+$0x4450];
	v4 =	vand.u32 $0x1, v12;
	v0 =	vadd.s32 v1, v0;
	v6 =	vand.u32 $0x1, v6  }
0x7e: {  	v1 =	vadd.s32 v4, v7;
	v4 =	vshrl.u32 v9, $0x10;
	v0 =	vadd.s32 $0x7FFF, v0  }
0x7f: {  	v7 =	vshrl.u32 v10, $0x10;
	v6 =	vadd.s32 v6, v8;
	v8 =	vshrl.u32 v3, $0x10  }
0x80: {  	v1 =	vadd.s32 $0x7FFF, v1;
	v0 =	vshrl.u32 v0, $0x10;
	v4 =	vand.u32 $0x1, v4  }
0x81: {  	v7 =	vand.u32 $0x1, v7;
	v8 =	vand.u32 $0x1, v8;
	v6 =	vadd.s32 $0x7FFF, v6  }
0x82: {  	v1 =	vand.u32 $0xFFFF0000, v1;
	v4 =	vadd.s32 v4, v9;
	v59 =	vshrl.u32 v58, $0x10  }
0x83: {  	v7 =	vadd.s32 v7, v10;
	v3 =	vadd.s32 v8, v3;
	v6 =	vshrl.u32 v6, $0x10  }
0x84: {  	v0 =	vor.u32 v0, v1;
	v1 =	vshrl.u32 v11, $0x10;
	v9 =	vand.u32 $0x1, v59  }
0x85: {  	[tilespmem:s28+$0x10410] =	vst v2;
	v4 =	vadd.s32 $0x7FFF, v4;
	v2 =	vadd.s32 $0x7FFF, v7;
	v1 =	vand.u32 $0x1, v1  }
0x86: {  	[tilespmem:s28+$0x10420] =	vst v5;
	v3 =	vadd.s32 $0x7FFF, v3;
	v8 =	vadd.s32 v9, v58;
	v1 =	vadd.s32 v1, v11  }
0x87: {  	v4 =	vand.u32 $0xFFFF0000, v4;
	[tilespmem:s31+$0x10430] =	vst v0;
	v0 =	vshrl.u32 v2, $0x10;
	v1 =	vadd.s32 $0x7FFF, v1  }
0x88: {  	v5 =	vadd.s32 $0x7FFF, v8;
	v2 =	vor.u32 v6, v4;
	v1 =	vand.u32 $0xFFFF0000, v1  }
0x89: {  	v3 =	vshrl.u32 v3, $0x10;
	v4 =	vand.u32 $0xFFFF0000, v5;
	[tilespmem:s31+$0x10400] =	vst v2;
	v0 =	vor.u32 v0, v1  }
0x8a: {  	v1 =	vor.u32 v3, v4;
	[tilespmem:s31+$0x10410] =	vst v0  }
0x8b: {  	s2 =	simm.s32 $0x0;
	[tilespmem:s31+$0x10420] =	vst v1  }
0x8c: {  	[hbm4b:s7+s2] =	stream.linear.scatter [tilespmem:s26], [sflag:$0x5], $0x4000, $0x38;
	[tilespmem:$0x18C80] =	vst v63  }
0x8d: {  	s3 =	simm.s32 $0x200  }
0x8e: {  	[tilespmem:s19], [sflag:$0x2] =	stream.indirect.gather [hbm4b:s5+s17], $0x80, s3, s17, $0xb8;
	[tilespmem:$0x18C80] =	vst v63  }
0x8f: {  	_ =	swait.ge [sflag:s29], $0x4000  }
0x90: {  	[sflag:s29] =	ssyncset.done $0x0  }
0x91: {  	s28 =	simm.s32 $0x0;
	[sflag:s29] =	ssyncadd.s32 $0xFFFFC000  }
0x92: {  	v0 =	vld [tilespmem:s28+$0x8460]  }
0x93: {  	v1 =	vld [tilespmem:s28+$0x8470]  }
0x94: {  	v2 =	vld [tilespmem:s28+$0x8400]  }
0x95: {  	v3 =	vld [tilespmem:s28+$0x8410]  }
0x96: {  	v6 =	vld [tilespmem:s28+$0x8440];
	_ =	sdelay $0x2  }
0x97: {  	v4 =	vld [tilespmem:s28+$0x8420]  }
0x98: {  	v5 =	vld [tilespmem:s28+$0x8430];
	v7 =	vshrl.u32 v0, $0x10;
	v8 =	vshrl.u32 v1, $0x10  }
0x99: {  	v61 =	vld [tilespmem:s28+$0x8450];
	v60 =	vshrl.u32 v2, $0x10;
	v62 =	vshrl.u32 v3, $0x10;
	v63 =	vshrl.u32 v6, $0x10  }
0x9a: {  	v7 =	vand.u32 $0x1, v7;
	v8 =	vand.u32 $0x1, v8;
	v9 =	vand.u32 $0x1, v60  }
0x9b: {  	v11 =	vand.u32 $0x1, v62;
	v0 =	vadd.s32 v7, v0;
	v1 =	vadd.s32 v8, v1  }
0x9c: {  	v12 =	vand.u32 $0x1, v63;
	v0 =	vadd.s32 $0x7FFF, v0;
	v1 =	vadd.s32 $0x7FFF, v1  }
0x9d: {  	v7 =	vshrl.u32 v4, $0x10;
	v0 =	vshrl.u32 v0, $0x10;
	v1 =	vand.u32 $0xFFFF0000, v1  }
0x9e: {  	v8 =	vshrl.u32 v5, $0x10;
	v0 =	vor.u32 v0, v1;
	v1 =	vshrl.u32 v61, $0x10  }
0x9f: {  	v7 =	vand.u32 $0x1, v7;
	v8 =	vand.u32 $0x1, v8;
	v13 =	vand.u32 $0x1, v1  }
0xa0: {  	s31 =	simm.s32 $0x80;
	[tilespmem:s28+$0x14430] =	vst v0;
	v1 =	vadd.s32 v9, v2;
	v2 =	vadd.s32 v11, v3;
	v3 =	vadd.s32 v7, v4  }
0xa1: {  	s2 =	simm.s32 $0x400;
	v4 =	vadd.s32 v8, v5;
	v5 =	vadd.s32 v12, v6;
	v0 =	vld [tilespmem:s31+$0x8460];
	v6 =	vadd.s32 v13, v61  }
.LBB2_6:
0xa2: {  	p1 =	sne.s32 s2, $0xFE00;
	v7 =	vld [tilespmem:s31+$0x8470];
	v1 =	vadd.s32 $0x7FFF, v1;
	v2 =	vadd.s32 $0x7FFF, v2;
	v3 =	vadd.s32 $0x7FFF, v3  }
0xa3: {  	v4 =	vadd.s32 $0x7FFF, v4;
	v5 =	vadd.s32 $0x7FFF, v5;
	v6 =	vadd.s32 $0x7FFF, v6;
	v8 =	vld [tilespmem:s31+$0x8400]  }
0xa4: {  	v1 =	vshrl.u32 v1, $0x10;
	v2 =	vand.u32 $0xFFFF0000, v2;
	v3 =	vshrl.u32 v3, $0x10;
	v9 =	vld [tilespmem:s31+$0x8410]  }
0xa5: {  	v4 =	vand.u32 $0xFFFF0000, v4;
	v5 =	vshrl.u32 v5, $0x10;
	v6 =	vand.u32 $0xFFFF0000, v6;
	v10 =	vld [tilespmem:s31+$0x8420]  }
0xa6: {  	v1 =	vor.u32 v1, v2;
	v2 =	vor.u32 v3, v4;
	v3 =	vor.u32 v5, v6;
	v11 =	vld [tilespmem:s31+$0x8430]  }
0xa7: {  	v4 =	vshrl.u32 v0, $0x10;
	v5 =	vld [tilespmem:s31+$0x8440];
	v6 =	vshrl.u32 v7, $0x10;
	[tilespmem:s28+$0x14400] =	vst v1  }
0xa8: {  	v4 =	vand.u32 $0x1, v4;
	v1 =	vshrl.u32 v8, $0x10;
	v12 =	vld [tilespmem:s31+$0x8450];
	v6 =	vand.u32 $0x1, v6;
	[tilespmem:s28+$0x14410] =	vst v2  }
0xa9: {  	v0 =	vadd.s32 v4, v0;
	v2 =	vshrl.u32 v9, $0x10;
	v4 =	vadd.s32 v6, v7;
	[tilespmem:s28+$0x14420] =	vst v3;
	s28 =	smov.u32 s31  }
0xaa: {  	v0 =	vadd.s32 $0x7FFF, v0;
	v3 =	vshrl.u32 v10, $0x10;
	v4 =	vadd.s32 $0x7FFF, v4  }
0xab: {  	v0 =	vshrl.u32 v0, $0x10;
	v6 =	vshrl.u32 v11, $0x10;
	v4 =	vand.u32 $0xFFFF0000, v4  }
.Ltmp2:
0xac: {  	v1 =	vand.u32 $0x1, v1;
	v7 =	vshrl.u32 v5, $0x10;
	v0 =	vor.u32 v0, v4;
	(pc) =	sbr.rel @p1 .LBB2_6-.Ltmp2, $4  }
0xad: {  	v2 =	vand.u32 $0x1, v2;
	v3 =	vand.u32 $0x1, v3;
	v4 =	vshrl.u32 v12, $0x10;
	[tilespmem:s28+$0x14430] =	vst v0  }
0xae: {  	v6 =	vand.u32 $0x1, v6;
	v7 =	vand.u32 $0x1, v7;
	v13 =	vand.u32 $0x1, v4  }
0xaf: {  	s31 =	sshra.s32 s2, $0x2;
	v1 =	vadd.s32 v1, v8;
	v2 =	vadd.s32 v2, v9;
	v3 =	vadd.s32 v3, v10  }
0xb0: {  	s2 =	sadd.s32 $0x200, s2;
	v4 =	vadd.s32 v6, v11;
	v5 =	vadd.s32 v7, v5;
	v6 =	vadd.s32 v13, v12;
	v0 =	vld [tilespmem:s31+$0x8460]  }
0xb1: {  	v7 =	vld [tilespmem:s31+$0x8470];
	v1 =	vadd.s32 $0x7FFF, v1;
	v2 =	vadd.s32 $0x7FFF, v2  }
0xb2: {  	v3 =	vadd.s32 $0x7FFF, v3;
	v8 =	vld [tilespmem:s31+$0x8400];
	v4 =	vadd.s32 $0x7FFF, v4;
	v5 =	vadd.s32 $0x7FFF, v5  }
0xb3: {  	v6 =	vadd.s32 $0x7FFF, v6;
	v9 =	vld [tilespmem:s31+$0x8410];
	v1 =	vshrl.u32 v1, $0x10;
	v2 =	vand.u32 $0xFFFF0000, v2  }
0xb4: {  	v10 =	vld [tilespmem:s31+$0x8420];
	v3 =	vshrl.u32 v3, $0x10;
	v4 =	vand.u32 $0xFFFF0000, v4;
	v5 =	vshrl.u32 v5, $0x10  }
0xb5: {  	v6 =	vand.u32 $0xFFFF0000, v6;
	v1 =	vor.u32 v1, v2;
	v2 =	vor.u32 v3, v4;
	v3 =	vld [tilespmem:s31+$0x8440]  }
0xb6: {  	v5 =	vor.u32 v5, v6;
	v4 =	vshrl.u32 v0, $0x10  }
0xb7: {  	v11 =	vld [tilespmem:s31+$0x8430];
	[tilespmem:s28+$0x14400] =	vst v1;
	v12 =	vshrl.u32 v7, $0x10;
	v1 =	vand.u32 $0x1, v4;
	v6 =	vshrl.u32 v8, $0x10  }
0xb8: {  	v58 =	vld [tilespmem:s31+$0x8450];
	v4 =	vand.u32 $0x1, v12;
	v0 =	vadd.s32 v1, v0;
	v6 =	vand.u32 $0x1, v6  }
0xb9: {  	v1 =	vadd.s32 v4, v7;
	v4 =	vshrl.u32 v9, $0x10;
	v0 =	vadd.s32 $0x7FFF, v0  }
0xba: {  	v7 =	vshrl.u32 v10, $0x10;
	v6 =	vadd.s32 v6, v8;
	v8 =	vshrl.u32 v3, $0x10  }
0xbb: {  	v1 =	vadd.s32 $0x7FFF, v1;
	v0 =	vshrl.u32 v0, $0x10;
	v4 =	vand.u32 $0x1, v4  }
0xbc: {  	v7 =	vand.u32 $0x1, v7;
	v8 =	vand.u32 $0x1, v8;
	v6 =	vadd.s32 $0x7FFF, v6  }
0xbd: {  	v1 =	vand.u32 $0xFFFF0000, v1;
	v4 =	vadd.s32 v4, v9;
	v59 =	vshrl.u32 v58, $0x10  }
0xbe: {  	v7 =	vadd.s32 v7, v10;
	v3 =	vadd.s32 v8, v3;
	v6 =	vshrl.u32 v6, $0x10  }
0xbf: {  	v0 =	vor.u32 v0, v1;
	v1 =	vshrl.u32 v11, $0x10;
	v9 =	vand.u32 $0x1, v59  }
0xc0: {  	[tilespmem:s28+$0x14410] =	vst v2;
	v4 =	vadd.s32 $0x7FFF, v4;
	v2 =	vadd.s32 $0x7FFF, v7;
	v1 =	vand.u32 $0x1, v1  }
0xc1: {  	[tilespmem:s28+$0x14420] =	vst v5;
	v3 =	vadd.s32 $0x7FFF, v3;
	v8 =	vadd.s32 v9, v58;
	v1 =	vadd.s32 v1, v11  }
0xc2: {  	v4 =	vand.u32 $0xFFFF0000, v4;
	[tilespmem:s31+$0x14430] =	vst v0;
	v0 =	vshrl.u32 v2, $0x10;
	v1 =	vadd.s32 $0x7FFF, v1  }
0xc3: {  	v5 =	vadd.s32 $0x7FFF, v8;
	v2 =	vor.u32 v6, v4;
	v1 =	vand.u32 $0xFFFF0000, v1  }
0xc4: {  	v3 =	vshrl.u32 v3, $0x10;
	v4 =	vand.u32 $0xFFFF0000, v5;
	[tilespmem:s31+$0x14400] =	vst v2;
	v0 =	vor.u32 v0, v1  }
0xc5: {  	v1 =	vor.u32 v3, v4;
	[tilespmem:s31+$0x14410] =	vst v0  }
0xc6: {  	s2 =	simm.s32 $0x0;
	[tilespmem:s31+$0x14420] =	vst v1  }
0xc7: {  	[hbm4b:s9+s2] =	stream.linear.scatter [tilespmem:s30], [sflag:$0x6], $0x4000, $0x38;
	[tilespmem:$0x18C80] =	vst v63  }
0xc8: {  	s3 =	simm.s32 $0x280  }
0xc9: {  	[tilespmem:s21], [sflag:$0x3] =	stream.indirect.gather [hbm4b:s5+s17], $0x80, s3, s17, $0xb8;
	[tilespmem:$0x18C80] =	vst v63  }
0xca: {  	_ =	swait.ge [sflag:s22], $0x4000  }
0xcb: {  	[sflag:s22] =	ssyncset.done $0x0  }
0xcc: {  	[sflag:s22] =	ssyncadd.s32 $0xFFFFC000  }
0xcd: {  	_ =	swait.ge [sflag:s0], $0x4000  }
0xce: {  	[sflag:s0] =	ssyncset.done $0x0  }
0xcf: {  	s28 =	simm.s32 $0x0;
	[sflag:s0] =	ssyncadd.s32 $0xFFFFC000  }
0xd0: {  	v0 =	vld [tilespmem:s28+$0x460]  }
0xd1: {  	v1 =	vld [tilespmem:s28+$0x470]  }
0xd2: {  	v2 =	vld [tilespmem:s28+$0x400]  }
0xd3: {  	v3 =	vld [tilespmem:s28+$0x410]  }
0xd4: {  	v6 =	vld [tilespmem:s28+$0x440];
	_ =	sdelay $0x2  }
0xd5: {  	v4 =	vld [tilespmem:s28+$0x420]  }
0xd6: {  	v5 =	vld [tilespmem:s28+$0x430];
	v7 =	vshrl.u32 v0, $0x10;
	v8 =	vshrl.u32 v1, $0x10  }
0xd7: {  	v61 =	vld [tilespmem:s28+$0x450];
	v60 =	vshrl.u32 v2, $0x10;
	v62 =	vshrl.u32 v3, $0x10;
	v63 =	vshrl.u32 v6, $0x10  }
0xd8: {  	v7 =	vand.u32 $0x1, v7;
	v8 =	vand.u32 $0x1, v8;
	v9 =	vand.u32 $0x1, v60  }
0xd9: {  	v11 =	vand.u32 $0x1, v62;
	v0 =	vadd.s32 v7, v0;
	v1 =	vadd.s32 v8, v1  }
0xda: {  	v12 =	vand.u32 $0x1, v63;
	v0 =	vadd.s32 $0x7FFF, v0;
	v1 =	vadd.s32 $0x7FFF, v1  }
0xdb: {  	v7 =	vshrl.u32 v4, $0x10;
	v0 =	vshrl.u32 v0, $0x10;
	v1 =	vand.u32 $0xFFFF0000, v1  }
0xdc: {  	v8 =	vshrl.u32 v5, $0x10;
	v0 =	vor.u32 v0, v1;
	v1 =	vshrl.u32 v61, $0x10  }
0xdd: {  	v7 =	vand.u32 $0x1, v7;
	v8 =	vand.u32 $0x1, v8;
	v13 =	vand.u32 $0x1, v1  }
0xde: {  	s31 =	simm.s32 $0x80;
	[tilespmem:s28+$0xC430] =	vst v0;
	v1 =	vadd.s32 v9, v2;
	v2 =	vadd.s32 v11, v3;
	v3 =	vadd.s32 v7, v4  }
0xdf: {  	s2 =	simm.s32 $0x400;
	v4 =	vadd.s32 v8, v5;
	v5 =	vadd.s32 v12, v6;
	v0 =	vld [tilespmem:s31+$0x460];
	v6 =	vadd.s32 v13, v61  }
.LBB2_8:
0xe0: {  	p1 =	sne.s32 s2, $0xFE00;
	v7 =	vld [tilespmem:s31+$0x470];
	v1 =	vadd.s32 $0x7FFF, v1;
	v2 =	vadd.s32 $0x7FFF, v2;
	v3 =	vadd.s32 $0x7FFF, v3  }
0xe1: {  	v4 =	vadd.s32 $0x7FFF, v4;
	v5 =	vadd.s32 $0x7FFF, v5;
	v6 =	vadd.s32 $0x7FFF, v6;
	v8 =	vld [tilespmem:s31+$0x400]  }
0xe2: {  	v1 =	vshrl.u32 v1, $0x10;
	v2 =	vand.u32 $0xFFFF0000, v2;
	v3 =	vshrl.u32 v3, $0x10;
	v9 =	vld [tilespmem:s31+$0x410]  }
0xe3: {  	v4 =	vand.u32 $0xFFFF0000, v4;
	v5 =	vshrl.u32 v5, $0x10;
	v6 =	vand.u32 $0xFFFF0000, v6;
	v10 =	vld [tilespmem:s31+$0x420]  }
0xe4: {  	v1 =	vor.u32 v1, v2;
	v2 =	vor.u32 v3, v4;
	v3 =	vor.u32 v5, v6;
	v11 =	vld [tilespmem:s31+$0x430]  }
0xe5: {  	v4 =	vshrl.u32 v0, $0x10;
	v5 =	vld [tilespmem:s31+$0x440];
	v6 =	vshrl.u32 v7, $0x10;
	[tilespmem:s28+$0xC400] =	vst v1  }
0xe6: {  	v4 =	vand.u32 $0x1, v4;
	v1 =	vshrl.u32 v8, $0x10;
	v12 =	vld [tilespmem:s31+$0x450];
	v6 =	vand.u32 $0x1, v6;
	[tilespmem:s28+$0xC410] =	vst v2  }
0xe7: {  	v0 =	vadd.s32 v4, v0;
	v2 =	vshrl.u32 v9, $0x10;
	v4 =	vadd.s32 v6, v7;
	[tilespmem:s28+$0xC420] =	vst v3;
	s28 =	smov.u32 s31  }
0xe8: {  	v0 =	vadd.s32 $0x7FFF, v0;
	v3 =	vshrl.u32 v10, $0x10;
	v4 =	vadd.s32 $0x7FFF, v4  }
0xe9: {  	v0 =	vshrl.u32 v0, $0x10;
	v6 =	vshrl.u32 v11, $0x10;
	v4 =	vand.u32 $0xFFFF0000, v4  }
.Ltmp3:
0xea: {  	v1 =	vand.u32 $0x1, v1;
	v7 =	vshrl.u32 v5, $0x10;
	v0 =	vor.u32 v0, v4;
	(pc) =	sbr.rel @p1 .LBB2_8-.Ltmp3, $4  }
0xeb: {  	v2 =	vand.u32 $0x1, v2;
	v3 =	vand.u32 $0x1, v3;
	v4 =	vshrl.u32 v12, $0x10;
	[tilespmem:s28+$0xC430] =	vst v0  }
0xec: {  	v6 =	vand.u32 $0x1, v6;
	v7 =	vand.u32 $0x1, v7;
	v13 =	vand.u32 $0x1, v4  }
0xed: {  	s31 =	sshra.s32 s2, $0x2;
	v1 =	vadd.s32 v1, v8;
	v2 =	vadd.s32 v2, v9;
	v3 =	vadd.s32 v3, v10  }
0xee: {  	s2 =	sadd.s32 $0x200, s2;
	v4 =	vadd.s32 v6, v11;
	v5 =	vadd.s32 v7, v5;
	v6 =	vadd.s32 v13, v12;
	v0 =	vld [tilespmem:s31+$0x460]  }
0xef: {  	v7 =	vld [tilespmem:s31+$0x470];
	v1 =	vadd.s32 $0x7FFF, v1;
	v2 =	vadd.s32 $0x7FFF, v2  }
0xf0: {  	v3 =	vadd.s32 $0x7FFF, v3;
	v8 =	vld [tilespmem:s31+$0x400];
	v4 =	vadd.s32 $0x7FFF, v4;
	v5 =	vadd.s32 $0x7FFF, v5  }
0xf1: {  	v6 =	vadd.s32 $0x7FFF, v6;
	v9 =	vld [tilespmem:s31+$0x410];
	v1 =	vshrl.u32 v1, $0x10;
	v2 =	vand.u32 $0xFFFF0000, v2  }
0xf2: {  	v10 =	vld [tilespmem:s31+$0x420];
	v3 =	vshrl.u32 v3, $0x10;
	v4 =	vand.u32 $0xFFFF0000, v4;
	v5 =	vshrl.u32 v5, $0x10  }
0xf3: {  	v6 =	vand.u32 $0xFFFF0000, v6;
	v1 =	vor.u32 v1, v2;
	v2 =	vor.u32 v3, v4;
	v3 =	vld [tilespmem:s31+$0x440]  }
0xf4: {  	v5 =	vor.u32 v5, v6;
	v4 =	vshrl.u32 v0, $0x10  }
0xf5: {  	v11 =	vld [tilespmem:s31+$0x430];
	[tilespmem:s28+$0xC400] =	vst v1;
	v12 =	vshrl.u32 v7, $0x10;
	v1 =	vand.u32 $0x1, v4;
	v6 =	vshrl.u32 v8, $0x10  }
0xf6: {  	v58 =	vld [tilespmem:s31+$0x450];
	v4 =	vand.u32 $0x1, v12;
	v0 =	vadd.s32 v1, v0;
	v6 =	vand.u32 $0x1, v6  }
0xf7: {  	v1 =	vadd.s32 v4, v7;
	v4 =	vshrl.u32 v9, $0x10;
	v0 =	vadd.s32 $0x7FFF, v0  }
0xf8: {  	v7 =	vshrl.u32 v10, $0x10;
	v6 =	vadd.s32 v6, v8;
	v8 =	vshrl.u32 v3, $0x10  }
0xf9: {  	v1 =	vadd.s32 $0x7FFF, v1;
	v0 =	vshrl.u32 v0, $0x10;
	v4 =	vand.u32 $0x1, v4  }
0xfa: {  	v7 =	vand.u32 $0x1, v7;
	v8 =	vand.u32 $0x1, v8;
	v6 =	vadd.s32 $0x7FFF, v6  }
0xfb: {  	v1 =	vand.u32 $0xFFFF0000, v1;
	v4 =	vadd.s32 v4, v9;
	v59 =	vshrl.u32 v58, $0x10  }
0xfc: {  	v7 =	vadd.s32 v7, v10;
	v3 =	vadd.s32 v8, v3;
	v6 =	vshrl.u32 v6, $0x10  }
0xfd: {  	v0 =	vor.u32 v0, v1;
	v1 =	vshrl.u32 v11, $0x10;
	v9 =	vand.u32 $0x1, v59  }
0xfe: {  	[tilespmem:s28+$0xC410] =	vst v2;
	v4 =	vadd.s32 $0x7FFF, v4;
	v2 =	vadd.s32 $0x7FFF, v7;
	v1 =	vand.u32 $0x1, v1  }
0xff: {  	[tilespmem:s28+$0xC420] =	vst v5;
	v3 =	vadd.s32 $0x7FFF, v3;
	v8 =	vadd.s32 v9, v58;
	v1 =	vadd.s32 v1, v11  }
0x100: {  	v4 =	vand.u32 $0xFFFF0000, v4;
	[tilespmem:s31+$0xC430] =	vst v0;
	v0 =	vshrl.u32 v2, $0x10;
	v1 =	vadd.s32 $0x7FFF, v1  }
0x101: {  	v5 =	vadd.s32 $0x7FFF, v8;
	v2 =	vor.u32 v6, v4;
	v1 =	vand.u32 $0xFFFF0000, v1  }
0x102: {  	v3 =	vshrl.u32 v3, $0x10;
	v4 =	vand.u32 $0xFFFF0000, v5;
	[tilespmem:s31+$0xC400] =	vst v2;
	v0 =	vor.u32 v0, v1  }
0x103: {  	v1 =	vor.u32 v3, v4;
	[tilespmem:s31+$0xC410] =	vst v0  }
0x104: {  	s2 =	simm.s32 $0x0;
	[tilespmem:s31+$0xC420] =	vst v1  }
0x105: {  	[hbm4b:s10+s2] =	stream.linear.scatter [tilespmem:s23], [sflag:$0x4], $0x4000, $0x38;
	[tilespmem:$0x18C80] =	vst v63  }
0x106: {  	s21 =	simm.s32 $0x300  }
0x107: {  	[tilespmem:s18], [sflag:$0x1] =	stream.indirect.gather [hbm4b:s5+s17], $0x80, s21, s17, $0xb8;
	[tilespmem:$0x18C80] =	vst v63  }
0x108: {  	_ =	swait.ge [sflag:s25], $0x4000  }
0x109: {  	[sflag:s25] =	ssyncset.done $0x0  }
0x10a: {  	[sflag:s25] =	ssyncadd.s32 $0xFFFFC000  }
0x10b: {  	_ =	swait.ge [sflag:s1], $0x4000  }
0x10c: {  	[sflag:s1] =	ssyncset.done $0x0  }
0x10d: {  	s28 =	simm.s32 $0x0;
	[sflag:s1] =	ssyncadd.s32 $0xFFFFC000  }
0x10e: {  	v0 =	vld [tilespmem:s28+$0x4460]  }
0x10f: {  	v1 =	vld [tilespmem:s28+$0x4470]  }
0x110: {  	v2 =	vld [tilespmem:s28+$0x4400]  }
0x111: {  	v3 =	vld [tilespmem:s28+$0x4410]  }
0x112: {  	v6 =	vld [tilespmem:s28+$0x4440];
	_ =	sdelay $0x2  }
0x113: {  	v4 =	vld [tilespmem:s28+$0x4420]  }
0x114: {  	v5 =	vld [tilespmem:s28+$0x4430];
	v7 =	vshrl.u32 v0, $0x10;
	v8 =	vshrl.u32 v1, $0x10  }
0x115: {  	v61 =	vld [tilespmem:s28+$0x4450];
	v60 =	vshrl.u32 v2, $0x10;
	v62 =	vshrl.u32 v3, $0x10;
	v63 =	vshrl.u32 v6, $0x10  }
0x116: {  	v7 =	vand.u32 $0x1, v7;
	v8 =	vand.u32 $0x1, v8;
	v9 =	vand.u32 $0x1, v60  }
0x117: {  	v11 =	vand.u32 $0x1, v62;
	v0 =	vadd.s32 v7, v0;
	v1 =	vadd.s32 v8, v1  }
0x118: {  	v12 =	vand.u32 $0x1, v63;
	v0 =	vadd.s32 $0x7FFF, v0;
	v1 =	vadd.s32 $0x7FFF, v1  }
0x119: {  	v7 =	vshrl.u32 v4, $0x10;
	v0 =	vshrl.u32 v0, $0x10;
	v1 =	vand.u32 $0xFFFF0000, v1  }
0x11a: {  	v8 =	vshrl.u32 v5, $0x10;
	v0 =	vor.u32 v0, v1;
	v1 =	vshrl.u32 v61, $0x10  }
0x11b: {  	v7 =	vand.u32 $0x1, v7;
	v8 =	vand.u32 $0x1, v8;
	v13 =	vand.u32 $0x1, v1  }
0x11c: {  	s31 =	simm.s32 $0x80;
	[tilespmem:s28+$0x10430] =	vst v0;
	v1 =	vadd.s32 v9, v2;
	v2 =	vadd.s32 v11, v3;
	v3 =	vadd.s32 v7, v4  }
0x11d: {  	s2 =	simm.s32 $0x400;
	v4 =	vadd.s32 v8, v5;
	v5 =	vadd.s32 v12, v6;
	v0 =	vld [tilespmem:s31+$0x4460];
	v6 =	vadd.s32 v13, v61  }
.LBB2_10:
0x11e: {  	p1 =	sne.s32 s2, $0xFE00;
	v7 =	vld [tilespmem:s31+$0x4470];
	v1 =	vadd.s32 $0x7FFF, v1;
	v2 =	vadd.s32 $0x7FFF, v2;
	v3 =	vadd.s32 $0x7FFF, v3  }
0x11f: {  	v4 =	vadd.s32 $0x7FFF, v4;
	v5 =	vadd.s32 $0x7FFF, v5;
	v6 =	vadd.s32 $0x7FFF, v6;
	v8 =	vld [tilespmem:s31+$0x4400]  }
0x120: {  	v1 =	vshrl.u32 v1, $0x10;
	v2 =	vand.u32 $0xFFFF0000, v2;
	v3 =	vshrl.u32 v3, $0x10;
	v9 =	vld [tilespmem:s31+$0x4410]  }
0x121: {  	v4 =	vand.u32 $0xFFFF0000, v4;
	v5 =	vshrl.u32 v5, $0x10;
	v6 =	vand.u32 $0xFFFF0000, v6;
	v10 =	vld [tilespmem:s31+$0x4420]  }
0x122: {  	v1 =	vor.u32 v1, v2;
	v2 =	vor.u32 v3, v4;
	v3 =	vor.u32 v5, v6;
	v11 =	vld [tilespmem:s31+$0x4430]  }
0x123: {  	v4 =	vshrl.u32 v0, $0x10;
	v5 =	vld [tilespmem:s31+$0x4440];
	v6 =	vshrl.u32 v7, $0x10;
	[tilespmem:s28+$0x10400] =	vst v1  }
0x124: {  	v4 =	vand.u32 $0x1, v4;
	v1 =	vshrl.u32 v8, $0x10;
	v12 =	vld [tilespmem:s31+$0x4450];
	v6 =	vand.u32 $0x1, v6;
	[tilespmem:s28+$0x10410] =	vst v2  }
0x125: {  	v0 =	vadd.s32 v4, v0;
	v2 =	vshrl.u32 v9, $0x10;
	v4 =	vadd.s32 v6, v7;
	[tilespmem:s28+$0x10420] =	vst v3;
	s28 =	smov.u32 s31  }
0x126: {  	v0 =	vadd.s32 $0x7FFF, v0;
	v3 =	vshrl.u32 v10, $0x10;
	v4 =	vadd.s32 $0x7FFF, v4  }
0x127: {  	v0 =	vshrl.u32 v0, $0x10;
	v6 =	vshrl.u32 v11, $0x10;
	v4 =	vand.u32 $0xFFFF0000, v4  }
.Ltmp4:
0x128: {  	v1 =	vand.u32 $0x1, v1;
	v7 =	vshrl.u32 v5, $0x10;
	v0 =	vor.u32 v0, v4;
	(pc) =	sbr.rel @p1 .LBB2_10-.Ltmp4, $4  }
0x129: {  	v2 =	vand.u32 $0x1, v2;
	v3 =	vand.u32 $0x1, v3;
	v4 =	vshrl.u32 v12, $0x10;
	[tilespmem:s28+$0x10430] =	vst v0  }
0x12a: {  	v6 =	vand.u32 $0x1, v6;
	v7 =	vand.u32 $0x1, v7;
	v13 =	vand.u32 $0x1, v4  }
0x12b: {  	s31 =	sshra.s32 s2, $0x2;
	v1 =	vadd.s32 v1, v8;
	v2 =	vadd.s32 v2, v9;
	v3 =	vadd.s32 v3, v10  }
0x12c: {  	s2 =	sadd.s32 $0x200, s2;
	v4 =	vadd.s32 v6, v11;
	v5 =	vadd.s32 v7, v5;
	v6 =	vadd.s32 v13, v12;
	v0 =	vld [tilespmem:s31+$0x4460]  }
0x12d: {  	v7 =	vld [tilespmem:s31+$0x4470];
	v1 =	vadd.s32 $0x7FFF, v1;
	v2 =	vadd.s32 $0x7FFF, v2  }
0x12e: {  	v3 =	vadd.s32 $0x7FFF, v3;
	v8 =	vld [tilespmem:s31+$0x4400];
	v4 =	vadd.s32 $0x7FFF, v4;
	v5 =	vadd.s32 $0x7FFF, v5  }
0x12f: {  	v6 =	vadd.s32 $0x7FFF, v6;
	v9 =	vld [tilespmem:s31+$0x4410];
	v1 =	vshrl.u32 v1, $0x10;
	v2 =	vand.u32 $0xFFFF0000, v2  }
0x130: {  	v10 =	vld [tilespmem:s31+$0x4420];
	v3 =	vshrl.u32 v3, $0x10;
	v4 =	vand.u32 $0xFFFF0000, v4;
	v5 =	vshrl.u32 v5, $0x10  }
0x131: {  	v6 =	vand.u32 $0xFFFF0000, v6;
	v1 =	vor.u32 v1, v2;
	v2 =	vor.u32 v3, v4;
	v3 =	vld [tilespmem:s31+$0x4440]  }
0x132: {  	v5 =	vor.u32 v5, v6;
	v4 =	vshrl.u32 v0, $0x10  }
0x133: {  	v11 =	vld [tilespmem:s31+$0x4430];
	[tilespmem:s28+$0x10400] =	vst v1;
	v12 =	vshrl.u32 v7, $0x10;
	v1 =	vand.u32 $0x1, v4;
	v6 =	vshrl.u32 v8, $0x10  }
0x134: {  	v58 =	vld [tilespmem:s31+$0x4450];
	v4 =	vand.u32 $0x1, v12;
	v0 =	vadd.s32 v1, v0;
	v6 =	vand.u32 $0x1, v6  }
0x135: {  	v1 =	vadd.s32 v4, v7;
	v4 =	vshrl.u32 v9, $0x10;
	v0 =	vadd.s32 $0x7FFF, v0  }
0x136: {  	v7 =	vshrl.u32 v10, $0x10;
	v6 =	vadd.s32 v6, v8;
	v8 =	vshrl.u32 v3, $0x10  }
0x137: {  	v1 =	vadd.s32 $0x7FFF, v1;
	v0 =	vshrl.u32 v0, $0x10;
	v4 =	vand.u32 $0x1, v4  }
0x138: {  	v7 =	vand.u32 $0x1, v7;
	v8 =	vand.u32 $0x1, v8;
	v6 =	vadd.s32 $0x7FFF, v6  }
0x139: {  	v1 =	vand.u32 $0xFFFF0000, v1;
	v4 =	vadd.s32 v4, v9;
	v59 =	vshrl.u32 v58, $0x10  }
0x13a: {  	v7 =	vadd.s32 v7, v10;
	v3 =	vadd.s32 v8, v3;
	v6 =	vshrl.u32 v6, $0x10  }
0x13b: {  	v0 =	vor.u32 v0, v1;
	v1 =	vshrl.u32 v11, $0x10;
	v9 =	vand.u32 $0x1, v59  }
0x13c: {  	[tilespmem:s28+$0x10410] =	vst v2;
	v4 =	vadd.s32 $0x7FFF, v4;
	v2 =	vadd.s32 $0x7FFF, v7;
	v1 =	vand.u32 $0x1, v1  }
0x13d: {  	[tilespmem:s28+$0x10420] =	vst v5;
	v3 =	vadd.s32 $0x7FFF, v3;
	v8 =	vadd.s32 v9, v58;
	v1 =	vadd.s32 v1, v11  }
0x13e: {  	v4 =	vand.u32 $0xFFFF0000, v4;
	[tilespmem:s31+$0x10430] =	vst v0;
	v0 =	vshrl.u32 v2, $0x10;
	v1 =	vadd.s32 $0x7FFF, v1  }
0x13f: {  	v5 =	vadd.s32 $0x7FFF, v8;
	v2 =	vor.u32 v6, v4;
	v1 =	vand.u32 $0xFFFF0000, v1  }
0x140: {  	v3 =	vshrl.u32 v3, $0x10;
	v4 =	vand.u32 $0xFFFF0000, v5;
	[tilespmem:s31+$0x10400] =	vst v2;
	v0 =	vor.u32 v0, v1  }
0x141: {  	v1 =	vor.u32 v3, v4;
	[tilespmem:s31+$0x10410] =	vst v0  }
0x142: {  	s2 =	simm.s32 $0x0;
	[tilespmem:s31+$0x10420] =	vst v1  }
0x143: {  	[hbm4b:s11+s2] =	stream.linear.scatter [tilespmem:s26], [sflag:$0x5], $0x4000, $0x38;
	[tilespmem:$0x18C80] =	vst v63  }
0x144: {  	s21 =	simm.s32 $0x380  }
0x145: {  	[tilespmem:s19], [sflag:$0x2] =	stream.indirect.gather [hbm4b:s5+s17], $0x80, s21, s17, $0xb8;
	[tilespmem:$0x18C80] =	vst v63  }
0x146: {  	_ =	swait.ge [sflag:s29], $0x4000  }
0x147: {  	[sflag:s29] =	ssyncset.done $0x0  }
0x148: {  	[sflag:s29] =	ssyncadd.s32 $0xFFFFC000  }
0x149: {  	_ =	swait.ge [sflag:s20], $0x4000  }
0x14a: {  	[sflag:s20] =	ssyncset.done $0x0  }
0x14b: {  	s28 =	simm.s32 $0x0;
	[sflag:s20] =	ssyncadd.s32 $0xFFFFC000  }
0x14c: {  	v0 =	vld [tilespmem:s28+$0x8460]  }
0x14d: {  	v1 =	vld [tilespmem:s28+$0x8470]  }
0x14e: {  	v2 =	vld [tilespmem:s28+$0x8400]  }
0x14f: {  	v3 =	vld [tilespmem:s28+$0x8410]  }
0x150: {  	v6 =	vld [tilespmem:s28+$0x8440];
	_ =	sdelay $0x2  }
0x151: {  	v4 =	vld [tilespmem:s28+$0x8420]  }
0x152: {  	v5 =	vld [tilespmem:s28+$0x8430];
	v7 =	vshrl.u32 v0, $0x10;
	v8 =	vshrl.u32 v1, $0x10  }
0x153: {  	v61 =	vld [tilespmem:s28+$0x8450];
	v60 =	vshrl.u32 v2, $0x10;
	v62 =	vshrl.u32 v3, $0x10;
	v63 =	vshrl.u32 v6, $0x10  }
0x154: {  	v7 =	vand.u32 $0x1, v7;
	v8 =	vand.u32 $0x1, v8;
	v9 =	vand.u32 $0x1, v60  }
0x155: {  	v11 =	vand.u32 $0x1, v62;
	v0 =	vadd.s32 v7, v0;
	v1 =	vadd.s32 v8, v1  }
0x156: {  	v12 =	vand.u32 $0x1, v63;
	v0 =	vadd.s32 $0x7FFF, v0;
	v1 =	vadd.s32 $0x7FFF, v1  }
0x157: {  	v7 =	vshrl.u32 v4, $0x10;
	v0 =	vshrl.u32 v0, $0x10;
	v1 =	vand.u32 $0xFFFF0000, v1  }
0x158: {  	v8 =	vshrl.u32 v5, $0x10;
	v0 =	vor.u32 v0, v1;
	v1 =	vshrl.u32 v61, $0x10  }
0x159: {  	v7 =	vand.u32 $0x1, v7;
	v8 =	vand.u32 $0x1, v8;
	v13 =	vand.u32 $0x1, v1  }
0x15a: {  	s31 =	simm.s32 $0x80;
	[tilespmem:s28+$0x14430] =	vst v0;
	v1 =	vadd.s32 v9, v2;
	v2 =	vadd.s32 v11, v3;
	v3 =	vadd.s32 v7, v4  }
0x15b: {  	s2 =	simm.s32 $0x400;
	v4 =	vadd.s32 v8, v5;
	v5 =	vadd.s32 v12, v6;
	v0 =	vld [tilespmem:s31+$0x8460];
	v6 =	vadd.s32 v13, v61  }
.LBB2_12:
0x15c: {  	p1 =	sne.s32 s2, $0xFE00;
	v7 =	vld [tilespmem:s31+$0x8470];
	v1 =	vadd.s32 $0x7FFF, v1;
	v2 =	vadd.s32 $0x7FFF, v2;
	v3 =	vadd.s32 $0x7FFF, v3  }
0x15d: {  	v4 =	vadd.s32 $0x7FFF, v4;
	v5 =	vadd.s32 $0x7FFF, v5;
	v6 =	vadd.s32 $0x7FFF, v6;
	v8 =	vld [tilespmem:s31+$0x8400]  }
0x15e: {  	v1 =	vshrl.u32 v1, $0x10;
	v2 =	vand.u32 $0xFFFF0000, v2;
	v3 =	vshrl.u32 v3, $0x10;
	v9 =	vld [tilespmem:s31+$0x8410]  }
0x15f: {  	v4 =	vand.u32 $0xFFFF0000, v4;
	v5 =	vshrl.u32 v5, $0x10;
	v6 =	vand.u32 $0xFFFF0000, v6;
	v10 =	vld [tilespmem:s31+$0x8420]  }
0x160: {  	v1 =	vor.u32 v1, v2;
	v2 =	vor.u32 v3, v4;
	v3 =	vor.u32 v5, v6;
	v11 =	vld [tilespmem:s31+$0x8430]  }
0x161: {  	v4 =	vshrl.u32 v0, $0x10;
	v5 =	vld [tilespmem:s31+$0x8440];
	v6 =	vshrl.u32 v7, $0x10;
	[tilespmem:s28+$0x14400] =	vst v1  }
0x162: {  	v4 =	vand.u32 $0x1, v4;
	v1 =	vshrl.u32 v8, $0x10;
	v12 =	vld [tilespmem:s31+$0x8450];
	v6 =	vand.u32 $0x1, v6;
	[tilespmem:s28+$0x14410] =	vst v2  }
0x163: {  	v0 =	vadd.s32 v4, v0;
	v2 =	vshrl.u32 v9, $0x10;
	v4 =	vadd.s32 v6, v7;
	[tilespmem:s28+$0x14420] =	vst v3;
	s28 =	smov.u32 s31  }
0x164: {  	v0 =	vadd.s32 $0x7FFF, v0;
	v3 =	vshrl.u32 v10, $0x10;
	v4 =	vadd.s32 $0x7FFF, v4  }
0x165: {  	v0 =	vshrl.u32 v0, $0x10;
	v6 =	vshrl.u32 v11, $0x10;
	v4 =	vand.u32 $0xFFFF0000, v4  }
.Ltmp5:
0x166: {  	v1 =	vand.u32 $0x1, v1;
	v7 =	vshrl.u32 v5, $0x10;
	v0 =	vor.u32 v0, v4;
	(pc) =	sbr.rel @p1 .LBB2_12-.Ltmp5, $4  }
0x167: {  	v2 =	vand.u32 $0x1, v2;
	v3 =	vand.u32 $0x1, v3;
	v4 =	vshrl.u32 v12, $0x10;
	[tilespmem:s28+$0x14430] =	vst v0  }
0x168: {  	v6 =	vand.u32 $0x1, v6;
	v7 =	vand.u32 $0x1, v7;
	v13 =	vand.u32 $0x1, v4  }
0x169: {  	s31 =	sshra.s32 s2, $0x2;
	v1 =	vadd.s32 v1, v8;
	v2 =	vadd.s32 v2, v9;
	v3 =	vadd.s32 v3, v10  }
0x16a: {  	s2 =	sadd.s32 $0x200, s2;
	v4 =	vadd.s32 v6, v11;
	v5 =	vadd.s32 v7, v5;
	v6 =	vadd.s32 v13, v12;
	v0 =	vld [tilespmem:s31+$0x8460]  }
0x16b: {  	v7 =	vld [tilespmem:s31+$0x8470];
	v1 =	vadd.s32 $0x7FFF, v1;
	v2 =	vadd.s32 $0x7FFF, v2  }
0x16c: {  	v3 =	vadd.s32 $0x7FFF, v3;
	v8 =	vld [tilespmem:s31+$0x8400];
	v4 =	vadd.s32 $0x7FFF, v4;
	v5 =	vadd.s32 $0x7FFF, v5  }
0x16d: {  	v6 =	vadd.s32 $0x7FFF, v6;
	v9 =	vld [tilespmem:s31+$0x8410];
	v1 =	vshrl.u32 v1, $0x10;
	v2 =	vand.u32 $0xFFFF0000, v2  }
0x16e: {  	v10 =	vld [tilespmem:s31+$0x8420];
	v3 =	vshrl.u32 v3, $0x10;
	v4 =	vand.u32 $0xFFFF0000, v4;
	v5 =	vshrl.u32 v5, $0x10  }
0x16f: {  	v6 =	vand.u32 $0xFFFF0000, v6;
	v1 =	vor.u32 v1, v2;
	v2 =	vor.u32 v3, v4;
	v3 =	vld [tilespmem:s31+$0x8440]  }
0x170: {  	v5 =	vor.u32 v5, v6;
	v4 =	vshrl.u32 v0, $0x10  }
0x171: {  	v11 =	vld [tilespmem:s31+$0x8430];
	[tilespmem:s28+$0x14400] =	vst v1;
	v12 =	vshrl.u32 v7, $0x10;
	v1 =	vand.u32 $0x1, v4;
	v6 =	vshrl.u32 v8, $0x10  }
0x172: {  	v58 =	vld [tilespmem:s31+$0x8450];
	v4 =	vand.u32 $0x1, v12;
	v0 =	vadd.s32 v1, v0;
	v6 =	vand.u32 $0x1, v6  }
0x173: {  	v1 =	vadd.s32 v4, v7;
	v4 =	vshrl.u32 v9, $0x10;
	v0 =	vadd.s32 $0x7FFF, v0  }
0x174: {  	v7 =	vshrl.u32 v10, $0x10;
	v6 =	vadd.s32 v6, v8;
	v8 =	vshrl.u32 v3, $0x10  }
0x175: {  	v1 =	vadd.s32 $0x7FFF, v1;
	v0 =	vshrl.u32 v0, $0x10;
	v4 =	vand.u32 $0x1, v4  }
0x176: {  	v7 =	vand.u32 $0x1, v7;
	v8 =	vand.u32 $0x1, v8;
	v6 =	vadd.s32 $0x7FFF, v6  }
0x177: {  	v1 =	vand.u32 $0xFFFF0000, v1;
	v4 =	vadd.s32 v4, v9;
	v59 =	vshrl.u32 v58, $0x10  }
0x178: {  	v7 =	vadd.s32 v7, v10;
	v3 =	vadd.s32 v8, v3;
	v6 =	vshrl.u32 v6, $0x10  }
0x179: {  	v0 =	vor.u32 v0, v1;
	v1 =	vshrl.u32 v11, $0x10;
	v9 =	vand.u32 $0x1, v59  }
0x17a: {  	[tilespmem:s28+$0x14410] =	vst v2;
	v4 =	vadd.s32 $0x7FFF, v4;
	v2 =	vadd.s32 $0x7FFF, v7;
	v1 =	vand.u32 $0x1, v1  }
0x17b: {  	[tilespmem:s28+$0x14420] =	vst v5;
	v3 =	vadd.s32 $0x7FFF, v3;
	v8 =	vadd.s32 v9, v58;
	v1 =	vadd.s32 v1, v11  }
0x17c: {  	v4 =	vand.u32 $0xFFFF0000, v4;
	[tilespmem:s31+$0x14430] =	vst v0;
	v0 =	vshrl.u32 v2, $0x10;
	v1 =	vadd.s32 $0x7FFF, v1  }
0x17d: {  	v5 =	vadd.s32 $0x7FFF, v8;
	v2 =	vor.u32 v6, v4;
	v1 =	vand.u32 $0xFFFF0000, v1  }
0x17e: {  	v3 =	vshrl.u32 v3, $0x10;
	v4 =	vand.u32 $0xFFFF0000, v5;
	[tilespmem:s31+$0x14400] =	vst v2;
	v0 =	vor.u32 v0, v1  }
0x17f: {  	v1 =	vor.u32 v3, v4;
	[tilespmem:s31+$0x14410] =	vst v0  }
0x180: {  	s2 =	simm.s32 $0x0;
	[tilespmem:s31+$0x14420] =	vst v1  }
0x181: {  	[hbm4b:s12+s2] =	stream.linear.scatter [tilespmem:s30], [sflag:$0x6], $0x4000, $0x38;
	[tilespmem:$0x18C80] =	vst v63  }
0x182: {  	_ =	swait.ge [sflag:s22], $0x4000  }
0x183: {  	[sflag:s22] =	ssyncset.done $0x0  }
0x184: {  	[sflag:s22] =	ssyncadd.s32 $0xFFFFC000  }
0x185: {  	_ =	swait.ge [sflag:s0], $0x4000  }
0x186: {  	[sflag:s0] =	ssyncset.done $0x0  }
0x187: {  	s28 =	simm.s32 $0x0;
	[sflag:s0] =	ssyncadd.s32 $0xFFFFC000  }
0x188: {  	v0 =	vld [tilespmem:s28+$0x460]  }
0x189: {  	v1 =	vld [tilespmem:s28+$0x470]  }
0x18a: {  	v2 =	vld [tilespmem:s28+$0x400]  }
0x18b: {  	v3 =	vld [tilespmem:s28+$0x410]  }
0x18c: {  	v6 =	vld [tilespmem:s28+$0x440];
	_ =	sdelay $0x2  }
0x18d: {  	v4 =	vld [tilespmem:s28+$0x420]  }
0x18e: {  	v5 =	vld [tilespmem:s28+$0x430];
	v7 =	vshrl.u32 v0, $0x10;
	v8 =	vshrl.u32 v1, $0x10  }
0x18f: {  	v61 =	vld [tilespmem:s28+$0x450];
	v60 =	vshrl.u32 v2, $0x10;
	v62 =	vshrl.u32 v3, $0x10;
	v63 =	vshrl.u32 v6, $0x10  }
0x190: {  	v7 =	vand.u32 $0x1, v7;
	v8 =	vand.u32 $0x1, v8;
	v9 =	vand.u32 $0x1, v60  }
0x191: {  	v11 =	vand.u32 $0x1, v62;
	v0 =	vadd.s32 v7, v0;
	v1 =	vadd.s32 v8, v1  }
0x192: {  	v12 =	vand.u32 $0x1, v63;
	v0 =	vadd.s32 $0x7FFF, v0;
	v1 =	vadd.s32 $0x7FFF, v1  }
0x193: {  	v7 =	vshrl.u32 v4, $0x10;
	v0 =	vshrl.u32 v0, $0x10;
	v1 =	vand.u32 $0xFFFF0000, v1  }
0x194: {  	v8 =	vshrl.u32 v5, $0x10;
	v0 =	vor.u32 v0, v1;
	v1 =	vshrl.u32 v61, $0x10  }
0x195: {  	v7 =	vand.u32 $0x1, v7;
	v8 =	vand.u32 $0x1, v8;
	v13 =	vand.u32 $0x1, v1  }
0x196: {  	s31 =	simm.s32 $0x80;
	[tilespmem:s28+$0xC430] =	vst v0;
	v1 =	vadd.s32 v9, v2;
	v2 =	vadd.s32 v11, v3;
	v3 =	vadd.s32 v7, v4  }
0x197: {  	s2 =	simm.s32 $0x400;
	v4 =	vadd.s32 v8, v5;
	v5 =	vadd.s32 v12, v6;
	v0 =	vld [tilespmem:s31+$0x460];
	v6 =	vadd.s32 v13, v61  }
.LBB2_14:
0x198: {  	p1 =	sne.s32 s2, $0xFE00;
	v7 =	vld [tilespmem:s31+$0x470];
	v1 =	vadd.s32 $0x7FFF, v1;
	v2 =	vadd.s32 $0x7FFF, v2;
	v3 =	vadd.s32 $0x7FFF, v3  }
0x199: {  	v4 =	vadd.s32 $0x7FFF, v4;
	v5 =	vadd.s32 $0x7FFF, v5;
	v6 =	vadd.s32 $0x7FFF, v6;
	v8 =	vld [tilespmem:s31+$0x400]  }
0x19a: {  	v1 =	vshrl.u32 v1, $0x10;
	v2 =	vand.u32 $0xFFFF0000, v2;
	v3 =	vshrl.u32 v3, $0x10;
	v9 =	vld [tilespmem:s31+$0x410]  }
0x19b: {  	v4 =	vand.u32 $0xFFFF0000, v4;
	v5 =	vshrl.u32 v5, $0x10;
	v6 =	vand.u32 $0xFFFF0000, v6;
	v10 =	vld [tilespmem:s31+$0x420]  }
0x19c: {  	v1 =	vor.u32 v1, v2;
	v2 =	vor.u32 v3, v4;
	v3 =	vor.u32 v5, v6;
	v11 =	vld [tilespmem:s31+$0x430]  }
0x19d: {  	v4 =	vshrl.u32 v0, $0x10;
	v5 =	vld [tilespmem:s31+$0x440];
	v6 =	vshrl.u32 v7, $0x10;
	[tilespmem:s28+$0xC400] =	vst v1  }
0x19e: {  	v4 =	vand.u32 $0x1, v4;
	v1 =	vshrl.u32 v8, $0x10;
	v12 =	vld [tilespmem:s31+$0x450];
	v6 =	vand.u32 $0x1, v6;
	[tilespmem:s28+$0xC410] =	vst v2  }
0x19f: {  	v0 =	vadd.s32 v4, v0;
	v2 =	vshrl.u32 v9, $0x10;
	v4 =	vadd.s32 v6, v7;
	[tilespmem:s28+$0xC420] =	vst v3;
	s28 =	smov.u32 s31  }
0x1a0: {  	v0 =	vadd.s32 $0x7FFF, v0;
	v3 =	vshrl.u32 v10, $0x10;
	v4 =	vadd.s32 $0x7FFF, v4  }
0x1a1: {  	v0 =	vshrl.u32 v0, $0x10;
	v6 =	vshrl.u32 v11, $0x10;
	v4 =	vand.u32 $0xFFFF0000, v4  }
.Ltmp6:
0x1a2: {  	v1 =	vand.u32 $0x1, v1;
	v7 =	vshrl.u32 v5, $0x10;
	v0 =	vor.u32 v0, v4;
	(pc) =	sbr.rel @p1 .LBB2_14-.Ltmp6, $4  }
0x1a3: {  	v2 =	vand.u32 $0x1, v2;
	v3 =	vand.u32 $0x1, v3;
	v4 =	vshrl.u32 v12, $0x10;
	[tilespmem:s28+$0xC430] =	vst v0  }
0x1a4: {  	v6 =	vand.u32 $0x1, v6;
	v7 =	vand.u32 $0x1, v7;
	v13 =	vand.u32 $0x1, v4  }
0x1a5: {  	s31 =	sshra.s32 s2, $0x2;
	v1 =	vadd.s32 v1, v8;
	v2 =	vadd.s32 v2, v9;
	v3 =	vadd.s32 v3, v10  }
0x1a6: {  	s2 =	sadd.s32 $0x200, s2;
	v4 =	vadd.s32 v6, v11;
	v5 =	vadd.s32 v7, v5;
	v6 =	vadd.s32 v13, v12;
	v0 =	vld [tilespmem:s31+$0x460]  }
0x1a7: {  	v7 =	vld [tilespmem:s31+$0x470];
	v1 =	vadd.s32 $0x7FFF, v1;
	v2 =	vadd.s32 $0x7FFF, v2  }
0x1a8: {  	v3 =	vadd.s32 $0x7FFF, v3;
	v8 =	vld [tilespmem:s31+$0x400];
	v4 =	vadd.s32 $0x7FFF, v4;
	v5 =	vadd.s32 $0x7FFF, v5  }
0x1a9: {  	v6 =	vadd.s32 $0x7FFF, v6;
	v9 =	vld [tilespmem:s31+$0x410];
	v1 =	vshrl.u32 v1, $0x10;
	v2 =	vand.u32 $0xFFFF0000, v2  }
0x1aa: {  	v10 =	vld [tilespmem:s31+$0x420];
	v3 =	vshrl.u32 v3, $0x10;
	v4 =	vand.u32 $0xFFFF0000, v4;
	v5 =	vshrl.u32 v5, $0x10  }
0x1ab: {  	v6 =	vand.u32 $0xFFFF0000, v6;
	v1 =	vor.u32 v1, v2;
	v2 =	vor.u32 v3, v4;
	v3 =	vld [tilespmem:s31+$0x440]  }
0x1ac: {  	v5 =	vor.u32 v5, v6;
	v4 =	vshrl.u32 v0, $0x10  }
0x1ad: {  	v11 =	vld [tilespmem:s31+$0x430];
	[tilespmem:s28+$0xC400] =	vst v1;
	v12 =	vshrl.u32 v7, $0x10;
	v1 =	vand.u32 $0x1, v4;
	v6 =	vshrl.u32 v8, $0x10  }
0x1ae: {  	v58 =	vld [tilespmem:s31+$0x450];
	v4 =	vand.u32 $0x1, v12;
	v0 =	vadd.s32 v1, v0;
	v6 =	vand.u32 $0x1, v6  }
0x1af: {  	v1 =	vadd.s32 v4, v7;
	v4 =	vshrl.u32 v9, $0x10;
	v0 =	vadd.s32 $0x7FFF, v0  }
0x1b0: {  	v7 =	vshrl.u32 v10, $0x10;
	v6 =	vadd.s32 v6, v8;
	v8 =	vshrl.u32 v3, $0x10  }
0x1b1: {  	v1 =	vadd.s32 $0x7FFF, v1;
	v0 =	vshrl.u32 v0, $0x10;
	v4 =	vand.u32 $0x1, v4  }
0x1b2: {  	v7 =	vand.u32 $0x1, v7;
	v8 =	vand.u32 $0x1, v8;
	v6 =	vadd.s32 $0x7FFF, v6  }
0x1b3: {  	v1 =	vand.u32 $0xFFFF0000, v1;
	v4 =	vadd.s32 v4, v9;
	v59 =	vshrl.u32 v58, $0x10  }
0x1b4: {  	v7 =	vadd.s32 v7, v10;
	v3 =	vadd.s32 v8, v3;
	v6 =	vshrl.u32 v6, $0x10  }
0x1b5: {  	v0 =	vor.u32 v0, v1;
	v1 =	vshrl.u32 v11, $0x10;
	v9 =	vand.u32 $0x1, v59  }
0x1b6: {  	[tilespmem:s28+$0xC410] =	vst v2;
	v4 =	vadd.s32 $0x7FFF, v4;
	v2 =	vadd.s32 $0x7FFF, v7;
	v1 =	vand.u32 $0x1, v1  }
0x1b7: {  	[tilespmem:s28+$0xC420] =	vst v5;
	v3 =	vadd.s32 $0x7FFF, v3;
	v8 =	vadd.s32 v9, v58;
	v1 =	vadd.s32 v1, v11  }
0x1b8: {  	v4 =	vand.u32 $0xFFFF0000, v4;
	[tilespmem:s31+$0xC430] =	vst v0;
	v0 =	vshrl.u32 v2, $0x10;
	v1 =	vadd.s32 $0x7FFF, v1  }
0x1b9: {  	v5 =	vadd.s32 $0x7FFF, v8;
	v2 =	vor.u32 v6, v4;
	v1 =	vand.u32 $0xFFFF0000, v1  }
0x1ba: {  	v3 =	vshrl.u32 v3, $0x10;
	v4 =	vand.u32 $0xFFFF0000, v5;
	[tilespmem:s31+$0xC400] =	vst v2;
	v0 =	vor.u32 v0, v1  }
0x1bb: {  	v1 =	vor.u32 v3, v4;
	[tilespmem:s31+$0xC410] =	vst v0  }
0x1bc: {  	s2 =	simm.s32 $0x0;
	[tilespmem:s31+$0xC420] =	vst v1  }
0x1bd: {  	[hbm4b:s13+s2] =	stream.linear.scatter [tilespmem:s23], [sflag:$0x4], $0x4000, $0x38;
	[tilespmem:$0x18C80] =	vst v63  }
0x1be: {  	_ =	swait.ge [sflag:s25], $0x4000  }
0x1bf: {  	[sflag:s25] =	ssyncset.done $0x0  }
0x1c0: {  	[sflag:s25] =	ssyncadd.s32 $0xFFFFC000  }
0x1c1: {  	_ =	swait.ge [sflag:s1], $0x4000  }
0x1c2: {  	[sflag:s1] =	ssyncset.done $0x0  }
0x1c3: {  	s28 =	simm.s32 $0x0;
	[sflag:s1] =	ssyncadd.s32 $0xFFFFC000  }
0x1c4: {  	v0 =	vld [tilespmem:s28+$0x4460]  }
0x1c5: {  	v1 =	vld [tilespmem:s28+$0x4470]  }
0x1c6: {  	v2 =	vld [tilespmem:s28+$0x4400]  }
0x1c7: {  	v3 =	vld [tilespmem:s28+$0x4410]  }
0x1c8: {  	v6 =	vld [tilespmem:s28+$0x4440];
	_ =	sdelay $0x2  }
0x1c9: {  	v4 =	vld [tilespmem:s28+$0x4420]  }
0x1ca: {  	v5 =	vld [tilespmem:s28+$0x4430];
	v7 =	vshrl.u32 v0, $0x10;
	v8 =	vshrl.u32 v1, $0x10  }
0x1cb: {  	v61 =	vld [tilespmem:s28+$0x4450];
	v60 =	vshrl.u32 v2, $0x10;
	v62 =	vshrl.u32 v3, $0x10;
	v63 =	vshrl.u32 v6, $0x10  }
0x1cc: {  	v7 =	vand.u32 $0x1, v7;
	v8 =	vand.u32 $0x1, v8;
	v9 =	vand.u32 $0x1, v60  }
0x1cd: {  	v11 =	vand.u32 $0x1, v62;
	v0 =	vadd.s32 v7, v0;
	v1 =	vadd.s32 v8, v1  }
0x1ce: {  	v12 =	vand.u32 $0x1, v63;
	v0 =	vadd.s32 $0x7FFF, v0;
	v1 =	vadd.s32 $0x7FFF, v1  }
0x1cf: {  	v7 =	vshrl.u32 v4, $0x10;
	v0 =	vshrl.u32 v0, $0x10;
	v1 =	vand.u32 $0xFFFF0000, v1  }
0x1d0: {  	v8 =	vshrl.u32 v5, $0x10;
	v0 =	vor.u32 v0, v1;
	v1 =	vshrl.u32 v61, $0x10  }
0x1d1: {  	v7 =	vand.u32 $0x1, v7;
	v8 =	vand.u32 $0x1, v8;
	v13 =	vand.u32 $0x1, v1  }
0x1d2: {  	s31 =	simm.s32 $0x80;
	[tilespmem:s28+$0x10430] =	vst v0;
	v1 =	vadd.s32 v9, v2;
	v2 =	vadd.s32 v11, v3;
	v3 =	vadd.s32 v7, v4  }
0x1d3: {  	s2 =	simm.s32 $0x400;
	v4 =	vadd.s32 v8, v5;
	v5 =	vadd.s32 v12, v6;
	v0 =	vld [tilespmem:s31+$0x4460];
	v6 =	vadd.s32 v13, v61  }
.LBB2_16:
0x1d4: {  	p1 =	sne.s32 s2, $0xFE00;
	v7 =	vld [tilespmem:s31+$0x4470];
	v1 =	vadd.s32 $0x7FFF, v1;
	v2 =	vadd.s32 $0x7FFF, v2;
	v3 =	vadd.s32 $0x7FFF, v3  }
0x1d5: {  	v4 =	vadd.s32 $0x7FFF, v4;
	v5 =	vadd.s32 $0x7FFF, v5;
	v6 =	vadd.s32 $0x7FFF, v6;
	v8 =	vld [tilespmem:s31+$0x4400]  }
0x1d6: {  	v1 =	vshrl.u32 v1, $0x10;
	v2 =	vand.u32 $0xFFFF0000, v2;
	v3 =	vshrl.u32 v3, $0x10;
	v9 =	vld [tilespmem:s31+$0x4410]  }
0x1d7: {  	v4 =	vand.u32 $0xFFFF0000, v4;
	v5 =	vshrl.u32 v5, $0x10;
	v6 =	vand.u32 $0xFFFF0000, v6;
	v10 =	vld [tilespmem:s31+$0x4420]  }
0x1d8: {  	v1 =	vor.u32 v1, v2;
	v2 =	vor.u32 v3, v4;
	v3 =	vor.u32 v5, v6;
	v11 =	vld [tilespmem:s31+$0x4430]  }
0x1d9: {  	v4 =	vshrl.u32 v0, $0x10;
	v5 =	vld [tilespmem:s31+$0x4440];
	v6 =	vshrl.u32 v7, $0x10;
	[tilespmem:s28+$0x10400] =	vst v1  }
0x1da: {  	v4 =	vand.u32 $0x1, v4;
	v1 =	vshrl.u32 v8, $0x10;
	v12 =	vld [tilespmem:s31+$0x4450];
	v6 =	vand.u32 $0x1, v6;
	[tilespmem:s28+$0x10410] =	vst v2  }
0x1db: {  	v0 =	vadd.s32 v4, v0;
	v2 =	vshrl.u32 v9, $0x10;
	v4 =	vadd.s32 v6, v7;
	[tilespmem:s28+$0x10420] =	vst v3;
	s28 =	smov.u32 s31  }
0x1dc: {  	v0 =	vadd.s32 $0x7FFF, v0;
	v3 =	vshrl.u32 v10, $0x10;
	v4 =	vadd.s32 $0x7FFF, v4  }
0x1dd: {  	v0 =	vshrl.u32 v0, $0x10;
	v6 =	vshrl.u32 v11, $0x10;
	v4 =	vand.u32 $0xFFFF0000, v4  }
.Ltmp7:
0x1de: {  	v1 =	vand.u32 $0x1, v1;
	v7 =	vshrl.u32 v5, $0x10;
	v0 =	vor.u32 v0, v4;
	(pc) =	sbr.rel @p1 .LBB2_16-.Ltmp7, $4  }
0x1df: {  	v2 =	vand.u32 $0x1, v2;
	v3 =	vand.u32 $0x1, v3;
	v4 =	vshrl.u32 v12, $0x10;
	[tilespmem:s28+$0x10430] =	vst v0  }
0x1e0: {  	v6 =	vand.u32 $0x1, v6;
	v7 =	vand.u32 $0x1, v7;
	v13 =	vand.u32 $0x1, v4  }
0x1e1: {  	s31 =	sshra.s32 s2, $0x2;
	v1 =	vadd.s32 v1, v8;
	v2 =	vadd.s32 v2, v9;
	v3 =	vadd.s32 v3, v10  }
0x1e2: {  	s2 =	sadd.s32 $0x200, s2;
	v4 =	vadd.s32 v6, v11;
	v5 =	vadd.s32 v7, v5;
	v6 =	vadd.s32 v13, v12;
	v0 =	vld [tilespmem:s31+$0x4460]  }
0x1e3: {  	v7 =	vld [tilespmem:s31+$0x4470]  }
0x1e4: {  	v8 =	vld [tilespmem:s31+$0x4400]  }
0x1e5: {  	v1 =	vadd.s32 $0x7FFF, v1;
	v9 =	vld [tilespmem:s31+$0x4410]  }
0x1e6: {  	v2 =	vadd.s32 $0x7FFF, v2;
	v3 =	vadd.s32 $0x7FFF, v3;
	v4 =	vadd.s32 $0x7FFF, v4;
	v10 =	vld [tilespmem:s31+$0x4420]  }
0x1e7: {  	v5 =	vadd.s32 $0x7FFF, v5;
	v6 =	vadd.s32 $0x7FFF, v6;
	v11 =	vld [tilespmem:s31+$0x4430];
	v1 =	vshrl.u32 v1, $0x10  }
0x1e8: {  	v44 =	vld [tilespmem:s31+$0x4440];
	v2 =	vand.u32 $0xFFFF0000, v2;
	v3 =	vshrl.u32 v3, $0x10;
	v4 =	vand.u32 $0xFFFF0000, v4  }
0x1e9: {  	v5 =	vshrl.u32 v5, $0x10;
	v6 =	vand.u32 $0xFFFF0000, v6;
	v1 =	vor.u32 v1, v2  }
0x1ea: {  	v43 =	vor.u32 v3, v4;
	v5 =	vor.u32 v5, v6;
	v45 =	vshrl.u32 v0, $0x10  }
0x1eb: {  	v12 =	vshrl.u32 v7, $0x10;
	v46 =	vand.u32 $0x1, v45;
	v48 =	vshrl.u32 v8, $0x10  }
0x1ec: {  	v52 =	vshrl.u32 v9, $0x10;
	v53 =	vshrl.u32 v10, $0x10;
	v54 =	vshrl.u32 v11, $0x10  }
0x1ed: {  	[tilespmem:s28+$0x10400] =	vst v1;
	v55 =	vshrl.u32 v44, $0x10;
	v47 =	vand.u32 $0x1, v12;
	v50 =	vadd.s32 v46, v0  }
0x1ee: {  	v49 =	vld [tilespmem:s31+$0x4450];
	v6 =	vand.u32 $0x1, v48;
	v4 =	vand.u32 $0x1, v52;
	v51 =	vadd.s32 v47, v7  }
0x1ef: {  	v0 =	vadd.s32 $0x7FFF, v50;
	v6 =	vadd.s32 v6, v8;
	v7 =	vand.u32 $0x1, v53  }
0x1f0: {  	v4 =	vadd.s32 v4, v9;
	v8 =	vand.u32 $0x1, v55;
	v1 =	vadd.s32 $0x7FFF, v51  }
0x1f1: {  	v0 =	vshrl.u32 v0, $0x10;
	v7 =	vadd.s32 v7, v10;
	v3 =	vadd.s32 v8, v44  }
0x1f2: {  	v6 =	vadd.s32 $0x7FFF, v6;
	v4 =	vadd.s32 $0x7FFF, v4;
	v1 =	vand.u32 $0xFFFF0000, v1  }
0x1f3: {  	v56 =	vshrl.u32 v49, $0x10;
	v58 =	vadd.s32 $0x7FFF, v7;
	v3 =	vadd.s32 $0x7FFF, v3  }
0x1f4: {  	v6 =	vshrl.u32 v6, $0x10;
	v0 =	vor.u32 v0, v1;
	v1 =	vand.u32 $0x1, v54  }
0x1f5: {  	[tilespmem:s28+$0x10410] =	vst v43;
	v4 =	vand.u32 $0xFFFF0000, v4;
	v9 =	vand.u32 $0x1, v56;
	v1 =	vadd.s32 v1, v11  }
0x1f6: {  	[tilespmem:s28+$0x10420] =	vst v5;
	v60 =	vshrl.u32 v58, $0x10;
	v57 =	vadd.s32 v9, v49;
	v1 =	vadd.s32 $0x7FFF, v1  }
0x1f7: {  	v61 =	vor.u32 v6, v4;
	[tilespmem:s31+$0x10430] =	vst v0;
	v59 =	vadd.s32 $0x7FFF, v57;
	v1 =	vand.u32 $0xFFFF0000, v1  }
0x1f8: {  	v3 =	vshrl.u32 v3, $0x10;
	[tilespmem:s31+$0x10400] =	vst v61;
	v62 =	vand.u32 $0xFFFF0000, v59;
	v0 =	vor.u32 v60, v1  }
0x1f9: {  	v63 =	vor.u32 v3, v62;
	[tilespmem:s31+$0x10410] =	vst v0  }
0x1fa: {  	[tilespmem:s31+$0x10420] =	vst v63  }
0x1fb: {  	[hbm4b:s14+s4] =	stream.linear.scatter [tilespmem:s26], [sflag:$0x5], $0x4000, $0x38;
	[tilespmem:$0x18C80] =	vst v63  }
0x1fc: {  	_ =	swait.ge [sflag:s20], $0x4000  }
0x1fd: {  	[sflag:s20] =	ssyncset.done $0x0  }
0x1fe: {  	[sflag:s20] =	ssyncadd.s32 $0xFFFFC000  }
0x1ff: {  	_ =	swait.ge [sflag:s0], $0x4000  }
0x200: {  	[sflag:s0] =	ssyncset.done $0x0  }
0x201: {  	[sflag:s0] =	ssyncadd.s32 $0xFFFFC000  }
0x202: {  	_ =	swait.ge [sflag:s1], $0x4000  }
0x203: {  	[sflag:s1] =	ssyncset.done $0x0  }
0x204: {  	s2 =	simm.s32 @!p0 $0x0;
	[sflag:s1] =	ssyncadd.s32 $0xFFFFC000  }
0x205: {  	s28 =	simm.s32 @!p0 $0x18400;
	s31 =	simm.s32 @!p0 $0x8;
	s3 =	rddreg [dreg:$0x2]  }
0x206: {  	[tilespmem:s28], [sflag:$0x8] =	stream.linear.gather @!p0 [hbm4b:s3+s2], $0x80, $0x38;
	[tilespmem:$0x18C80] =	vst v63  }
0x207: {  	_ =	swait.ge @!p0 [sflag:s31], $0x80  }
0x208: {  	[sflag:s31] =	ssyncset.done @!p0 $0x0  }
0x209: {  	s21 =	simm.s32 @!p0 $0x18480;
	s3 =	simm.s32 @!p0 $0x10;
	[sflag:s31] =	ssyncadd.s32 @!p0 $0xFFFFFF80  }
0x20a: {  	[tilespmem:s21], [sflag:$0x7] =	stream.indirect.gather @!p0 [hbm4b:s5+s3], $0x80, s28, s3, $0xb8;
	[tilespmem:$0x18C80] =	vst v63  }
0x20b: {  	s3 =	simm.s32 @!p0 $0x7  }
0x20c: {  	_ =	swait.ge @!p0 [sflag:s3], $0x800  }
0x20d: {  	s24 =	sadd.s32 $0x1, s24;
	[sflag:s3] =	ssyncset.done @!p0 $0x0  }
0x20e: {  	p1 =	sne.s32 s24, s15;
	[sflag:s3] =	ssyncadd.s32 @!p0 $0xFFFFF800  }
.Ltmp8:
0x20f: {  	s3 =	rddreg [dreg:$0x3];
	(pc) =	sbr.rel @p1 .LBB2_1-.Ltmp8, $4  }
0x210: {  	[hbm4b:s3+s2] =	stream.linear.scatter @!p0 [tilespmem:s21], [sflag:$0x8], $0x800, $0x38;
	[tilespmem:$0x18C80] =	vst v63  }
0x211: {  	_ =	swait.ge @!p0 [sflag:s31], $0x800  }
0x212: {  	[sflag:s31] =	ssyncset.done @!p0 $0x0  }
0x213: {  	s21 =	simm.s32 $0x8400;
	[sflag:s31] =	ssyncadd.s32 @!p0 $0xFFFFF800  }
0x214: {  	_ =	sfence.sel $0x180000  }
0x215: {  	[bflag:$0x0] =	sbarrier.arrive $0xFFFF  }
0x216: {  	_ =	strace $0x90000047  }
0x217: {  	s0 =	stileid.u32;
	[bflag:$0x2] =	sbarrier.arrive $0xFFFF  }
0x218: {  	p0 =	sne.s32 s0, $0x0;
	s0 =	rddreg [dreg:$0x4]  }
0x219: {  	s0 =	sadd.s32 @!p0 $0x100000, s0  }
0x21a: {  	[sflag:s0] =	ssyncadd.tile.s32 @!p0 $0x1;
	_ =	shalt  }
.Lfunc_end2:
_tile_overlayer_lowered:
.L_overlay_start_2:
0x21b: {  	(tag) =	ssettag $0x2  }
0x21c: {  	s0 =	rddreg [dreg:$0x0];
	s2 =	stileid.u32  }
0x21d: {  	s1 =	rddreg [dreg:$0x1];
	p0 =	sne.s32 s2, $0x0  }
0x21e: {  	s3 =	rddreg [dreg:$0x2];
	[bflag:$0x3] =	sbarrier.arrive $0xFFFF;
	s2 =	simm.s32 @!p0 $0x1C08  }
0x21f: {  	[timem:s3], [sflag:s2] =	dma.local @!p0 [hbm:s0], s1  }
0x220: {  	s0 =	simm.s32 @!p0 $0x8  }
0x221: {  	_ =	swait.ge @!p0 [sflag:s0], s1  }
0x222: {  	s1 =	ssub.s32 @!p0 $0x0, s1;
	[sflag:s0] =	ssyncset.done @!p0 $0x0  }
0x223: {  	[sflag:s0] =	ssyncadd.s32 @!p0 s1  }
0x224: {  	[bflag:$0x3] =	sbarrier.arrive $0xFFFF  }
0x225: {  	_ =	shalt  }

</sc_bundles>
